<compile_context>
chip_gen: v7x
topology: tpu7x:2x2x1
jax: 0.10.2.dev20260603
libtpu: 0.0.44.dev20260713+nightly
codegen_flags: <defaults>
</compile_context>

<pallas_src>
import jax
import jax.numpy as jnp
from jax import lax
from jax.experimental import pallas as pl
from jax.experimental.pallas import tpu as pltpu
from jax.experimental.pallas import tpu_sc as plsc

_NCORES = 2
_NSUB = 16
_NW = _NCORES * _NSUB
_WIN = 128
_HW = 64
_GRAPHS = 16


def _sc_mesh():
    return plsc.VectorSubcoreMesh(core_axis_name="c", subcore_axis_name="s")



_CHUNK = 8


def _make_deg_kernel(n_pad, windows):
    rps = n_pad // _NSUB
    nchunks = windows // _CHUNK

    def body(dst_hbm, ones_hbm, zeros_hbm, out_hbm, dstv, onesv, acc_sh):
        cid = lax.axis_index("c")
        sid = lax.axis_index("s")
        wid = sid * _NCORES + cid
        pltpu.sync_copy(zeros_hbm.at[pl.ds(sid * rps, rps)],
                        acc_sh.at[pl.ds(sid * rps, rps)])
        pltpu.sync_copy(ones_hbm, onesv)
        plsc.subcore_barrier()

        @pl.loop(0, nchunks)
        def _(c):
            pltpu.sync_copy(dst_hbm.at[wid, pl.ds(c * _CHUNK, _CHUNK)], dstv)
            for j in range(_CHUNK):
                pltpu.sync_copy(onesv, acc_sh.at[dstv.at[j]], add=True)

        plsc.subcore_barrier()
        pltpu.sync_copy(acc_sh.at[pl.ds(sid * rps, rps)],
                        out_hbm.at[cid, pl.ds(sid * rps, rps)])

    return pl.kernel(
        body,
        out_type=jax.ShapeDtypeStruct((_NCORES, n_pad, 128), jnp.float32),
        mesh=_sc_mesh(),
        scratch_types=[
            pltpu.VMEM((_CHUNK, _WIN), jnp.int32),
            pltpu.VMEM((_WIN, 128), jnp.float32),
            pltpu.VMEM_SHARED((n_pad, 128), jnp.float32),
        ],
    )


def _make_edge_kernel(n_pad, windows, d):
    rps = n_pad // _NSUB
    nchunks = windows // _CHUNK

    def body(g_hbm, src_hbm, dst_hbm, zeros_hbm, out_hbm,
             srcv, dstv, rows_a, rows_b, acc_sh, sem_a, sem_b):
        cid = lax.axis_index("c")
        sid = lax.axis_index("s")
        wid = sid * _NCORES + cid
        pltpu.sync_copy(zeros_hbm.at[pl.ds(sid * rps, rps)],
                        acc_sh.at[pl.ds(sid * rps, rps)])
        plsc.subcore_barrier()

        rows = (rows_a, rows_b)
        sems = (sem_a, sem_b)

        @pl.loop(0, nchunks)
        def _(c):
            pltpu.sync_copy(src_hbm.at[wid, pl.ds(c * _CHUNK, _CHUNK)], srcv)
            pltpu.sync_copy(dst_hbm.at[wid, pl.ds(c * _CHUNK, _CHUNK)], dstv)
            pltpu.async_copy(g_hbm.at[srcv.at[0]], rows[0], sems[0])
            for j in range(_CHUNK):
                if j + 1 < _CHUNK:
                    pltpu.async_copy(g_hbm.at[srcv.at[j + 1]],
                                     rows[(j + 1) % 2], sems[(j + 1) % 2])
                pltpu.make_async_copy(g_hbm.at[srcv.at[j]],
                                      rows[j % 2], sems[j % 2]).wait()
                pltpu.sync_copy(rows[j % 2], acc_sh.at[dstv.at[j]], add=True)

        plsc.subcore_barrier()
        pltpu.sync_copy(acc_sh.at[pl.ds(sid * rps, rps)],
                        out_hbm.at[cid, pl.ds(sid * rps, rps)])

    return pl.kernel(
        body,
        out_type=jax.ShapeDtypeStruct((_NCORES, n_pad, d), jnp.float32),
        mesh=_sc_mesh(),
        scratch_types=[
            pltpu.VMEM((_CHUNK, _WIN), jnp.int32),
            pltpu.VMEM((_CHUNK, _WIN), jnp.int32),
            pltpu.VMEM((_WIN, d), jnp.float32),
            pltpu.VMEM((_WIN, d), jnp.float32),
            pltpu.VMEM_SHARED((n_pad, d), jnp.float32),
            pltpu.SemaphoreType.DMA,
            pltpu.SemaphoreType.DMA,
        ],
    )



def _dense0_body(x_ref, w_ref, o_ref):
    o_ref[...] = jnp.dot(x_ref[...], w_ref[...],
                         preferred_element_type=jnp.float32)


def _dense0(xp, w):
    return pl.pallas_call(
        _dense0_body,
        out_shape=jax.ShapeDtypeStruct(xp.shape, jnp.float32),
    )(xp, w)


def _prep(deg_parts, hw, n):
    n_pad, d = hw.shape

    def body(dp_ref, hw_ref, dinv_ref, g_ref):
        rows = lax.broadcasted_iota(jnp.int32, (n_pad, 1), 0)
        real = rows < n
        dp = dp_ref[...]
        deg = dp[0, :, :1] + dp[1, :, :1] + jnp.where(real, 1.0, 0.0)
        dinv = jnp.where(real, lax.rsqrt(jnp.maximum(deg, 1e-12)), 0.0)
        dinv_ref[...] = dinv
        g_ref[...] = hw_ref[...] * dinv

    return pl.pallas_call(
        body,
        out_shape=[jax.ShapeDtypeStruct((n_pad, 1), jnp.float32),
                   jax.ShapeDtypeStruct((n_pad, d), jnp.float32)],
    )(deg_parts, hw)


def _combine(p0, p1, g, dinv, b, w_next):
    n_pad, d = g.shape

    def body(p0_ref, p1_ref, g_ref, dinv_ref, b_ref, w_ref, o_ref):
        acc = p0_ref[...] + p1_ref[...] + g_ref[...]
        dinv = dinv_ref[...]
        h = jnp.maximum(dinv * acc + b_ref[...], 0.0)
        o_ref[...] = dinv * jnp.dot(h, w_ref[...],
                                    preferred_element_type=jnp.float32)

    return pl.pallas_call(
        body,
        out_shape=jax.ShapeDtypeStruct((n_pad, d), jnp.float32),
    )(p0, p1, g, dinv, b, w_next)


def _final(p0, p1, g, dinv, b, batchp, l1w, l1b, l2w, l2b):
    n_pad, d = g.shape
    out_d = l2w.shape[1]

    def body(p0_ref, p1_ref, g_ref, dinv_ref, b_ref, bat_ref,
             l1w_ref, l1b_ref, l2w_ref, l2b_ref, o_ref):
        acc = p0_ref[...] + p1_ref[...] + g_ref[...]
        h = jnp.maximum(dinv_ref[...] * acc + b_ref[...], 0.0)
        gid = lax.broadcasted_iota(jnp.int32, (_GRAPHS, n_pad), 0)
        oh = (bat_ref[...] == gid).astype(jnp.float32)
        sums = jnp.dot(oh, h, preferred_element_type=jnp.float32)
        cnt = jnp.sum(oh, axis=1, keepdims=True)
        pooled = sums / jnp.maximum(cnt, 1.0)
        a1 = jnp.maximum(jnp.dot(pooled, l1w_ref[...],
                                 preferred_element_type=jnp.float32)
                         + l1b_ref[...], 0.0)
        o_ref[...] = jnp.dot(a1, l2w_ref[...],
                             preferred_element_type=jnp.float32) + l2b_ref[...]

    return pl.pallas_call(
        body,
        out_shape=jax.ShapeDtypeStruct((_GRAPHS, out_d), jnp.float32),
    )(p0, p1, g, dinv, b, batchp, l1w, l1b, l2w, l2b)



def kernel(x, edge_index, batch, W0, b0, W1, b1, W2, b2, L1_W, L1_b, L2_W, L2_b):
    n, d = x.shape
    e = edge_index.shape[1]
    n_pad = -(-(n + 1) // 2048) * 2048

    xp = jnp.pad(x, ((0, n_pad - n), (0, 0)))
    block = _NW * _WIN
    w = -(-e // block)
    w = -(-w // _CHUNK) * _CHUNK
    fill = jnp.full((w * block - e,), n, jnp.int32)
    srcp = jnp.concatenate([edge_index[0], fill]).reshape(_NW, w, _WIN)
    dstp = jnp.concatenate([edge_index[1], fill]).reshape(_NW, w, _WIN)
    batchp = jnp.concatenate(
        [batch, jnp.full((n_pad - n,), _GRAPHS, jnp.int32)]).reshape(1, n_pad)

    ones_deg = jnp.ones((_WIN, 128), jnp.float32)
    zeros_rows = jnp.zeros((n_pad, d), jnp.float32)
    b0r, b1r, b2r = b0.reshape(1, -1), b1.reshape(1, -1), b2.reshape(1, -1)
    l1br, l2br = L1_b.reshape(1, -1), L2_b.reshape(1, -1)

    deg_parts = _make_deg_kernel(n_pad, w)(dstp, ones_deg, zeros_rows)
    hw0 = _dense0(xp, W0)
    dinv, g = _prep(deg_parts, hw0, n)

    edge_k = _make_edge_kernel(n_pad, w, d)
    p = edge_k(g, srcp, dstp, zeros_rows)
    g = _combine(p[0], p[1], g, dinv, b0r, W1)
    p = edge_k(g, srcp, dstp, zeros_rows)
    g = _combine(p[0], p[1], g, dinv, b1r, W2)
    p = edge_k(g, srcp, dstp, zeros_rows)
    return _final(p[0], p[1], g, dinv, b2r, batchp, L1_W, l1br, L2_W, l2br)

# --- scband reference (transcript-rebuilt; emitter-appended) ---
"""Pipeline reference for scband-gcn-87995289960573 (READ-ONLY COPY).

The authoritative reference and input builder live on the scoring server;
editing this copy changes nothing except your own understanding.
"""

import jax, jax.numpy as jnp
import numpy as np

N = 10000
E = 320000
D = 128
NUM_GRAPHS = 16


def setup_inputs(seed: int = 0) -> dict:
    key = jax.random.key(seed)
    ks = jax.random.split(key, 16)
    x = jax.random.normal(ks[0], (N, D), dtype=jnp.float32)
    edge_index = jax.random.randint(ks[1], (2, E), 0, N, dtype=jnp.int32)
    batch = jnp.sort(jax.random.randint(ks[2], (N,), 0, NUM_GRAPHS, dtype=jnp.int32))
    s = 0.05
    W0 = jax.random.normal(ks[3], (D, D), dtype=jnp.float32) * s
    b0 = jnp.zeros((D,), dtype=jnp.float32)
    W1 = jax.random.normal(ks[4], (D, D), dtype=jnp.float32) * s
    b1 = jnp.zeros((D,), dtype=jnp.float32)
    W2 = jax.random.normal(ks[5], (D, D), dtype=jnp.float32) * s
    b2 = jnp.zeros((D,), dtype=jnp.float32)
    L1_W = jax.random.normal(ks[6], (D, 256), dtype=jnp.float32) * s
    L1_b = jnp.zeros((256,), dtype=jnp.float32)
    L2_W = jax.random.normal(ks[7], (256, 7), dtype=jnp.float32) * s
    L2_b = jnp.zeros((7,), dtype=jnp.float32)
    return {"x": x, "edge_index": edge_index, "batch": batch,
            "W0": W0, "b0": b0, "W1": W1, "b1": b1, "W2": W2, "b2": b2,
            "L1_W": L1_W, "L1_b": L1_b, "L2_W": L2_W, "L2_b": L2_b}


def reference(x, edge_index, batch, W0, b0, W1, b1, W2, b2, L1_W, L1_b, L2_W, L2_b):
    n = x.shape[0]
    # GCNConv: add self-loops, symmetric normalization D^-1/2 (A+I) D^-1/2
    loop = jnp.arange(n, dtype=edge_index.dtype)
    src = jnp.concatenate([edge_index[0], loop])
    dst = jnp.concatenate([edge_index[1], loop])
    deg = jnp.zeros((n,), jnp.float32).at[dst].add(1.0)
    dinv = jnp.where(deg > 0, jax.lax.rsqrt(jnp.maximum(deg, 1e-12)), 0.0)
    norm = dinv[src] * dinv[dst]

    def conv(h, W, b):
        h = h @ W
        msg = h[src] * norm[:, None]
        agg = jnp.zeros_like(h).at[dst].add(msg)
        return agg + b

    h = jax.nn.relu(conv(x, W0, b0))
    h = jax.nn.relu(conv(h, W1, b1))
    h = jax.nn.relu(conv(h, W2, b2))
    # global_mean_pool over batch ids (dropout is identity in eval mode)
    sums = jax.ops.segment_sum(h, batch, num_segments=NUM_GRAPHS)
    cnt = jax.ops.segment_sum(jnp.ones((n, 1), jnp.float32), batch, num_segments=NUM_GRAPHS)
    pooled = sums / jnp.maximum(cnt, 1.0)
    h = jax.nn.relu(pooled @ L1_W + L1_b)
    return h @ L2_W + L2_b

if __name__ == "__main__":
    import jax
    _d = setup_inputs()
    print(jax.jit(kernel)(*tuple(_d.values())))

</pallas_src>

<mosaic_0001>
#map = affine_map<(d0, d1) -> (0, 0)>
#map1 = affine_map<(d0, d1) -> (0, 0, 0)>
module attributes {stable_mosaic.version = 14 : i64} {
  func.func @body(%arg0: i32, %arg1: i32, %arg2: memref<10240x128xf32, #tpu.memory_space<hbm>>, %arg3: memref<32x80x128xi32, #tpu.memory_space<hbm>>, %arg4: memref<32x80x128xi32, #tpu.memory_space<hbm>>, %arg5: memref<10240x128xf32, #tpu.memory_space<hbm>>, %arg6: memref<2x10240x128xf32, #tpu.memory_space<hbm>>, %arg7: memref<8x128xi32, #tpu.memory_space<vmem>>, %arg8: memref<8x128xi32, #tpu.memory_space<vmem>>, %arg9: memref<128x128xf32, #tpu.memory_space<vmem>>, %arg10: memref<128x128xf32, #tpu.memory_space<vmem>>, %arg11: memref<10240x128xf32, #tpu.memory_space<vmem_shared>>, %arg12: memref<!tpu.dma_semaphore, #tpu.memory_space<semaphore_mem>>, %arg13: memref<!tpu.dma_semaphore, #tpu.memory_space<semaphore_mem>>) attributes {dimension_semantics = [#tpu.dimension_semantics<core_parallel>, #tpu.dimension_semantics<subcore_parallel>], iteration_bounds = array<i64: 2, 16>, scalar_prefetch = 0 : i64, scratch_operands = 7 : i64, tpu.core_type = #tpu.core_type<sc_vector_subcore>, window_params = [{transform_indices = #map}, {transform_indices = #map1}, {transform_indices = #map1}, {transform_indices = #map}, {transform_indices = #map1}]} {
    %mul3A = arith.constant 2 : i32
    %mul3A_0 = arith.muli %arg1, %mul3A : i32
    %add3A = arith.addi %mul3A_0, %arg0 : i32
    %mul3A_1 = arith.constant 640 : i32
    %mul3A_2 = arith.muli %arg1, %mul3A_1 : i32
    %mul3A_3 = arith.constant 640 : i32
    %mul3A_4 = arith.muli %arg1, %mul3A_3 : i32
    "tpu.region"() ({
      %run_scoped3A = tpu.sem_alloc : memref<!tpu.dma_semaphore, #tpu.memory_space<semaphore_mem>>
      %dma_start3A = arith.constant 0 : i32
      %dma_start3A_14 = tpu.memref_slice %arg11[%mul3A_4, %dma_start3A] : memref<10240x128xf32, #tpu.memory_space<vmem_shared>> -> memref<640x128xf32, #tpu.memory_space<vmem_shared>>
      %dma_start3A_15 = arith.constant 0 : i32
      %dma_start3A_16 = tpu.memref_slice %arg5[%mul3A_2, %dma_start3A_15] : memref<10240x128xf32, #tpu.memory_space<hbm>> -> memref<640x128xf32, #tpu.memory_space<hbm>>
      tpu.enqueue_dma source(%dma_start3A_16 : memref<640x128xf32, #tpu.memory_space<hbm>>) target(%dma_start3A_14 : memref<640x128xf32, #tpu.memory_space<vmem_shared>>) target_semaphore(%run_scoped3A : memref<!tpu.dma_semaphore, #tpu.memory_space<semaphore_mem>>)
      %dma_wait3A = arith.constant 0 : i32
      %dma_wait3A_17 = tpu.memref_slice %arg11[%mul3A_4, %dma_wait3A] : memref<10240x128xf32, #tpu.memory_space<vmem_shared>> -> memref<640x128xf32, #tpu.memory_space<vmem_shared>>
      %dma_wait3A_18 = arith.constant 0 : i32
      %dma_wait3A_19 = tpu.memref_slice %arg5[%mul3A_2, %dma_wait3A_18] : memref<10240x128xf32, #tpu.memory_space<hbm>> -> memref<640x128xf32, #tpu.memory_space<hbm>>
      tpu.wait_dma2 semaphore(%run_scoped3A : memref<!tpu.dma_semaphore, #tpu.memory_space<semaphore_mem>>) src(%dma_wait3A_19 : memref<640x128xf32, #tpu.memory_space<hbm>>) dst(%dma_wait3A_17 : memref<640x128xf32, #tpu.memory_space<vmem_shared>>)
      tpu.yield
    }) : () -> ()
    %barrier3A = arith.constant 0 : index
    tpu.barrier barrier_id(%barrier3A)
    %scan3A = arith.constant 0 : i32
    %scan3A_5 = arith.constant 10 : i32
    %scan3A_6 = arith.addi %scan3A, %scan3A_5 : i32
    %scan3A_7 = arith.constant 1 : i32
    scf.for %scan3A_14 = %scan3A to %scan3A_6 step %scan3A_7  : i32 {
      %mul3A_15 = arith.constant 1 : i32
      %mul3A_16 = arith.muli %scan3A_14, %mul3A_15 : i32
      %add3A_17 = arith.constant 0 : i32
      %add3A_18 = arith.addi %add3A_17, %mul3A_16 : i32
      %mul3A_19 = arith.constant 8 : i32
      %mul3A_20 = arith.muli %add3A_18, %mul3A_19 : i32
      "tpu.region"() ({
        %run_scoped3A_140 = tpu.sem_alloc : memref<!tpu.dma_semaphore, #tpu.memory_space<semaphore_mem>>
        %dma_start3A_141 = arith.constant 0 : i32
        %dma_start3A_142 = tpu.memref_slice %arg3[%add3A, %mul3A_20, %dma_start3A_141] : memref<32x80x128xi32, #tpu.memory_space<hbm>> -> memref<1x8x128xi32, #tpu.memory_space<hbm>>
        %dma_start3A_143 = tpu.memref_squeeze %dma_start3A_142 : memref<1x8x128xi32, #tpu.memory_space<hbm>> -> memref<8x128xi32, #tpu.memory_space<hbm>>
        %dma_start3A_144 = arith.constant 0 : i32
        %dma_start3A_145 = tpu.memref_slice %arg3[%add3A, %mul3A_20, %dma_start3A_144] : memref<32x80x128xi32, #tpu.memory_space<hbm>> -> memref<1x8x128xi32, #tpu.memory_space<hbm>>
        %dma_start3A_146 = tpu.memref_squeeze %dma_start3A_145 : memref<1x8x128xi32, #tpu.memory_space<hbm>> -> memref<8x128xi32, #tpu.memory_space<hbm>>
        tpu.enqueue_dma source(%dma_start3A_146 : memref<8x128xi32, #tpu.memory_space<hbm>>) target(%arg7 : memref<8x128xi32, #tpu.memory_space<vmem>>) target_semaphore(%run_scoped3A_140 : memref<!tpu.dma_semaphore, #tpu.memory_space<semaphore_mem>>)
        %dma_wait3A_147 = arith.constant 0 : i32
        %dma_wait3A_148 = tpu.memref_slice %arg3[%add3A, %mul3A_20, %dma_wait3A_147] : memref<32x80x128xi32, #tpu.memory_space<hbm>> -> memref<1x8x128xi32, #tpu.memory_space<hbm>>
        %dma_wait3A_149 = tpu.memref_squeeze %dma_wait3A_148 : memref<1x8x128xi32, #tpu.memory_space<hbm>> -> memref<8x128xi32, #tpu.memory_space<hbm>>
        %dma_wait3A_150 = arith.constant 0 : i32
        %dma_wait3A_151 = tpu.memref_slice %arg3[%add3A, %mul3A_20, %dma_wait3A_150] : memref<32x80x128xi32, #tpu.memory_space<hbm>> -> memref<1x8x128xi32, #tpu.memory_space<hbm>>
        %dma_wait3A_152 = tpu.memref_squeeze %dma_wait3A_151 : memref<1x8x128xi32, #tpu.memory_space<hbm>> -> memref<8x128xi32, #tpu.memory_space<hbm>>
        tpu.wait_dma2 semaphore(%run_scoped3A_140 : memref<!tpu.dma_semaphore, #tpu.memory_space<semaphore_mem>>) src(%dma_wait3A_152 : memref<8x128xi32, #tpu.memory_space<hbm>>) dst(%arg7 : memref<8x128xi32, #tpu.memory_space<vmem>>)
        tpu.yield
      }) : () -> ()
      %mul3A_21 = arith.constant 8 : i32
      %mul3A_22 = arith.muli %add3A_18, %mul3A_21 : i32
      "tpu.region"() ({
        %run_scoped3A_140 = tpu.sem_alloc : memref<!tpu.dma_semaphore, #tpu.memory_space<semaphore_mem>>
        %dma_start3A_141 = arith.constant 0 : i32
        %dma_start3A_142 = tpu.memref_slice %arg4[%add3A, %mul3A_22, %dma_start3A_141] : memref<32x80x128xi32, #tpu.memory_space<hbm>> -> memref<1x8x128xi32, #tpu.memory_space<hbm>>
        %dma_start3A_143 = tpu.memref_squeeze %dma_start3A_142 : memref<1x8x128xi32, #tpu.memory_space<hbm>> -> memref<8x128xi32, #tpu.memory_space<hbm>>
        %dma_start3A_144 = arith.constant 0 : i32
        %dma_start3A_145 = tpu.memref_slice %arg4[%add3A, %mul3A_22, %dma_start3A_144] : memref<32x80x128xi32, #tpu.memory_space<hbm>> -> memref<1x8x128xi32, #tpu.memory_space<hbm>>
        %dma_start3A_146 = tpu.memref_squeeze %dma_start3A_145 : memref<1x8x128xi32, #tpu.memory_space<hbm>> -> memref<8x128xi32, #tpu.memory_space<hbm>>
        tpu.enqueue_dma source(%dma_start3A_146 : memref<8x128xi32, #tpu.memory_space<hbm>>) target(%arg8 : memref<8x128xi32, #tpu.memory_space<vmem>>) target_semaphore(%run_scoped3A_140 : memref<!tpu.dma_semaphore, #tpu.memory_space<semaphore_mem>>)
        %dma_wait3A_147 = arith.constant 0 : i32
        %dma_wait3A_148 = tpu.memref_slice %arg4[%add3A, %mul3A_22, %dma_wait3A_147] : memref<32x80x128xi32, #tpu.memory_space<hbm>> -> memref<1x8x128xi32, #tpu.memory_space<hbm>>
        %dma_wait3A_149 = tpu.memref_squeeze %dma_wait3A_148 : memref<1x8x128xi32, #tpu.memory_space<hbm>> -> memref<8x128xi32, #tpu.memory_space<hbm>>
        %dma_wait3A_150 = arith.constant 0 : i32
        %dma_wait3A_151 = tpu.memref_slice %arg4[%add3A, %mul3A_22, %dma_wait3A_150] : memref<32x80x128xi32, #tpu.memory_space<hbm>> -> memref<1x8x128xi32, #tpu.memory_space<hbm>>
        %dma_wait3A_152 = tpu.memref_squeeze %dma_wait3A_151 : memref<1x8x128xi32, #tpu.memory_space<hbm>> -> memref<8x128xi32, #tpu.memory_space<hbm>>
        tpu.wait_dma2 semaphore(%run_scoped3A_140 : memref<!tpu.dma_semaphore, #tpu.memory_space<semaphore_mem>>) src(%dma_wait3A_152 : memref<8x128xi32, #tpu.memory_space<hbm>>) dst(%arg8 : memref<8x128xi32, #tpu.memory_space<vmem>>)
        tpu.yield
      }) : () -> ()
      %dma_start3A = arith.constant 0 : i32
      %dma_start3A_23 = arith.constant 0 : i32
      %dma_start3A_24 = tpu.memref_slice %arg7[%dma_start3A, %dma_start3A_23] : memref<8x128xi32, #tpu.memory_space<vmem>> -> memref<1x128xi32, #tpu.memory_space<vmem>>
      %dma_start3A_25 = tpu.memref_squeeze %dma_start3A_24 : memref<1x128xi32, #tpu.memory_space<vmem>> -> memref<128xi32, #tpu.memory_space<vmem>>
      %dma_start3A_26 = arith.constant 0 : i32
      %dma_start3A_27 = arith.constant 0 : i32
      %dma_start3A_28 = tpu.memref_slice %arg2[%dma_start3A_26, %dma_start3A_27] : memref<10240x128xf32, #tpu.memory_space<hbm>> -> memref<10240x128xf32, #tpu.memory_space<hbm>>
      tpu.enqueue_indirect_dma source(%dma_start3A_28 : memref<10240x128xf32, #tpu.memory_space<hbm>>) target(%arg9 : memref<128x128xf32, #tpu.memory_space<vmem>>) offsets(%dma_start3A_25 : memref<128xi32, #tpu.memory_space<vmem>>) semaphore(%arg12 : memref<!tpu.dma_semaphore, #tpu.memory_space<semaphore_mem>>)
      %dma_start3A_29 = arith.constant 1 : i32
      %dma_start3A_30 = arith.constant 0 : i32
      %dma_start3A_31 = tpu.memref_slice %arg7[%dma_start3A_29, %dma_start3A_30] : memref<8x128xi32, #tpu.memory_space<vmem>> -> memref<1x128xi32, #tpu.memory_space<vmem>>
      %dma_start3A_32 = tpu.memref_squeeze %dma_start3A_31 : memref<1x128xi32, #tpu.memory_space<vmem>> -> memref<128xi32, #tpu.memory_space<vmem>>
      %dma_start3A_33 = arith.constant 0 : i32
      %dma_start3A_34 = arith.constant 0 : i32
      %dma_start3A_35 = tpu.memref_slice %arg2[%dma_start3A_33, %dma_start3A_34] : memref<10240x128xf32, #tpu.memory_space<hbm>> -> memref<10240x128xf32, #tpu.memory_space<hbm>>
      tpu.enqueue_indirect_dma source(%dma_start3A_35 : memref<10240x128xf32, #tpu.memory_space<hbm>>) target(%arg10 : memref<128x128xf32, #tpu.memory_space<vmem>>) offsets(%dma_start3A_32 : memref<128xi32, #tpu.memory_space<vmem>>) semaphore(%arg13 : memref<!tpu.dma_semaphore, #tpu.memory_space<semaphore_mem>>)
      %dma_wait3A = arith.constant 0 : i32
      %dma_wait3A_36 = arith.constant 0 : i32
      %dma_wait3A_37 = tpu.memref_slice %arg7[%dma_wait3A, %dma_wait3A_36] : memref<8x128xi32, #tpu.memory_space<vmem>> -> memref<1x128xi32, #tpu.memory_space<vmem>>
      %dma_wait3A_38 = tpu.memref_squeeze %dma_wait3A_37 : memref<1x128xi32, #tpu.memory_space<vmem>> -> memref<128xi32, #tpu.memory_space<vmem>>
      %dma_wait3A_39 = arith.constant 0 : i32
      %dma_wait3A_40 = arith.constant 0 : i32
      %dma_wait3A_41 = tpu.memref_slice %arg2[%dma_wait3A_39, %dma_wait3A_40] : memref<10240x128xf32, #tpu.memory_space<hbm>> -> memref<10240x128xf32, #tpu.memory_space<hbm>>
      tpu.wait_indirect_dma semaphore(%arg12 : memref<!tpu.dma_semaphore, #tpu.memory_space<semaphore_mem>>) src(%dma_wait3A_41 : memref<10240x128xf32, #tpu.memory_space<hbm>>) dst(%arg9 : memref<128x128xf32, #tpu.memory_space<vmem>>)
      %run_scoped3A = arith.constant 0 : i32
      "tpu.region"() ({
        %run_scoped3A_140 = tpu.sem_alloc : memref<!tpu.dma_semaphore, #tpu.memory_space<semaphore_mem>>
        %dma_start3A_141 = arith.constant 0 : i32
        %dma_start3A_142 = tpu.memref_slice %arg8[%run_scoped3A, %dma_start3A_141] : memref<8x128xi32, #tpu.memory_space<vmem>> -> memref<1x128xi32, #tpu.memory_space<vmem>>
        %dma_start3A_143 = tpu.memref_squeeze %dma_start3A_142 : memref<1x128xi32, #tpu.memory_space<vmem>> -> memref<128xi32, #tpu.memory_space<vmem>>
        %dma_start3A_144 = arith.constant 0 : i32
        %dma_start3A_145 = arith.constant 0 : i32
        %dma_start3A_146 = tpu.memref_slice %arg11[%dma_start3A_144, %dma_start3A_145] : memref<10240x128xf32, #tpu.memory_space<vmem_shared>> -> memref<10240x128xf32, #tpu.memory_space<vmem_shared>>
        tpu.enqueue_indirect_dma source(%arg9 : memref<128x128xf32, #tpu.memory_space<vmem>>) target(%dma_start3A_146 : memref<10240x128xf32, #tpu.memory_space<vmem_shared>>) offsets(%dma_start3A_143 : memref<128xi32, #tpu.memory_space<vmem>>) semaphore(%run_scoped3A_140 : memref<!tpu.dma_semaphore, #tpu.memory_space<semaphore_mem>>) {add = true}
        %dma_wait3A_147 = arith.constant 0 : i32
        %dma_wait3A_148 = tpu.memref_slice %arg8[%run_scoped3A, %dma_wait3A_147] : memref<8x128xi32, #tpu.memory_space<vmem>> -> memref<1x128xi32, #tpu.memory_space<vmem>>
        %dma_wait3A_149 = tpu.memref_squeeze %dma_wait3A_148 : memref<1x128xi32, #tpu.memory_space<vmem>> -> memref<128xi32, #tpu.memory_space<vmem>>
        %dma_wait3A_150 = arith.constant 0 : i32
        %dma_wait3A_151 = arith.constant 0 : i32
        %dma_wait3A_152 = tpu.memref_slice %arg11[%dma_wait3A_150, %dma_wait3A_151] : memref<10240x128xf32, #tpu.memory_space<vmem_shared>> -> memref<10240x128xf32, #tpu.memory_space<vmem_shared>>
        tpu.wait_indirect_dma semaphore(%run_scoped3A_140 : memref<!tpu.dma_semaphore, #tpu.memory_space<semaphore_mem>>) src(%arg9 : memref<128x128xf32, #tpu.memory_space<vmem>>) dst(%dma_wait3A_152 : memref<10240x128xf32, #tpu.memory_space<vmem_shared>>)
        tpu.yield
      }) : () -> ()
      %dma_start3A_42 = arith.constant 2 : i32
      %dma_start3A_43 = arith.constant 0 : i32
      %dma_start3A_44 = tpu.memref_slice %arg7[%dma_start3A_42, %dma_start3A_43] : memref<8x128xi32, #tpu.memory_space<vmem>> -> memref<1x128xi32, #tpu.memory_space<vmem>>
      %dma_start3A_45 = tpu.memref_squeeze %dma_start3A_44 : memref<1x128xi32, #tpu.memory_space<vmem>> -> memref<128xi32, #tpu.memory_space<vmem>>
      %dma_start3A_46 = arith.constant 0 : i32
      %dma_start3A_47 = arith.constant 0 : i32
      %dma_start3A_48 = tpu.memref_slice %arg2[%dma_start3A_46, %dma_start3A_47] : memref<10240x128xf32, #tpu.memory_space<hbm>> -> memref<10240x128xf32, #tpu.memory_space<hbm>>
      tpu.enqueue_indirect_dma source(%dma_start3A_48 : memref<10240x128xf32, #tpu.memory_space<hbm>>) target(%arg9 : memref<128x128xf32, #tpu.memory_space<vmem>>) offsets(%dma_start3A_45 : memref<128xi32, #tpu.memory_space<vmem>>) semaphore(%arg12 : memref<!tpu.dma_semaphore, #tpu.memory_space<semaphore_mem>>)
      %dma_wait3A_49 = arith.constant 1 : i32
      %dma_wait3A_50 = arith.constant 0 : i32
      %dma_wait3A_51 = tpu.memref_slice %arg7[%dma_wait3A_49, %dma_wait3A_50] : memref<8x128xi32, #tpu.memory_space<vmem>> -> memref<1x128xi32, #tpu.memory_space<vmem>>
      %dma_wait3A_52 = tpu.memref_squeeze %dma_wait3A_51 : memref<1x128xi32, #tpu.memory_space<vmem>> -> memref<128xi32, #tpu.memory_space<vmem>>
      %dma_wait3A_53 = arith.constant 0 : i32
      %dma_wait3A_54 = arith.constant 0 : i32
      %dma_wait3A_55 = tpu.memref_slice %arg2[%dma_wait3A_53, %dma_wait3A_54] : memref<10240x128xf32, #tpu.memory_space<hbm>> -> memref<10240x128xf32, #tpu.memory_space<hbm>>
      tpu.wait_indirect_dma semaphore(%arg13 : memref<!tpu.dma_semaphore, #tpu.memory_space<semaphore_mem>>) src(%dma_wait3A_55 : memref<10240x128xf32, #tpu.memory_space<hbm>>) dst(%arg10 : memref<128x128xf32, #tpu.memory_space<vmem>>)
      %run_scoped3A_56 = arith.constant 1 : i32
      "tpu.region"() ({
        %run_scoped3A_140 = tpu.sem_alloc : memref<!tpu.dma_semaphore, #tpu.memory_space<semaphore_mem>>
        %dma_start3A_141 = arith.constant 0 : i32
        %dma_start3A_142 = tpu.memref_slice %arg8[%run_scoped3A_56, %dma_start3A_141] : memref<8x128xi32, #tpu.memory_space<vmem>> -> memref<1x128xi32, #tpu.memory_space<vmem>>
        %dma_start3A_143 = tpu.memref_squeeze %dma_start3A_142 : memref<1x128xi32, #tpu.memory_space<vmem>> -> memref<128xi32, #tpu.memory_space<vmem>>
        %dma_start3A_144 = arith.constant 0 : i32
        %dma_start3A_145 = arith.constant 0 : i32
        %dma_start3A_146 = tpu.memref_slice %arg11[%dma_start3A_144, %dma_start3A_145] : memref<10240x128xf32, #tpu.memory_space<vmem_shared>> -> memref<10240x128xf32, #tpu.memory_space<vmem_shared>>
        tpu.enqueue_indirect_dma source(%arg10 : memref<128x128xf32, #tpu.memory_space<vmem>>) target(%dma_start3A_146 : memref<10240x128xf32, #tpu.memory_space<vmem_shared>>) offsets(%dma_start3A_143 : memref<128xi32, #tpu.memory_space<vmem>>) semaphore(%run_scoped3A_140 : memref<!tpu.dma_semaphore, #tpu.memory_space<semaphore_mem>>) {add = true}
        %dma_wait3A_147 = arith.constant 0 : i32
        %dma_wait3A_148 = tpu.memref_slice %arg8[%run_scoped3A_56, %dma_wait3A_147] : memref<8x128xi32, #tpu.memory_space<vmem>> -> memref<1x128xi32, #tpu.memory_space<vmem>>
        %dma_wait3A_149 = tpu.memref_squeeze %dma_wait3A_148 : memref<1x128xi32, #tpu.memory_space<vmem>> -> memref<128xi32, #tpu.memory_space<vmem>>
        %dma_wait3A_150 = arith.constant 0 : i32
        %dma_wait3A_151 = arith.constant 0 : i32
        %dma_wait3A_152 = tpu.memref_slice %arg11[%dma_wait3A_150, %dma_wait3A_151] : memref<10240x128xf32, #tpu.memory_space<vmem_shared>> -> memref<10240x128xf32, #tpu.memory_space<vmem_shared>>
        tpu.wait_indirect_dma semaphore(%run_scoped3A_140 : memref<!tpu.dma_semaphore, #tpu.memory_space<semaphore_mem>>) src(%arg10 : memref<128x128xf32, #tpu.memory_space<vmem>>) dst(%dma_wait3A_152 : memref<10240x128xf32, #tpu.memory_space<vmem_shared>>)
        tpu.yield
      }) : () -> ()
      %dma_start3A_57 = arith.constant 3 : i32
      %dma_start3A_58 = arith.constant 0 : i32
      %dma_start3A_59 = tpu.memref_slice %arg7[%dma_start3A_57, %dma_start3A_58] : memref<8x128xi32, #tpu.memory_space<vmem>> -> memref<1x128xi32, #tpu.memory_space<vmem>>
      %dma_start3A_60 = tpu.memref_squeeze %dma_start3A_59 : memref<1x128xi32, #tpu.memory_space<vmem>> -> memref<128xi32, #tpu.memory_space<vmem>>
      %dma_start3A_61 = arith.constant 0 : i32
      %dma_start3A_62 = arith.constant 0 : i32
      %dma_start3A_63 = tpu.memref_slice %arg2[%dma_start3A_61, %dma_start3A_62] : memref<10240x128xf32, #tpu.memory_space<hbm>> -> memref<10240x128xf32, #tpu.memory_space<hbm>>
      tpu.enqueue_indirect_dma source(%dma_start3A_63 : memref<10240x128xf32, #tpu.memory_space<hbm>>) target(%arg10 : memref<128x128xf32, #tpu.memory_space<vmem>>) offsets(%dma_start3A_60 : memref<128xi32, #tpu.memory_space<vmem>>) semaphore(%arg13 : memref<!tpu.dma_semaphore, #tpu.memory_space<semaphore_mem>>)
      %dma_wait3A_64 = arith.constant 2 : i32
      %dma_wait3A_65 = arith.constant 0 : i32
      %dma_wait3A_66 = tpu.memref_slice %arg7[%dma_wait3A_64, %dma_wait3A_65] : memref<8x128xi32, #tpu.memory_space<vmem>> -> memref<1x128xi32, #tpu.memory_space<vmem>>
      %dma_wait3A_67 = tpu.memref_squeeze %dma_wait3A_66 : memref<1x128xi32, #tpu.memory_space<vmem>> -> memref<128xi32, #tpu.memory_space<vmem>>
      %dma_wait3A_68 = arith.constant 0 : i32
      %dma_wait3A_69 = arith.constant 0 : i32
      %dma_wait3A_70 = tpu.memref_slice %arg2[%dma_wait3A_68, %dma_wait3A_69] : memref<10240x128xf32, #tpu.memory_space<hbm>> -> memref<10240x128xf32, #tpu.memory_space<hbm>>
      tpu.wait_indirect_dma semaphore(%arg12 : memref<!tpu.dma_semaphore, #tpu.memory_space<semaphore_mem>>) src(%dma_wait3A_70 : memref<10240x128xf32, #tpu.memory_space<hbm>>) dst(%arg9 : memref<128x128xf32, #tpu.memory_space<vmem>>)
      %run_scoped3A_71 = arith.constant 2 : i32
      "tpu.region"() ({
        %run_scoped3A_140 = tpu.sem_alloc : memref<!tpu.dma_semaphore, #tpu.memory_space<semaphore_mem>>
        %dma_start3A_141 = arith.constant 0 : i32
        %dma_start3A_142 = tpu.memref_slice %arg8[%run_scoped3A_71, %dma_start3A_141] : memref<8x128xi32, #tpu.memory_space<vmem>> -> memref<1x128xi32, #tpu.memory_space<vmem>>
        %dma_start3A_143 = tpu.memref_squeeze %dma_start3A_142 : memref<1x128xi32, #tpu.memory_space<vmem>> -> memref<128xi32, #tpu.memory_space<vmem>>
        %dma_start3A_144 = arith.constant 0 : i32
        %dma_start3A_145 = arith.constant 0 : i32
        %dma_start3A_146 = tpu.memref_slice %arg11[%dma_start3A_144, %dma_start3A_145] : memref<10240x128xf32, #tpu.memory_space<vmem_shared>> -> memref<10240x128xf32, #tpu.memory_space<vmem_shared>>
        tpu.enqueue_indirect_dma source(%arg9 : memref<128x128xf32, #tpu.memory_space<vmem>>) target(%dma_start3A_146 : memref<10240x128xf32, #tpu.memory_space<vmem_shared>>) offsets(%dma_start3A_143 : memref<128xi32, #tpu.memory_space<vmem>>) semaphore(%run_scoped3A_140 : memref<!tpu.dma_semaphore, #tpu.memory_space<semaphore_mem>>) {add = true}
        %dma_wait3A_147 = arith.constant 0 : i32
        %dma_wait3A_148 = tpu.memref_slice %arg8[%run_scoped3A_71, %dma_wait3A_147] : memref<8x128xi32, #tpu.memory_space<vmem>> -> memref<1x128xi32, #tpu.memory_space<vmem>>
        %dma_wait3A_149 = tpu.memref_squeeze %dma_wait3A_148 : memref<1x128xi32, #tpu.memory_space<vmem>> -> memref<128xi32, #tpu.memory_space<vmem>>
        %dma_wait3A_150 = arith.constant 0 : i32
        %dma_wait3A_151 = arith.constant 0 : i32
        %dma_wait3A_152 = tpu.memref_slice %arg11[%dma_wait3A_150, %dma_wait3A_151] : memref<10240x128xf32, #tpu.memory_space<vmem_shared>> -> memref<10240x128xf32, #tpu.memory_space<vmem_shared>>
        tpu.wait_indirect_dma semaphore(%run_scoped3A_140 : memref<!tpu.dma_semaphore, #tpu.memory_space<semaphore_mem>>) src(%arg9 : memref<128x128xf32, #tpu.memory_space<vmem>>) dst(%dma_wait3A_152 : memref<10240x128xf32, #tpu.memory_space<vmem_shared>>)
        tpu.yield
      }) : () -> ()
      %dma_start3A_72 = arith.constant 4 : i32
      %dma_start3A_73 = arith.constant 0 : i32
      %dma_start3A_74 = tpu.memref_slice %arg7[%dma_start3A_72, %dma_start3A_73] : memref<8x128xi32, #tpu.memory_space<vmem>> -> memref<1x128xi32, #tpu.memory_space<vmem>>
      %dma_start3A_75 = tpu.memref_squeeze %dma_start3A_74 : memref<1x128xi32, #tpu.memory_space<vmem>> -> memref<128xi32, #tpu.memory_space<vmem>>
      %dma_start3A_76 = arith.constant 0 : i32
      %dma_start3A_77 = arith.constant 0 : i32
      %dma_start3A_78 = tpu.memref_slice %arg2[%dma_start3A_76, %dma_start3A_77] : memref<10240x128xf32, #tpu.memory_space<hbm>> -> memref<10240x128xf32, #tpu.memory_space<hbm>>
      tpu.enqueue_indirect_dma source(%dma_start3A_78 : memref<10240x128xf32, #tpu.memory_space<hbm>>) target(%arg9 : memref<128x128xf32, #tpu.memory_space<vmem>>) offsets(%dma_start3A_75 : memref<128xi32, #tpu.memory_space<vmem>>) semaphore(%arg12 : memref<!tpu.dma_semaphore, #tpu.memory_space<semaphore_mem>>)
      %dma_wait3A_79 = arith.constant 3 : i32
      %dma_wait3A_80 = arith.constant 0 : i32
      %dma_wait3A_81 = tpu.memref_slice %arg7[%dma_wait3A_79, %dma_wait3A_80] : memref<8x128xi32, #tpu.memory_space<vmem>> -> memref<1x128xi32, #tpu.memory_space<vmem>>
      %dma_wait3A_82 = tpu.memref_squeeze %dma_wait3A_81 : memref<1x128xi32, #tpu.memory_space<vmem>> -> memref<128xi32, #tpu.memory_space<vmem>>
      %dma_wait3A_83 = arith.constant 0 : i32
      %dma_wait3A_84 = arith.constant 0 : i32
      %dma_wait3A_85 = tpu.memref_slice %arg2[%dma_wait3A_83, %dma_wait3A_84] : memref<10240x128xf32, #tpu.memory_space<hbm>> -> memref<10240x128xf32, #tpu.memory_space<hbm>>
      tpu.wait_indirect_dma semaphore(%arg13 : memref<!tpu.dma_semaphore, #tpu.memory_space<semaphore_mem>>) src(%dma_wait3A_85 : memref<10240x128xf32, #tpu.memory_space<hbm>>) dst(%arg10 : memref<128x128xf32, #tpu.memory_space<vmem>>)
      %run_scoped3A_86 = arith.constant 3 : i32
      "tpu.region"() ({
        %run_scoped3A_140 = tpu.sem_alloc : memref<!tpu.dma_semaphore, #tpu.memory_space<semaphore_mem>>
        %dma_start3A_141 = arith.constant 0 : i32
        %dma_start3A_142 = tpu.memref_slice %arg8[%run_scoped3A_86, %dma_start3A_141] : memref<8x128xi32, #tpu.memory_space<vmem>> -> memref<1x128xi32, #tpu.memory_space<vmem>>
        %dma_start3A_143 = tpu.memref_squeeze %dma_start3A_142 : memref<1x128xi32, #tpu.memory_space<vmem>> -> memref<128xi32, #tpu.memory_space<vmem>>
        %dma_start3A_144 = arith.constant 0 : i32
        %dma_start3A_145 = arith.constant 0 : i32
        %dma_start3A_146 = tpu.memref_slice %arg11[%dma_start3A_144, %dma_start3A_145] : memref<10240x128xf32, #tpu.memory_space<vmem_shared>> -> memref<10240x128xf32, #tpu.memory_space<vmem_shared>>
        tpu.enqueue_indirect_dma source(%arg10 : memref<128x128xf32, #tpu.memory_space<vmem>>) target(%dma_start3A_146 : memref<10240x128xf32, #tpu.memory_space<vmem_shared>>) offsets(%dma_start3A_143 : memref<128xi32, #tpu.memory_space<vmem>>) semaphore(%run_scoped3A_140 : memref<!tpu.dma_semaphore, #tpu.memory_space<semaphore_mem>>) {add = true}
        %dma_wait3A_147 = arith.constant 0 : i32
        %dma_wait3A_148 = tpu.memref_slice %arg8[%run_scoped3A_86, %dma_wait3A_147] : memref<8x128xi32, #tpu.memory_space<vmem>> -> memref<1x128xi32, #tpu.memory_space<vmem>>
        %dma_wait3A_149 = tpu.memref_squeeze %dma_wait3A_148 : memref<1x128xi32, #tpu.memory_space<vmem>> -> memref<128xi32, #tpu.memory_space<vmem>>
        %dma_wait3A_150 = arith.constant 0 : i32
        %dma_wait3A_151 = arith.constant 0 : i32
        %dma_wait3A_152 = tpu.memref_slice %arg11[%dma_wait3A_150, %dma_wait3A_151] : memref<10240x128xf32, #tpu.memory_space<vmem_shared>> -> memref<10240x128xf32, #tpu.memory_space<vmem_shared>>
        tpu.wait_indirect_dma semaphore(%run_scoped3A_140 : memref<!tpu.dma_semaphore, #tpu.memory_space<semaphore_mem>>) src(%arg10 : memref<128x128xf32, #tpu.memory_space<vmem>>) dst(%dma_wait3A_152 : memref<10240x128xf32, #tpu.memory_space<vmem_shared>>)
        tpu.yield
      }) : () -> ()
      %dma_start3A_87 = arith.constant 5 : i32
      %dma_start3A_88 = arith.constant 0 : i32
      %dma_start3A_89 = tpu.memref_slice %arg7[%dma_start3A_87, %dma_start3A_88] : memref<8x128xi32, #tpu.memory_space<vmem>> -> memref<1x128xi32, #tpu.memory_space<vmem>>
      %dma_start3A_90 = tpu.memref_squeeze %dma_start3A_89 : memref<1x128xi32, #tpu.memory_space<vmem>> -> memref<128xi32, #tpu.memory_space<vmem>>
      %dma_start3A_91 = arith.constant 0 : i32
      %dma_start3A_92 = arith.constant 0 : i32
      %dma_start3A_93 = tpu.memref_slice %arg2[%dma_start3A_91, %dma_start3A_92] : memref<10240x128xf32, #tpu.memory_space<hbm>> -> memref<10240x128xf32, #tpu.memory_space<hbm>>
      tpu.enqueue_indirect_dma source(%dma_start3A_93 : memref<10240x128xf32, #tpu.memory_space<hbm>>) target(%arg10 : memref<128x128xf32, #tpu.memory_space<vmem>>) offsets(%dma_start3A_90 : memref<128xi32, #tpu.memory_space<vmem>>) semaphore(%arg13 : memref<!tpu.dma_semaphore, #tpu.memory_space<semaphore_mem>>)
      %dma_wait3A_94 = arith.constant 4 : i32
      %dma_wait3A_95 = arith.constant 0 : i32
      %dma_wait3A_96 = tpu.memref_slice %arg7[%dma_wait3A_94, %dma_wait3A_95] : memref<8x128xi32, #tpu.memory_space<vmem>> -> memref<1x128xi32, #tpu.memory_space<vmem>>
      %dma_wait3A_97 = tpu.memref_squeeze %dma_wait3A_96 : memref<1x128xi32, #tpu.memory_space<vmem>> -> memref<128xi32, #tpu.memory_space<vmem>>
      %dma_wait3A_98 = arith.constant 0 : i32
      %dma_wait3A_99 = arith.constant 0 : i32
      %dma_wait3A_100 = tpu.memref_slice %arg2[%dma_wait3A_98, %dma_wait3A_99] : memref<10240x128xf32, #tpu.memory_space<hbm>> -> memref<10240x128xf32, #tpu.memory_space<hbm>>
      tpu.wait_indirect_dma semaphore(%arg12 : memref<!tpu.dma_semaphore, #tpu.memory_space<semaphore_mem>>) src(%dma_wait3A_100 : memref<10240x128xf32, #tpu.memory_space<hbm>>) dst(%arg9 : memref<128x128xf32, #tpu.memory_space<vmem>>)
      %run_scoped3A_101 = arith.constant 4 : i32
      "tpu.region"() ({
        %run_scoped3A_140 = tpu.sem_alloc : memref<!tpu.dma_semaphore, #tpu.memory_space<semaphore_mem>>
        %dma_start3A_141 = arith.constant 0 : i32
        %dma_start3A_142 = tpu.memref_slice %arg8[%run_scoped3A_101, %dma_start3A_141] : memref<8x128xi32, #tpu.memory_space<vmem>> -> memref<1x128xi32, #tpu.memory_space<vmem>>
        %dma_start3A_143 = tpu.memref_squeeze %dma_start3A_142 : memref<1x128xi32, #tpu.memory_space<vmem>> -> memref<128xi32, #tpu.memory_space<vmem>>
        %dma_start3A_144 = arith.constant 0 : i32
        %dma_start3A_145 = arith.constant 0 : i32
        %dma_start3A_146 = tpu.memref_slice %arg11[%dma_start3A_144, %dma_start3A_145] : memref<10240x128xf32, #tpu.memory_space<vmem_shared>> -> memref<10240x128xf32, #tpu.memory_space<vmem_shared>>
        tpu.enqueue_indirect_dma source(%arg9 : memref<128x128xf32, #tpu.memory_space<vmem>>) target(%dma_start3A_146 : memref<10240x128xf32, #tpu.memory_space<vmem_shared>>) offsets(%dma_start3A_143 : memref<128xi32, #tpu.memory_space<vmem>>) semaphore(%run_scoped3A_140 : memref<!tpu.dma_semaphore, #tpu.memory_space<semaphore_mem>>) {add = true}
        %dma_wait3A_147 = arith.constant 0 : i32
        %dma_wait3A_148 = tpu.memref_slice %arg8[%run_scoped3A_101, %dma_wait3A_147] : memref<8x128xi32, #tpu.memory_space<vmem>> -> memref<1x128xi32, #tpu.memory_space<vmem>>
        %dma_wait3A_149 = tpu.memref_squeeze %dma_wait3A_148 : memref<1x128xi32, #tpu.memory_space<vmem>> -> memref<128xi32, #tpu.memory_space<vmem>>
        %dma_wait3A_150 = arith.constant 0 : i32
        %dma_wait3A_151 = arith.constant 0 : i32
        %dma_wait3A_152 = tpu.memref_slice %arg11[%dma_wait3A_150, %dma_wait3A_151] : memref<10240x128xf32, #tpu.memory_space<vmem_shared>> -> memref<10240x128xf32, #tpu.memory_space<vmem_shared>>
        tpu.wait_indirect_dma semaphore(%run_scoped3A_140 : memref<!tpu.dma_semaphore, #tpu.memory_space<semaphore_mem>>) src(%arg9 : memref<128x128xf32, #tpu.memory_space<vmem>>) dst(%dma_wait3A_152 : memref<10240x128xf32, #tpu.memory_space<vmem_shared>>)
        tpu.yield
      }) : () -> ()
      %dma_start3A_102 = arith.constant 6 : i32
      %dma_start3A_103 = arith.constant 0 : i32
      %dma_start3A_104 = tpu.memref_slice %arg7[%dma_start3A_102, %dma_start3A_103] : memref<8x128xi32, #tpu.memory_space<vmem>> -> memref<1x128xi32, #tpu.memory_space<vmem>>
      %dma_start3A_105 = tpu.memref_squeeze %dma_start3A_104 : memref<1x128xi32, #tpu.memory_space<vmem>> -> memref<128xi32, #tpu.memory_space<vmem>>
      %dma_start3A_106 = arith.constant 0 : i32
      %dma_start3A_107 = arith.constant 0 : i32
      %dma_start3A_108 = tpu.memref_slice %arg2[%dma_start3A_106, %dma_start3A_107] : memref<10240x128xf32, #tpu.memory_space<hbm>> -> memref<10240x128xf32, #tpu.memory_space<hbm>>
      tpu.enqueue_indirect_dma source(%dma_start3A_108 : memref<10240x128xf32, #tpu.memory_space<hbm>>) target(%arg9 : memref<128x128xf32, #tpu.memory_space<vmem>>) offsets(%dma_start3A_105 : memref<128xi32, #tpu.memory_space<vmem>>) semaphore(%arg12 : memref<!tpu.dma_semaphore, #tpu.memory_space<semaphore_mem>>)
      %dma_wait3A_109 = arith.constant 5 : i32
      %dma_wait3A_110 = arith.constant 0 : i32
      %dma_wait3A_111 = tpu.memref_slice %arg7[%dma_wait3A_109, %dma_wait3A_110] : memref<8x128xi32, #tpu.memory_space<vmem>> -> memref<1x128xi32, #tpu.memory_space<vmem>>
      %dma_wait3A_112 = tpu.memref_squeeze %dma_wait3A_111 : memref<1x128xi32, #tpu.memory_space<vmem>> -> memref<128xi32, #tpu.memory_space<vmem>>
      %dma_wait3A_113 = arith.constant 0 : i32
      %dma_wait3A_114 = arith.constant 0 : i32
      %dma_wait3A_115 = tpu.memref_slice %arg2[%dma_wait3A_113, %dma_wait3A_114] : memref<10240x128xf32, #tpu.memory_space<hbm>> -> memref<10240x128xf32, #tpu.memory_space<hbm>>
      tpu.wait_indirect_dma semaphore(%arg13 : memref<!tpu.dma_semaphore, #tpu.memory_space<semaphore_mem>>) src(%dma_wait3A_115 : memref<10240x128xf32, #tpu.memory_space<hbm>>) dst(%arg10 : memref<128x128xf32, #tpu.memory_space<vmem>>)
      %run_scoped3A_116 = arith.constant 5 : i32
      "tpu.region"() ({
        %run_scoped3A_140 = tpu.sem_alloc : memref<!tpu.dma_semaphore, #tpu.memory_space<semaphore_mem>>
        %dma_start3A_141 = arith.constant 0 : i32
        %dma_start3A_142 = tpu.memref_slice %arg8[%run_scoped3A_116, %dma_start3A_141] : memref<8x128xi32, #tpu.memory_space<vmem>> -> memref<1x128xi32, #tpu.memory_space<vmem>>
        %dma_start3A_143 = tpu.memref_squeeze %dma_start3A_142 : memref<1x128xi32, #tpu.memory_space<vmem>> -> memref<128xi32, #tpu.memory_space<vmem>>
        %dma_start3A_144 = arith.constant 0 : i32
        %dma_start3A_145 = arith.constant 0 : i32
        %dma_start3A_146 = tpu.memref_slice %arg11[%dma_start3A_144, %dma_start3A_145] : memref<10240x128xf32, #tpu.memory_space<vmem_shared>> -> memref<10240x128xf32, #tpu.memory_space<vmem_shared>>
        tpu.enqueue_indirect_dma source(%arg10 : memref<128x128xf32, #tpu.memory_space<vmem>>) target(%dma_start3A_146 : memref<10240x128xf32, #tpu.memory_space<vmem_shared>>) offsets(%dma_start3A_143 : memref<128xi32, #tpu.memory_space<vmem>>) semaphore(%run_scoped3A_140 : memref<!tpu.dma_semaphore, #tpu.memory_space<semaphore_mem>>) {add = true}
        %dma_wait3A_147 = arith.constant 0 : i32
        %dma_wait3A_148 = tpu.memref_slice %arg8[%run_scoped3A_116, %dma_wait3A_147] : memref<8x128xi32, #tpu.memory_space<vmem>> -> memref<1x128xi32, #tpu.memory_space<vmem>>
        %dma_wait3A_149 = tpu.memref_squeeze %dma_wait3A_148 : memref<1x128xi32, #tpu.memory_space<vmem>> -> memref<128xi32, #tpu.memory_space<vmem>>
        %dma_wait3A_150 = arith.constant 0 : i32
        %dma_wait3A_151 = arith.constant 0 : i32
        %dma_wait3A_152 = tpu.memref_slice %arg11[%dma_wait3A_150, %dma_wait3A_151] : memref<10240x128xf32, #tpu.memory_space<vmem_shared>> -> memref<10240x128xf32, #tpu.memory_space<vmem_shared>>
        tpu.wait_indirect_dma semaphore(%run_scoped3A_140 : memref<!tpu.dma_semaphore, #tpu.memory_space<semaphore_mem>>) src(%arg10 : memref<128x128xf32, #tpu.memory_space<vmem>>) dst(%dma_wait3A_152 : memref<10240x128xf32, #tpu.memory_space<vmem_shared>>)
        tpu.yield
      }) : () -> ()
      %dma_start3A_117 = arith.constant 7 : i32
      %dma_start3A_118 = arith.constant 0 : i32
      %dma_start3A_119 = tpu.memref_slice %arg7[%dma_start3A_117, %dma_start3A_118] : memref<8x128xi32, #tpu.memory_space<vmem>> -> memref<1x128xi32, #tpu.memory_space<vmem>>
      %dma_start3A_120 = tpu.memref_squeeze %dma_start3A_119 : memref<1x128xi32, #tpu.memory_space<vmem>> -> memref<128xi32, #tpu.memory_space<vmem>>
      %dma_start3A_121 = arith.constant 0 : i32
      %dma_start3A_122 = arith.constant 0 : i32
      %dma_start3A_123 = tpu.memref_slice %arg2[%dma_start3A_121, %dma_start3A_122] : memref<10240x128xf32, #tpu.memory_space<hbm>> -> memref<10240x128xf32, #tpu.memory_space<hbm>>
      tpu.enqueue_indirect_dma source(%dma_start3A_123 : memref<10240x128xf32, #tpu.memory_space<hbm>>) target(%arg10 : memref<128x128xf32, #tpu.memory_space<vmem>>) offsets(%dma_start3A_120 : memref<128xi32, #tpu.memory_space<vmem>>) semaphore(%arg13 : memref<!tpu.dma_semaphore, #tpu.memory_space<semaphore_mem>>)
      %dma_wait3A_124 = arith.constant 6 : i32
      %dma_wait3A_125 = arith.constant 0 : i32
      %dma_wait3A_126 = tpu.memref_slice %arg7[%dma_wait3A_124, %dma_wait3A_125] : memref<8x128xi32, #tpu.memory_space<vmem>> -> memref<1x128xi32, #tpu.memory_space<vmem>>
      %dma_wait3A_127 = tpu.memref_squeeze %dma_wait3A_126 : memref<1x128xi32, #tpu.memory_space<vmem>> -> memref<128xi32, #tpu.memory_space<vmem>>
      %dma_wait3A_128 = arith.constant 0 : i32
      %dma_wait3A_129 = arith.constant 0 : i32
      %dma_wait3A_130 = tpu.memref_slice %arg2[%dma_wait3A_128, %dma_wait3A_129] : memref<10240x128xf32, #tpu.memory_space<hbm>> -> memref<10240x128xf32, #tpu.memory_space<hbm>>
      tpu.wait_indirect_dma semaphore(%arg12 : memref<!tpu.dma_semaphore, #tpu.memory_space<semaphore_mem>>) src(%dma_wait3A_130 : memref<10240x128xf32, #tpu.memory_space<hbm>>) dst(%arg9 : memref<128x128xf32, #tpu.memory_space<vmem>>)
      %run_scoped3A_131 = arith.constant 6 : i32
      "tpu.region"() ({
        %run_scoped3A_140 = tpu.sem_alloc : memref<!tpu.dma_semaphore, #tpu.memory_space<semaphore_mem>>
        %dma_start3A_141 = arith.constant 0 : i32
        %dma_start3A_142 = tpu.memref_slice %arg8[%run_scoped3A_131, %dma_start3A_141] : memref<8x128xi32, #tpu.memory_space<vmem>> -> memref<1x128xi32, #tpu.memory_space<vmem>>
        %dma_start3A_143 = tpu.memref_squeeze %dma_start3A_142 : memref<1x128xi32, #tpu.memory_space<vmem>> -> memref<128xi32, #tpu.memory_space<vmem>>
        %dma_start3A_144 = arith.constant 0 : i32
        %dma_start3A_145 = arith.constant 0 : i32
        %dma_start3A_146 = tpu.memref_slice %arg11[%dma_start3A_144, %dma_start3A_145] : memref<10240x128xf32, #tpu.memory_space<vmem_shared>> -> memref<10240x128xf32, #tpu.memory_space<vmem_shared>>
        tpu.enqueue_indirect_dma source(%arg9 : memref<128x128xf32, #tpu.memory_space<vmem>>) target(%dma_start3A_146 : memref<10240x128xf32, #tpu.memory_space<vmem_shared>>) offsets(%dma_start3A_143 : memref<128xi32, #tpu.memory_space<vmem>>) semaphore(%run_scoped3A_140 : memref<!tpu.dma_semaphore, #tpu.memory_space<semaphore_mem>>) {add = true}
        %dma_wait3A_147 = arith.constant 0 : i32
        %dma_wait3A_148 = tpu.memref_slice %arg8[%run_scoped3A_131, %dma_wait3A_147] : memref<8x128xi32, #tpu.memory_space<vmem>> -> memref<1x128xi32, #tpu.memory_space<vmem>>
        %dma_wait3A_149 = tpu.memref_squeeze %dma_wait3A_148 : memref<1x128xi32, #tpu.memory_space<vmem>> -> memref<128xi32, #tpu.memory_space<vmem>>
        %dma_wait3A_150 = arith.constant 0 : i32
        %dma_wait3A_151 = arith.constant 0 : i32
        %dma_wait3A_152 = tpu.memref_slice %arg11[%dma_wait3A_150, %dma_wait3A_151] : memref<10240x128xf32, #tpu.memory_space<vmem_shared>> -> memref<10240x128xf32, #tpu.memory_space<vmem_shared>>
        tpu.wait_indirect_dma semaphore(%run_scoped3A_140 : memref<!tpu.dma_semaphore, #tpu.memory_space<semaphore_mem>>) src(%arg9 : memref<128x128xf32, #tpu.memory_space<vmem>>) dst(%dma_wait3A_152 : memref<10240x128xf32, #tpu.memory_space<vmem_shared>>)
        tpu.yield
      }) : () -> ()
      %dma_wait3A_132 = arith.constant 7 : i32
      %dma_wait3A_133 = arith.constant 0 : i32
      %dma_wait3A_134 = tpu.memref_slice %arg7[%dma_wait3A_132, %dma_wait3A_133] : memref<8x128xi32, #tpu.memory_space<vmem>> -> memref<1x128xi32, #tpu.memory_space<vmem>>
      %dma_wait3A_135 = tpu.memref_squeeze %dma_wait3A_134 : memref<1x128xi32, #tpu.memory_space<vmem>> -> memref<128xi32, #tpu.memory_space<vmem>>
      %dma_wait3A_136 = arith.constant 0 : i32
      %dma_wait3A_137 = arith.constant 0 : i32
      %dma_wait3A_138 = tpu.memref_slice %arg2[%dma_wait3A_136, %dma_wait3A_137] : memref<10240x128xf32, #tpu.memory_space<hbm>> -> memref<10240x128xf32, #tpu.memory_space<hbm>>
      tpu.wait_indirect_dma semaphore(%arg13 : memref<!tpu.dma_semaphore, #tpu.memory_space<semaphore_mem>>) src(%dma_wait3A_138 : memref<10240x128xf32, #tpu.memory_space<hbm>>) dst(%arg10 : memref<128x128xf32, #tpu.memory_space<vmem>>)
      %run_scoped3A_139 = arith.constant 7 : i32
      "tpu.region"() ({
        %run_scoped3A_140 = tpu.sem_alloc : memref<!tpu.dma_semaphore, #tpu.memory_space<semaphore_mem>>
        %dma_start3A_141 = arith.constant 0 : i32
        %dma_start3A_142 = tpu.memref_slice %arg8[%run_scoped3A_139, %dma_start3A_141] : memref<8x128xi32, #tpu.memory_space<vmem>> -> memref<1x128xi32, #tpu.memory_space<vmem>>
        %dma_start3A_143 = tpu.memref_squeeze %dma_start3A_142 : memref<1x128xi32, #tpu.memory_space<vmem>> -> memref<128xi32, #tpu.memory_space<vmem>>
        %dma_start3A_144 = arith.constant 0 : i32
        %dma_start3A_145 = arith.constant 0 : i32
        %dma_start3A_146 = tpu.memref_slice %arg11[%dma_start3A_144, %dma_start3A_145] : memref<10240x128xf32, #tpu.memory_space<vmem_shared>> -> memref<10240x128xf32, #tpu.memory_space<vmem_shared>>
        tpu.enqueue_indirect_dma source(%arg10 : memref<128x128xf32, #tpu.memory_space<vmem>>) target(%dma_start3A_146 : memref<10240x128xf32, #tpu.memory_space<vmem_shared>>) offsets(%dma_start3A_143 : memref<128xi32, #tpu.memory_space<vmem>>) semaphore(%run_scoped3A_140 : memref<!tpu.dma_semaphore, #tpu.memory_space<semaphore_mem>>) {add = true}
        %dma_wait3A_147 = arith.constant 0 : i32
        %dma_wait3A_148 = tpu.memref_slice %arg8[%run_scoped3A_139, %dma_wait3A_147] : memref<8x128xi32, #tpu.memory_space<vmem>> -> memref<1x128xi32, #tpu.memory_space<vmem>>
        %dma_wait3A_149 = tpu.memref_squeeze %dma_wait3A_148 : memref<1x128xi32, #tpu.memory_space<vmem>> -> memref<128xi32, #tpu.memory_space<vmem>>
        %dma_wait3A_150 = arith.constant 0 : i32
        %dma_wait3A_151 = arith.constant 0 : i32
        %dma_wait3A_152 = tpu.memref_slice %arg11[%dma_wait3A_150, %dma_wait3A_151] : memref<10240x128xf32, #tpu.memory_space<vmem_shared>> -> memref<10240x128xf32, #tpu.memory_space<vmem_shared>>
        tpu.wait_indirect_dma semaphore(%run_scoped3A_140 : memref<!tpu.dma_semaphore, #tpu.memory_space<semaphore_mem>>) src(%arg10 : memref<128x128xf32, #tpu.memory_space<vmem>>) dst(%dma_wait3A_152 : memref<10240x128xf32, #tpu.memory_space<vmem_shared>>)
        tpu.yield
      }) : () -> ()
    }
    %scan3A_8 = arith.constant 10 : i32
    %barrier3A_9 = arith.constant 0 : index
    tpu.barrier barrier_id(%barrier3A_9)
    %mul3A_10 = arith.constant 640 : i32
    %mul3A_11 = arith.muli %arg1, %mul3A_10 : i32
    %mul3A_12 = arith.constant 640 : i32
    %mul3A_13 = arith.muli %arg1, %mul3A_12 : i32
    "tpu.region"() ({
      %run_scoped3A = tpu.sem_alloc : memref<!tpu.dma_semaphore, #tpu.memory_space<semaphore_mem>>
      %dma_start3A = arith.constant 0 : i32
      %dma_start3A_14 = tpu.memref_slice %arg6[%arg0, %mul3A_13, %dma_start3A] : memref<2x10240x128xf32, #tpu.memory_space<hbm>> -> memref<1x640x128xf32, #tpu.memory_space<hbm>>
      %dma_start3A_15 = tpu.memref_squeeze %dma_start3A_14 : memref<1x640x128xf32, #tpu.memory_space<hbm>> -> memref<640x128xf32, #tpu.memory_space<hbm>>
      %dma_start3A_16 = arith.constant 0 : i32
      %dma_start3A_17 = tpu.memref_slice %arg11[%mul3A_11, %dma_start3A_16] : memref<10240x128xf32, #tpu.memory_space<vmem_shared>> -> memref<640x128xf32, #tpu.memory_space<vmem_shared>>
      tpu.enqueue_dma source(%dma_start3A_17 : memref<640x128xf32, #tpu.memory_space<vmem_shared>>) target(%dma_start3A_15 : memref<640x128xf32, #tpu.memory_space<hbm>>) target_semaphore(%run_scoped3A : memref<!tpu.dma_semaphore, #tpu.memory_space<semaphore_mem>>)
      %dma_wait3A = arith.constant 0 : i32
      %dma_wait3A_18 = tpu.memref_slice %arg6[%arg0, %mul3A_13, %dma_wait3A] : memref<2x10240x128xf32, #tpu.memory_space<hbm>> -> memref<1x640x128xf32, #tpu.memory_space<hbm>>
      %dma_wait3A_19 = tpu.memref_squeeze %dma_wait3A_18 : memref<1x640x128xf32, #tpu.memory_space<hbm>> -> memref<640x128xf32, #tpu.memory_space<hbm>>
      %dma_wait3A_20 = arith.constant 0 : i32
      %dma_wait3A_21 = tpu.memref_slice %arg11[%mul3A_11, %dma_wait3A_20] : memref<10240x128xf32, #tpu.memory_space<vmem_shared>> -> memref<640x128xf32, #tpu.memory_space<vmem_shared>>
      tpu.wait_dma2 semaphore(%run_scoped3A : memref<!tpu.dma_semaphore, #tpu.memory_space<semaphore_mem>>) src(%dma_wait3A_21 : memref<640x128xf32, #tpu.memory_space<vmem_shared>>) dst(%dma_wait3A_19 : memref<640x128xf32, #tpu.memory_space<hbm>>)
      tpu.yield
    }) : () -> ()
    return
  }
}

#map = affine_map<(d0, d1) -> (0, 0, 0)>
#map1 = affine_map<(d0, d1) -> (0, 0)>
module attributes {stable_mosaic.version = 14 : i64} {
  func.func @body(%arg0: i32, %arg1: i32, %arg2: memref<32x80x128xi32, #tpu.memory_space<hbm>>, %arg3: memref<128x128xf32, #tpu.memory_space<hbm>>, %arg4: memref<10240x128xf32, #tpu.memory_space<hbm>>, %arg5: memref<2x10240x128xf32, #tpu.memory_space<hbm>>, %arg6: memref<8x128xi32, #tpu.memory_space<vmem>>, %arg7: memref<128x128xf32, #tpu.memory_space<vmem>>, %arg8: memref<10240x128xf32, #tpu.memory_space<vmem_shared>>) attributes {dimension_semantics = [#tpu.dimension_semantics<core_parallel>, #tpu.dimension_semantics<subcore_parallel>], iteration_bounds = array<i64: 2, 16>, scalar_prefetch = 0 : i64, scratch_operands = 3 : i64, tpu.core_type = #tpu.core_type<sc_vector_subcore>, window_params = [{transform_indices = #map}, {transform_indices = #map1}, {transform_indices = #map1}, {transform_indices = #map}]} {
    %mul3A = arith.constant 2 : i32
    %mul3A_0 = arith.muli %arg1, %mul3A : i32
    %add3A = arith.addi %mul3A_0, %arg0 : i32
    %mul3A_1 = arith.constant 640 : i32
    %mul3A_2 = arith.muli %arg1, %mul3A_1 : i32
    %mul3A_3 = arith.constant 640 : i32
    %mul3A_4 = arith.muli %arg1, %mul3A_3 : i32
    "tpu.region"() ({
      %run_scoped3A = tpu.sem_alloc : memref<!tpu.dma_semaphore, #tpu.memory_space<semaphore_mem>>
      %dma_start3A = arith.constant 0 : i32
      %dma_start3A_14 = tpu.memref_slice %arg8[%mul3A_4, %dma_start3A] : memref<10240x128xf32, #tpu.memory_space<vmem_shared>> -> memref<640x128xf32, #tpu.memory_space<vmem_shared>>
      %dma_start3A_15 = arith.constant 0 : i32
      %dma_start3A_16 = tpu.memref_slice %arg4[%mul3A_2, %dma_start3A_15] : memref<10240x128xf32, #tpu.memory_space<hbm>> -> memref<640x128xf32, #tpu.memory_space<hbm>>
      tpu.enqueue_dma source(%dma_start3A_16 : memref<640x128xf32, #tpu.memory_space<hbm>>) target(%dma_start3A_14 : memref<640x128xf32, #tpu.memory_space<vmem_shared>>) target_semaphore(%run_scoped3A : memref<!tpu.dma_semaphore, #tpu.memory_space<semaphore_mem>>)
      %dma_wait3A = arith.constant 0 : i32
      %dma_wait3A_17 = tpu.memref_slice %arg8[%mul3A_4, %dma_wait3A] : memref<10240x128xf32, #tpu.memory_space<vmem_shared>> -> memref<640x128xf32, #tpu.memory_space<vmem_shared>>
      %dma_wait3A_18 = arith.constant 0 : i32
      %dma_wait3A_19 = tpu.memref_slice %arg4[%mul3A_2, %dma_wait3A_18] : memref<10240x128xf32, #tpu.memory_space<hbm>> -> memref<640x128xf32, #tpu.memory_space<hbm>>
      tpu.wait_dma2 semaphore(%run_scoped3A : memref<!tpu.dma_semaphore, #tpu.memory_space<semaphore_mem>>) src(%dma_wait3A_19 : memref<640x128xf32, #tpu.memory_space<hbm>>) dst(%dma_wait3A_17 : memref<640x128xf32, #tpu.memory_space<vmem_shared>>)
      tpu.yield
    }) : () -> ()
    "tpu.region"() ({
      %run_scoped3A = tpu.sem_alloc : memref<!tpu.dma_semaphore, #tpu.memory_space<semaphore_mem>>
      tpu.enqueue_dma source(%arg3 : memref<128x128xf32, #tpu.memory_space<hbm>>) target(%arg7 : memref<128x128xf32, #tpu.memory_space<vmem>>) target_semaphore(%run_scoped3A : memref<!tpu.dma_semaphore, #tpu.memory_space<semaphore_mem>>)
      tpu.wait_dma2 semaphore(%run_scoped3A : memref<!tpu.dma_semaphore, #tpu.memory_space<semaphore_mem>>) src(%arg3 : memref<128x128xf32, #tpu.memory_space<hbm>>) dst(%arg7 : memref<128x128xf32, #tpu.memory_space<vmem>>)
      tpu.yield
    }) : () -> ()
    %barrier3A = arith.constant 0 : index
    tpu.barrier barrier_id(%barrier3A)
    %scan3A = arith.constant 0 : i32
    %scan3A_5 = arith.constant 10 : i32
    %scan3A_6 = arith.addi %scan3A, %scan3A_5 : i32
    %scan3A_7 = arith.constant 1 : i32
    scf.for %scan3A_14 = %scan3A to %scan3A_6 step %scan3A_7  : i32 {
      %mul3A_15 = arith.constant 1 : i32
      %mul3A_16 = arith.muli %scan3A_14, %mul3A_15 : i32
      %add3A_17 = arith.constant 0 : i32
      %add3A_18 = arith.addi %add3A_17, %mul3A_16 : i32
      %mul3A_19 = arith.constant 8 : i32
      %mul3A_20 = arith.muli %add3A_18, %mul3A_19 : i32
      "tpu.region"() ({
        %run_scoped3A_28 = tpu.sem_alloc : memref<!tpu.dma_semaphore, #tpu.memory_space<semaphore_mem>>
        %dma_start3A = arith.constant 0 : i32
        %dma_start3A_29 = tpu.memref_slice %arg2[%add3A, %mul3A_20, %dma_start3A] : memref<32x80x128xi32, #tpu.memory_space<hbm>> -> memref<1x8x128xi32, #tpu.memory_space<hbm>>
        %dma_start3A_30 = tpu.memref_squeeze %dma_start3A_29 : memref<1x8x128xi32, #tpu.memory_space<hbm>> -> memref<8x128xi32, #tpu.memory_space<hbm>>
        %dma_start3A_31 = arith.constant 0 : i32
        %dma_start3A_32 = tpu.memref_slice %arg2[%add3A, %mul3A_20, %dma_start3A_31] : memref<32x80x128xi32, #tpu.memory_space<hbm>> -> memref<1x8x128xi32, #tpu.memory_space<hbm>>
        %dma_start3A_33 = tpu.memref_squeeze %dma_start3A_32 : memref<1x8x128xi32, #tpu.memory_space<hbm>> -> memref<8x128xi32, #tpu.memory_space<hbm>>
        tpu.enqueue_dma source(%dma_start3A_33 : memref<8x128xi32, #tpu.memory_space<hbm>>) target(%arg6 : memref<8x128xi32, #tpu.memory_space<vmem>>) target_semaphore(%run_scoped3A_28 : memref<!tpu.dma_semaphore, #tpu.memory_space<semaphore_mem>>)
        %dma_wait3A = arith.constant 0 : i32
        %dma_wait3A_34 = tpu.memref_slice %arg2[%add3A, %mul3A_20, %dma_wait3A] : memref<32x80x128xi32, #tpu.memory_space<hbm>> -> memref<1x8x128xi32, #tpu.memory_space<hbm>>
        %dma_wait3A_35 = tpu.memref_squeeze %dma_wait3A_34 : memref<1x8x128xi32, #tpu.memory_space<hbm>> -> memref<8x128xi32, #tpu.memory_space<hbm>>
        %dma_wait3A_36 = arith.constant 0 : i32
        %dma_wait3A_37 = tpu.memref_slice %arg2[%add3A, %mul3A_20, %dma_wait3A_36] : memref<32x80x128xi32, #tpu.memory_space<hbm>> -> memref<1x8x128xi32, #tpu.memory_space<hbm>>
        %dma_wait3A_38 = tpu.memref_squeeze %dma_wait3A_37 : memref<1x8x128xi32, #tpu.memory_space<hbm>> -> memref<8x128xi32, #tpu.memory_space<hbm>>
        tpu.wait_dma2 semaphore(%run_scoped3A_28 : memref<!tpu.dma_semaphore, #tpu.memory_space<semaphore_mem>>) src(%dma_wait3A_38 : memref<8x128xi32, #tpu.memory_space<hbm>>) dst(%arg6 : memref<8x128xi32, #tpu.memory_space<vmem>>)
        tpu.yield
      }) : () -> ()
      %run_scoped3A = arith.constant 0 : i32
      "tpu.region"() ({
        %run_scoped3A_28 = tpu.sem_alloc : memref<!tpu.dma_semaphore, #tpu.memory_space<semaphore_mem>>
        %dma_start3A = arith.constant 0 : i32
        %dma_start3A_29 = tpu.memref_slice %arg6[%run_scoped3A, %dma_start3A] : memref<8x128xi32, #tpu.memory_space<vmem>> -> memref<1x128xi32, #tpu.memory_space<vmem>>
        %dma_start3A_30 = tpu.memref_squeeze %dma_start3A_29 : memref<1x128xi32, #tpu.memory_space<vmem>> -> memref<128xi32, #tpu.memory_space<vmem>>
        %dma_start3A_31 = arith.constant 0 : i32
        %dma_start3A_32 = arith.constant 0 : i32
        %dma_start3A_33 = tpu.memref_slice %arg8[%dma_start3A_31, %dma_start3A_32] : memref<10240x128xf32, #tpu.memory_space<vmem_shared>> -> memref<10240x128xf32, #tpu.memory_space<vmem_shared>>
        tpu.enqueue_indirect_dma source(%arg7 : memref<128x128xf32, #tpu.memory_space<vmem>>) target(%dma_start3A_33 : memref<10240x128xf32, #tpu.memory_space<vmem_shared>>) offsets(%dma_start3A_30 : memref<128xi32, #tpu.memory_space<vmem>>) semaphore(%run_scoped3A_28 : memref<!tpu.dma_semaphore, #tpu.memory_space<semaphore_mem>>) {add = true}
        %dma_wait3A = arith.constant 0 : i32
        %dma_wait3A_34 = tpu.memref_slice %arg6[%run_scoped3A, %dma_wait3A] : memref<8x128xi32, #tpu.memory_space<vmem>> -> memref<1x128xi32, #tpu.memory_space<vmem>>
        %dma_wait3A_35 = tpu.memref_squeeze %dma_wait3A_34 : memref<1x128xi32, #tpu.memory_space<vmem>> -> memref<128xi32, #tpu.memory_space<vmem>>
        %dma_wait3A_36 = arith.constant 0 : i32
        %dma_wait3A_37 = arith.constant 0 : i32
        %dma_wait3A_38 = tpu.memref_slice %arg8[%dma_wait3A_36, %dma_wait3A_37] : memref<10240x128xf32, #tpu.memory_space<vmem_shared>> -> memref<10240x128xf32, #tpu.memory_space<vmem_shared>>
        tpu.wait_indirect_dma semaphore(%run_scoped3A_28 : memref<!tpu.dma_semaphore, #tpu.memory_space<semaphore_mem>>) src(%arg7 : memref<128x128xf32, #tpu.memory_space<vmem>>) dst(%dma_wait3A_38 : memref<10240x128xf32, #tpu.memory_space<vmem_shared>>)
        tpu.yield
      }) : () -> ()
      %run_scoped3A_21 = arith.constant 1 : i32
      "tpu.region"() ({
        %run_scoped3A_28 = tpu.sem_alloc : memref<!tpu.dma_semaphore, #tpu.memory_space<semaphore_mem>>
        %dma_start3A = arith.constant 0 : i32
        %dma_start3A_29 = tpu.memref_slice %arg6[%run_scoped3A_21, %dma_start3A] : memref<8x128xi32, #tpu.memory_space<vmem>> -> memref<1x128xi32, #tpu.memory_space<vmem>>
        %dma_start3A_30 = tpu.memref_squeeze %dma_start3A_29 : memref<1x128xi32, #tpu.memory_space<vmem>> -> memref<128xi32, #tpu.memory_space<vmem>>
        %dma_start3A_31 = arith.constant 0 : i32
        %dma_start3A_32 = arith.constant 0 : i32
        %dma_start3A_33 = tpu.memref_slice %arg8[%dma_start3A_31, %dma_start3A_32] : memref<10240x128xf32, #tpu.memory_space<vmem_shared>> -> memref<10240x128xf32, #tpu.memory_space<vmem_shared>>
        tpu.enqueue_indirect_dma source(%arg7 : memref<128x128xf32, #tpu.memory_space<vmem>>) target(%dma_start3A_33 : memref<10240x128xf32, #tpu.memory_space<vmem_shared>>) offsets(%dma_start3A_30 : memref<128xi32, #tpu.memory_space<vmem>>) semaphore(%run_scoped3A_28 : memref<!tpu.dma_semaphore, #tpu.memory_space<semaphore_mem>>) {add = true}
        %dma_wait3A = arith.constant 0 : i32
        %dma_wait3A_34 = tpu.memref_slice %arg6[%run_scoped3A_21, %dma_wait3A] : memref<8x128xi32, #tpu.memory_space<vmem>> -> memref<1x128xi32, #tpu.memory_space<vmem>>
        %dma_wait3A_35 = tpu.memref_squeeze %dma_wait3A_34 : memref<1x128xi32, #tpu.memory_space<vmem>> -> memref<128xi32, #tpu.memory_space<vmem>>
        %dma_wait3A_36 = arith.constant 0 : i32
        %dma_wait3A_37 = arith.constant 0 : i32
        %dma_wait3A_38 = tpu.memref_slice %arg8[%dma_wait3A_36, %dma_wait3A_37] : memref<10240x128xf32, #tpu.memory_space<vmem_shared>> -> memref<10240x128xf32, #tpu.memory_space<vmem_shared>>
        tpu.wait_indirect_dma semaphore(%run_scoped3A_28 : memref<!tpu.dma_semaphore, #tpu.memory_space<semaphore_mem>>) src(%arg7 : memref<128x128xf32, #tpu.memory_space<vmem>>) dst(%dma_wait3A_38 : memref<10240x128xf32, #tpu.memory_space<vmem_shared>>)
        tpu.yield
      }) : () -> ()
      %run_scoped3A_22 = arith.constant 2 : i32
      "tpu.region"() ({
        %run_scoped3A_28 = tpu.sem_alloc : memref<!tpu.dma_semaphore, #tpu.memory_space<semaphore_mem>>
        %dma_start3A = arith.constant 0 : i32
        %dma_start3A_29 = tpu.memref_slice %arg6[%run_scoped3A_22, %dma_start3A] : memref<8x128xi32, #tpu.memory_space<vmem>> -> memref<1x128xi32, #tpu.memory_space<vmem>>
        %dma_start3A_30 = tpu.memref_squeeze %dma_start3A_29 : memref<1x128xi32, #tpu.memory_space<vmem>> -> memref<128xi32, #tpu.memory_space<vmem>>
        %dma_start3A_31 = arith.constant 0 : i32
        %dma_start3A_32 = arith.constant 0 : i32
        %dma_start3A_33 = tpu.memref_slice %arg8[%dma_start3A_31, %dma_start3A_32] : memref<10240x128xf32, #tpu.memory_space<vmem_shared>> -> memref<10240x128xf32, #tpu.memory_space<vmem_shared>>
        tpu.enqueue_indirect_dma source(%arg7 : memref<128x128xf32, #tpu.memory_space<vmem>>) target(%dma_start3A_33 : memref<10240x128xf32, #tpu.memory_space<vmem_shared>>) offsets(%dma_start3A_30 : memref<128xi32, #tpu.memory_space<vmem>>) semaphore(%run_scoped3A_28 : memref<!tpu.dma_semaphore, #tpu.memory_space<semaphore_mem>>) {add = true}
        %dma_wait3A = arith.constant 0 : i32
        %dma_wait3A_34 = tpu.memref_slice %arg6[%run_scoped3A_22, %dma_wait3A] : memref<8x128xi32, #tpu.memory_space<vmem>> -> memref<1x128xi32, #tpu.memory_space<vmem>>
        %dma_wait3A_35 = tpu.memref_squeeze %dma_wait3A_34 : memref<1x128xi32, #tpu.memory_space<vmem>> -> memref<128xi32, #tpu.memory_space<vmem>>
        %dma_wait3A_36 = arith.constant 0 : i32
        %dma_wait3A_37 = arith.constant 0 : i32
        %dma_wait3A_38 = tpu.memref_slice %arg8[%dma_wait3A_36, %dma_wait3A_37] : memref<10240x128xf32, #tpu.memory_space<vmem_shared>> -> memref<10240x128xf32, #tpu.memory_space<vmem_shared>>
        tpu.wait_indirect_dma semaphore(%run_scoped3A_28 : memref<!tpu.dma_semaphore, #tpu.memory_space<semaphore_mem>>) src(%arg7 : memref<128x128xf32, #tpu.memory_space<vmem>>) dst(%dma_wait3A_38 : memref<10240x128xf32, #tpu.memory_space<vmem_shared>>)
        tpu.yield
      }) : () -> ()
      %run_scoped3A_23 = arith.constant 3 : i32
      "tpu.region"() ({
        %run_scoped3A_28 = tpu.sem_alloc : memref<!tpu.dma_semaphore, #tpu.memory_space<semaphore_mem>>
        %dma_start3A = arith.constant 0 : i32
        %dma_start3A_29 = tpu.memref_slice %arg6[%run_scoped3A_23, %dma_start3A] : memref<8x128xi32, #tpu.memory_space<vmem>> -> memref<1x128xi32, #tpu.memory_space<vmem>>
        %dma_start3A_30 = tpu.memref_squeeze %dma_start3A_29 : memref<1x128xi32, #tpu.memory_space<vmem>> -> memref<128xi32, #tpu.memory_space<vmem>>
        %dma_start3A_31 = arith.constant 0 : i32
        %dma_start3A_32 = arith.constant 0 : i32
        %dma_start3A_33 = tpu.memref_slice %arg8[%dma_start3A_31, %dma_start3A_32] : memref<10240x128xf32, #tpu.memory_space<vmem_shared>> -> memref<10240x128xf32, #tpu.memory_space<vmem_shared>>
        tpu.enqueue_indirect_dma source(%arg7 : memref<128x128xf32, #tpu.memory_space<vmem>>) target(%dma_start3A_33 : memref<10240x128xf32, #tpu.memory_space<vmem_shared>>) offsets(%dma_start3A_30 : memref<128xi32, #tpu.memory_space<vmem>>) semaphore(%run_scoped3A_28 : memref<!tpu.dma_semaphore, #tpu.memory_space<semaphore_mem>>) {add = true}
        %dma_wait3A = arith.constant 0 : i32
        %dma_wait3A_34 = tpu.memref_slice %arg6[%run_scoped3A_23, %dma_wait3A] : memref<8x128xi32, #tpu.memory_space<vmem>> -> memref<1x128xi32, #tpu.memory_space<vmem>>
        %dma_wait3A_35 = tpu.memref_squeeze %dma_wait3A_34 : memref<1x128xi32, #tpu.memory_space<vmem>> -> memref<128xi32, #tpu.memory_space<vmem>>
        %dma_wait3A_36 = arith.constant 0 : i32
        %dma_wait3A_37 = arith.constant 0 : i32
        %dma_wait3A_38 = tpu.memref_slice %arg8[%dma_wait3A_36, %dma_wait3A_37] : memref<10240x128xf32, #tpu.memory_space<vmem_shared>> -> memref<10240x128xf32, #tpu.memory_space<vmem_shared>>
        tpu.wait_indirect_dma semaphore(%run_scoped3A_28 : memref<!tpu.dma_semaphore, #tpu.memory_space<semaphore_mem>>) src(%arg7 : memref<128x128xf32, #tpu.memory_space<vmem>>) dst(%dma_wait3A_38 : memref<10240x128xf32, #tpu.memory_space<vmem_shared>>)
        tpu.yield
      }) : () -> ()
      %run_scoped3A_24 = arith.constant 4 : i32
      "tpu.region"() ({
        %run_scoped3A_28 = tpu.sem_alloc : memref<!tpu.dma_semaphore, #tpu.memory_space<semaphore_mem>>
        %dma_start3A = arith.constant 0 : i32
        %dma_start3A_29 = tpu.memref_slice %arg6[%run_scoped3A_24, %dma_start3A] : memref<8x128xi32, #tpu.memory_space<vmem>> -> memref<1x128xi32, #tpu.memory_space<vmem>>
        %dma_start3A_30 = tpu.memref_squeeze %dma_start3A_29 : memref<1x128xi32, #tpu.memory_space<vmem>> -> memref<128xi32, #tpu.memory_space<vmem>>
        %dma_start3A_31 = arith.constant 0 : i32
        %dma_start3A_32 = arith.constant 0 : i32
        %dma_start3A_33 = tpu.memref_slice %arg8[%dma_start3A_31, %dma_start3A_32] : memref<10240x128xf32, #tpu.memory_space<vmem_shared>> -> memref<10240x128xf32, #tpu.memory_space<vmem_shared>>
        tpu.enqueue_indirect_dma source(%arg7 : memref<128x128xf32, #tpu.memory_space<vmem>>) target(%dma_start3A_33 : memref<10240x128xf32, #tpu.memory_space<vmem_shared>>) offsets(%dma_start3A_30 : memref<128xi32, #tpu.memory_space<vmem>>) semaphore(%run_scoped3A_28 : memref<!tpu.dma_semaphore, #tpu.memory_space<semaphore_mem>>) {add = true}
        %dma_wait3A = arith.constant 0 : i32
        %dma_wait3A_34 = tpu.memref_slice %arg6[%run_scoped3A_24, %dma_wait3A] : memref<8x128xi32, #tpu.memory_space<vmem>> -> memref<1x128xi32, #tpu.memory_space<vmem>>
        %dma_wait3A_35 = tpu.memref_squeeze %dma_wait3A_34 : memref<1x128xi32, #tpu.memory_space<vmem>> -> memref<128xi32, #tpu.memory_space<vmem>>
        %dma_wait3A_36 = arith.constant 0 : i32
        %dma_wait3A_37 = arith.constant 0 : i32
        %dma_wait3A_38 = tpu.memref_slice %arg8[%dma_wait3A_36, %dma_wait3A_37] : memref<10240x128xf32, #tpu.memory_space<vmem_shared>> -> memref<10240x128xf32, #tpu.memory_space<vmem_shared>>
        tpu.wait_indirect_dma semaphore(%run_scoped3A_28 : memref<!tpu.dma_semaphore, #tpu.memory_space<semaphore_mem>>) src(%arg7 : memref<128x128xf32, #tpu.memory_space<vmem>>) dst(%dma_wait3A_38 : memref<10240x128xf32, #tpu.memory_space<vmem_shared>>)
        tpu.yield
      }) : () -> ()
      %run_scoped3A_25 = arith.constant 5 : i32
      "tpu.region"() ({
        %run_scoped3A_28 = tpu.sem_alloc : memref<!tpu.dma_semaphore, #tpu.memory_space<semaphore_mem>>
        %dma_start3A = arith.constant 0 : i32
        %dma_start3A_29 = tpu.memref_slice %arg6[%run_scoped3A_25, %dma_start3A] : memref<8x128xi32, #tpu.memory_space<vmem>> -> memref<1x128xi32, #tpu.memory_space<vmem>>
        %dma_start3A_30 = tpu.memref_squeeze %dma_start3A_29 : memref<1x128xi32, #tpu.memory_space<vmem>> -> memref<128xi32, #tpu.memory_space<vmem>>
        %dma_start3A_31 = arith.constant 0 : i32
        %dma_start3A_32 = arith.constant 0 : i32
        %dma_start3A_33 = tpu.memref_slice %arg8[%dma_start3A_31, %dma_start3A_32] : memref<10240x128xf32, #tpu.memory_space<vmem_shared>> -> memref<10240x128xf32, #tpu.memory_space<vmem_shared>>
        tpu.enqueue_indirect_dma source(%arg7 : memref<128x128xf32, #tpu.memory_space<vmem>>) target(%dma_start3A_33 : memref<10240x128xf32, #tpu.memory_space<vmem_shared>>) offsets(%dma_start3A_30 : memref<128xi32, #tpu.memory_space<vmem>>) semaphore(%run_scoped3A_28 : memref<!tpu.dma_semaphore, #tpu.memory_space<semaphore_mem>>) {add = true}
        %dma_wait3A = arith.constant 0 : i32
        %dma_wait3A_34 = tpu.memref_slice %arg6[%run_scoped3A_25, %dma_wait3A] : memref<8x128xi32, #tpu.memory_space<vmem>> -> memref<1x128xi32, #tpu.memory_space<vmem>>
        %dma_wait3A_35 = tpu.memref_squeeze %dma_wait3A_34 : memref<1x128xi32, #tpu.memory_space<vmem>> -> memref<128xi32, #tpu.memory_space<vmem>>
        %dma_wait3A_36 = arith.constant 0 : i32
        %dma_wait3A_37 = arith.constant 0 : i32
        %dma_wait3A_38 = tpu.memref_slice %arg8[%dma_wait3A_36, %dma_wait3A_37] : memref<10240x128xf32, #tpu.memory_space<vmem_shared>> -> memref<10240x128xf32, #tpu.memory_space<vmem_shared>>
        tpu.wait_indirect_dma semaphore(%run_scoped3A_28 : memref<!tpu.dma_semaphore, #tpu.memory_space<semaphore_mem>>) src(%arg7 : memref<128x128xf32, #tpu.memory_space<vmem>>) dst(%dma_wait3A_38 : memref<10240x128xf32, #tpu.memory_space<vmem_shared>>)
        tpu.yield
      }) : () -> ()
      %run_scoped3A_26 = arith.constant 6 : i32
      "tpu.region"() ({
        %run_scoped3A_28 = tpu.sem_alloc : memref<!tpu.dma_semaphore, #tpu.memory_space<semaphore_mem>>
        %dma_start3A = arith.constant 0 : i32
        %dma_start3A_29 = tpu.memref_slice %arg6[%run_scoped3A_26, %dma_start3A] : memref<8x128xi32, #tpu.memory_space<vmem>> -> memref<1x128xi32, #tpu.memory_space<vmem>>
        %dma_start3A_30 = tpu.memref_squeeze %dma_start3A_29 : memref<1x128xi32, #tpu.memory_space<vmem>> -> memref<128xi32, #tpu.memory_space<vmem>>
        %dma_start3A_31 = arith.constant 0 : i32
        %dma_start3A_32 = arith.constant 0 : i32
        %dma_start3A_33 = tpu.memref_slice %arg8[%dma_start3A_31, %dma_start3A_32] : memref<10240x128xf32, #tpu.memory_space<vmem_shared>> -> memref<10240x128xf32, #tpu.memory_space<vmem_shared>>
        tpu.enqueue_indirect_dma source(%arg7 : memref<128x128xf32, #tpu.memory_space<vmem>>) target(%dma_start3A_33 : memref<10240x128xf32, #tpu.memory_space<vmem_shared>>) offsets(%dma_start3A_30 : memref<128xi32, #tpu.memory_space<vmem>>) semaphore(%run_scoped3A_28 : memref<!tpu.dma_semaphore, #tpu.memory_space<semaphore_mem>>) {add = true}
        %dma_wait3A = arith.constant 0 : i32
        %dma_wait3A_34 = tpu.memref_slice %arg6[%run_scoped3A_26, %dma_wait3A] : memref<8x128xi32, #tpu.memory_space<vmem>> -> memref<1x128xi32, #tpu.memory_space<vmem>>
        %dma_wait3A_35 = tpu.memref_squeeze %dma_wait3A_34 : memref<1x128xi32, #tpu.memory_space<vmem>> -> memref<128xi32, #tpu.memory_space<vmem>>
        %dma_wait3A_36 = arith.constant 0 : i32
        %dma_wait3A_37 = arith.constant 0 : i32
        %dma_wait3A_38 = tpu.memref_slice %arg8[%dma_wait3A_36, %dma_wait3A_37] : memref<10240x128xf32, #tpu.memory_space<vmem_shared>> -> memref<10240x128xf32, #tpu.memory_space<vmem_shared>>
        tpu.wait_indirect_dma semaphore(%run_scoped3A_28 : memref<!tpu.dma_semaphore, #tpu.memory_space<semaphore_mem>>) src(%arg7 : memref<128x128xf32, #tpu.memory_space<vmem>>) dst(%dma_wait3A_38 : memref<10240x128xf32, #tpu.memory_space<vmem_shared>>)
        tpu.yield
      }) : () -> ()
      %run_scoped3A_27 = arith.constant 7 : i32
      "tpu.region"() ({
        %run_scoped3A_28 = tpu.sem_alloc : memref<!tpu.dma_semaphore, #tpu.memory_space<semaphore_mem>>
        %dma_start3A = arith.constant 0 : i32
        %dma_start3A_29 = tpu.memref_slice %arg6[%run_scoped3A_27, %dma_start3A] : memref<8x128xi32, #tpu.memory_space<vmem>> -> memref<1x128xi32, #tpu.memory_space<vmem>>
        %dma_start3A_30 = tpu.memref_squeeze %dma_start3A_29 : memref<1x128xi32, #tpu.memory_space<vmem>> -> memref<128xi32, #tpu.memory_space<vmem>>
        %dma_start3A_31 = arith.constant 0 : i32
        %dma_start3A_32 = arith.constant 0 : i32
        %dma_start3A_33 = tpu.memref_slice %arg8[%dma_start3A_31, %dma_start3A_32] : memref<10240x128xf32, #tpu.memory_space<vmem_shared>> -> memref<10240x128xf32, #tpu.memory_space<vmem_shared>>
        tpu.enqueue_indirect_dma source(%arg7 : memref<128x128xf32, #tpu.memory_space<vmem>>) target(%dma_start3A_33 : memref<10240x128xf32, #tpu.memory_space<vmem_shared>>) offsets(%dma_start3A_30 : memref<128xi32, #tpu.memory_space<vmem>>) semaphore(%run_scoped3A_28 : memref<!tpu.dma_semaphore, #tpu.memory_space<semaphore_mem>>) {add = true}
        %dma_wait3A = arith.constant 0 : i32
        %dma_wait3A_34 = tpu.memref_slice %arg6[%run_scoped3A_27, %dma_wait3A] : memref<8x128xi32, #tpu.memory_space<vmem>> -> memref<1x128xi32, #tpu.memory_space<vmem>>
        %dma_wait3A_35 = tpu.memref_squeeze %dma_wait3A_34 : memref<1x128xi32, #tpu.memory_space<vmem>> -> memref<128xi32, #tpu.memory_space<vmem>>
        %dma_wait3A_36 = arith.constant 0 : i32
        %dma_wait3A_37 = arith.constant 0 : i32
        %dma_wait3A_38 = tpu.memref_slice %arg8[%dma_wait3A_36, %dma_wait3A_37] : memref<10240x128xf32, #tpu.memory_space<vmem_shared>> -> memref<10240x128xf32, #tpu.memory_space<vmem_shared>>
        tpu.wait_indirect_dma semaphore(%run_scoped3A_28 : memref<!tpu.dma_semaphore, #tpu.memory_space<semaphore_mem>>) src(%arg7 : memref<128x128xf32, #tpu.memory_space<vmem>>) dst(%dma_wait3A_38 : memref<10240x128xf32, #tpu.memory_space<vmem_shared>>)
        tpu.yield
      }) : () -> ()
    }
    %scan3A_8 = arith.constant 10 : i32
    %barrier3A_9 = arith.constant 0 : index
    tpu.barrier barrier_id(%barrier3A_9)
    %mul3A_10 = arith.constant 640 : i32
    %mul3A_11 = arith.muli %arg1, %mul3A_10 : i32
    %mul3A_12 = arith.constant 640 : i32
    %mul3A_13 = arith.muli %arg1, %mul3A_12 : i32
    "tpu.region"() ({
      %run_scoped3A = tpu.sem_alloc : memref<!tpu.dma_semaphore, #tpu.memory_space<semaphore_mem>>
      %dma_start3A = arith.constant 0 : i32
      %dma_start3A_14 = tpu.memref_slice %arg5[%arg0, %mul3A_13, %dma_start3A] : memref<2x10240x128xf32, #tpu.memory_space<hbm>> -> memref<1x640x128xf32, #tpu.memory_space<hbm>>
      %dma_start3A_15 = tpu.memref_squeeze %dma_start3A_14 : memref<1x640x128xf32, #tpu.memory_space<hbm>> -> memref<640x128xf32, #tpu.memory_space<hbm>>
      %dma_start3A_16 = arith.constant 0 : i32
      %dma_start3A_17 = tpu.memref_slice %arg8[%mul3A_11, %dma_start3A_16] : memref<10240x128xf32, #tpu.memory_space<vmem_shared>> -> memref<640x128xf32, #tpu.memory_space<vmem_shared>>
      tpu.enqueue_dma source(%dma_start3A_17 : memref<640x128xf32, #tpu.memory_space<vmem_shared>>) target(%dma_start3A_15 : memref<640x128xf32, #tpu.memory_space<hbm>>) target_semaphore(%run_scoped3A : memref<!tpu.dma_semaphore, #tpu.memory_space<semaphore_mem>>)
      %dma_wait3A = arith.constant 0 : i32
      %dma_wait3A_18 = tpu.memref_slice %arg5[%arg0, %mul3A_13, %dma_wait3A] : memref<2x10240x128xf32, #tpu.memory_space<hbm>> -> memref<1x640x128xf32, #tpu.memory_space<hbm>>
      %dma_wait3A_19 = tpu.memref_squeeze %dma_wait3A_18 : memref<1x640x128xf32, #tpu.memory_space<hbm>> -> memref<640x128xf32, #tpu.memory_space<hbm>>
      %dma_wait3A_20 = arith.constant 0 : i32
      %dma_wait3A_21 = tpu.memref_slice %arg8[%mul3A_11, %dma_wait3A_20] : memref<10240x128xf32, #tpu.memory_space<vmem_shared>> -> memref<640x128xf32, #tpu.memory_space<vmem_shared>>
      tpu.wait_dma2 semaphore(%run_scoped3A : memref<!tpu.dma_semaphore, #tpu.memory_space<semaphore_mem>>) src(%dma_wait3A_21 : memref<640x128xf32, #tpu.memory_space<vmem_shared>>) dst(%dma_wait3A_19 : memref<640x128xf32, #tpu.memory_space<hbm>>)
      tpu.yield
    }) : () -> ()
    return
  }
}

#map = affine_map<(d0, d1) -> (0, 0)>
#map1 = affine_map<(d0, d1) -> (0, 0, 0)>
module attributes {stable_mosaic.version = 14 : i64} {
  func.func @body(%arg0: i32, %arg1: i32, %arg2: memref<10240x128xf32, #tpu.memory_space<hbm>>, %arg3: memref<32x80x128xi32, #tpu.memory_space<hbm>>, %arg4: memref<32x80x128xi32, #tpu.memory_space<hbm>>, %arg5: memref<10240x128xf32, #tpu.memory_space<hbm>>, %arg6: memref<2x10240x128xf32, #tpu.memory_space<hbm>>, %arg7: memref<8x128xi32, #tpu.memory_space<vmem>>, %arg8: memref<8x128xi32, #tpu.memory_space<vmem>>, %arg9: memref<128x128xf32, #tpu.memory_space<vmem>>, %arg10: memref<128x128xf32, #tpu.memory_space<vmem>>, %arg11: memref<10240x128xf32, #tpu.memory_space<vmem_shared>>, %arg12: memref<!tpu.dma_semaphore, #tpu.memory_space<semaphore_mem>>, %arg13: memref<!tpu.dma_semaphore, #tpu.memory_space<semaphore_mem>>) attributes {dimension_semantics = [#tpu.dimension_semantics<core_parallel>, #tpu.dimension_semantics<subcore_parallel>], iteration_bounds = array<i64: 2, 16>, scalar_prefetch = 0 : i64, scratch_operands = 7 : i64, tpu.core_type = #tpu.core_type<sc_vector_subcore>, window_params = [{transform_indices = #map}, {transform_indices = #map1}, {transform_indices = #map1}, {transform_indices = #map}, {transform_indices = #map1}]} {
    %mul3A = arith.constant 2 : i32
    %mul3A_0 = arith.muli %arg1, %mul3A : i32
    %add3A = arith.addi %mul3A_0, %arg0 : i32
    %mul3A_1 = arith.constant 640 : i32
    %mul3A_2 = arith.muli %arg1, %mul3A_1 : i32
    %mul3A_3 = arith.constant 640 : i32
    %mul3A_4 = arith.muli %arg1, %mul3A_3 : i32
    "tpu.region"() ({
      %run_scoped3A = tpu.sem_alloc : memref<!tpu.dma_semaphore, #tpu.memory_space<semaphore_mem>>
      %dma_start3A = arith.constant 0 : i32
      %dma_start3A_14 = tpu.memref_slice %arg11[%mul3A_4, %dma_start3A] : memref<10240x128xf32, #tpu.memory_space<vmem_shared>> -> memref<640x128xf32, #tpu.memory_space<vmem_shared>>
      %dma_start3A_15 = arith.constant 0 : i32
      %dma_start3A_16 = tpu.memref_slice %arg5[%mul3A_2, %dma_start3A_15] : memref<10240x128xf32, #tpu.memory_space<hbm>> -> memref<640x128xf32, #tpu.memory_space<hbm>>
      tpu.enqueue_dma source(%dma_start3A_16 : memref<640x128xf32, #tpu.memory_space<hbm>>) target(%dma_start3A_14 : memref<640x128xf32, #tpu.memory_space<vmem_shared>>) target_semaphore(%run_scoped3A : memref<!tpu.dma_semaphore, #tpu.memory_space<semaphore_mem>>)
      %dma_wait3A = arith.constant 0 : i32
      %dma_wait3A_17 = tpu.memref_slice %arg11[%mul3A_4, %dma_wait3A] : memref<10240x128xf32, #tpu.memory_space<vmem_shared>> -> memref<640x128xf32, #tpu.memory_space<vmem_shared>>
      %dma_wait3A_18 = arith.constant 0 : i32
      %dma_wait3A_19 = tpu.memref_slice %arg5[%mul3A_2, %dma_wait3A_18] : memref<10240x128xf32, #tpu.memory_space<hbm>> -> memref<640x128xf32, #tpu.memory_space<hbm>>
      tpu.wait_dma2 semaphore(%run_scoped3A : memref<!tpu.dma_semaphore, #tpu.memory_space<semaphore_mem>>) src(%dma_wait3A_19 : memref<640x128xf32, #tpu.memory_space<hbm>>) dst(%dma_wait3A_17 : memref<640x128xf32, #tpu.memory_space<vmem_shared>>)
      tpu.yield
    }) : () -> ()
    %barrier3A = arith.constant 0 : index
    tpu.barrier barrier_id(%barrier3A)
    %scan3A = arith.constant 0 : i32
    %scan3A_5 = arith.constant 10 : i32
    %scan3A_6 = arith.addi %scan3A, %scan3A_5 : i32
    %scan3A_7 = arith.constant 1 : i32
    scf.for %scan3A_14 = %scan3A to %scan3A_6 step %scan3A_7  : i32 {
      %mul3A_15 = arith.constant 1 : i32
      %mul3A_16 = arith.muli %scan3A_14, %mul3A_15 : i32
      %add3A_17 = arith.constant 0 : i32
      %add3A_18 = arith.addi %add3A_17, %mul3A_16 : i32
      %mul3A_19 = arith.constant 8 : i32
      %mul3A_20 = arith.muli %add3A_18, %mul3A_19 : i32
      "tpu.region"() ({
        %run_scoped3A_140 = tpu.sem_alloc : memref<!tpu.dma_semaphore, #tpu.memory_space<semaphore_mem>>
        %dma_start3A_141 = arith.constant 0 : i32
        %dma_start3A_142 = tpu.memref_slice %arg3[%add3A, %mul3A_20, %dma_start3A_141] : memref<32x80x128xi32, #tpu.memory_space<hbm>> -> memref<1x8x128xi32, #tpu.memory_space<hbm>>
        %dma_start3A_143 = tpu.memref_squeeze %dma_start3A_142 : memref<1x8x128xi32, #tpu.memory_space<hbm>> -> memref<8x128xi32, #tpu.memory_space<hbm>>
        %dma_start3A_144 = arith.constant 0 : i32
        %dma_start3A_145 = tpu.memref_slice %arg3[%add3A, %mul3A_20, %dma_start3A_144] : memref<32x80x128xi32, #tpu.memory_space<hbm>> -> memref<1x8x128xi32, #tpu.memory_space<hbm>>
        %dma_start3A_146 = tpu.memref_squeeze %dma_start3A_145 : memref<1x8x128xi32, #tpu.memory_space<hbm>> -> memref<8x128xi32, #tpu.memory_space<hbm>>
        tpu.enqueue_dma source(%dma_start3A_146 : memref<8x128xi32, #tpu.memory_space<hbm>>) target(%arg7 : memref<8x128xi32, #tpu.memory_space<vmem>>) target_semaphore(%run_scoped3A_140 : memref<!tpu.dma_semaphore, #tpu.memory_space<semaphore_mem>>)
        %dma_wait3A_147 = arith.constant 0 : i32
        %dma_wait3A_148 = tpu.memref_slice %arg3[%add3A, %mul3A_20, %dma_wait3A_147] : memref<32x80x128xi32, #tpu.memory_space<hbm>> -> memref<1x8x128xi32, #tpu.memory_space<hbm>>
        %dma_wait3A_149 = tpu.memref_squeeze %dma_wait3A_148 : memref<1x8x128xi32, #tpu.memory_space<hbm>> -> memref<8x128xi32, #tpu.memory_space<hbm>>
        %dma_wait3A_150 = arith.constant 0 : i32
        %dma_wait3A_151 = tpu.memref_slice %arg3[%add3A, %mul3A_20, %dma_wait3A_150] : memref<32x80x128xi32, #tpu.memory_space<hbm>> -> memref<1x8x128xi32, #tpu.memory_space<hbm>>
        %dma_wait3A_152 = tpu.memref_squeeze %dma_wait3A_151 : memref<1x8x128xi32, #tpu.memory_space<hbm>> -> memref<8x128xi32, #tpu.memory_space<hbm>>
        tpu.wait_dma2 semaphore(%run_scoped3A_140 : memref<!tpu.dma_semaphore, #tpu.memory_space<semaphore_mem>>) src(%dma_wait3A_152 : memref<8x128xi32, #tpu.memory_space<hbm>>) dst(%arg7 : memref<8x128xi32, #tpu.memory_space<vmem>>)
        tpu.yield
      }) : () -> ()
      %mul3A_21 = arith.constant 8 : i32
      %mul3A_22 = arith.muli %add3A_18, %mul3A_21 : i32
      "tpu.region"() ({
        %run_scoped3A_140 = tpu.sem_alloc : memref<!tpu.dma_semaphore, #tpu.memory_space<semaphore_mem>>
        %dma_start3A_141 = arith.constant 0 : i32
        %dma_start3A_142 = tpu.memref_slice %arg4[%add3A, %mul3A_22, %dma_start3A_141] : memref<32x80x128xi32, #tpu.memory_space<hbm>> -> memref<1x8x128xi32, #tpu.memory_space<hbm>>
        %dma_start3A_143 = tpu.memref_squeeze %dma_start3A_142 : memref<1x8x128xi32, #tpu.memory_space<hbm>> -> memref<8x128xi32, #tpu.memory_space<hbm>>
        %dma_start3A_144 = arith.constant 0 : i32
        %dma_start3A_145 = tpu.memref_slice %arg4[%add3A, %mul3A_22, %dma_start3A_144] : memref<32x80x128xi32, #tpu.memory_space<hbm>> -> memref<1x8x128xi32, #tpu.memory_space<hbm>>
        %dma_start3A_146 = tpu.memref_squeeze %dma_start3A_145 : memref<1x8x128xi32, #tpu.memory_space<hbm>> -> memref<8x128xi32, #tpu.memory_space<hbm>>
        tpu.enqueue_dma source(%dma_start3A_146 : memref<8x128xi32, #tpu.memory_space<hbm>>) target(%arg8 : memref<8x128xi32, #tpu.memory_space<vmem>>) target_semaphore(%run_scoped3A_140 : memref<!tpu.dma_semaphore, #tpu.memory_space<semaphore_mem>>)
        %dma_wait3A_147 = arith.constant 0 : i32
        %dma_wait3A_148 = tpu.memref_slice %arg4[%add3A, %mul3A_22, %dma_wait3A_147] : memref<32x80x128xi32, #tpu.memory_space<hbm>> -> memref<1x8x128xi32, #tpu.memory_space<hbm>>
        %dma_wait3A_149 = tpu.memref_squeeze %dma_wait3A_148 : memref<1x8x128xi32, #tpu.memory_space<hbm>> -> memref<8x128xi32, #tpu.memory_space<hbm>>
        %dma_wait3A_150 = arith.constant 0 : i32
        %dma_wait3A_151 = tpu.memref_slice %arg4[%add3A, %mul3A_22, %dma_wait3A_150] : memref<32x80x128xi32, #tpu.memory_space<hbm>> -> memref<1x8x128xi32, #tpu.memory_space<hbm>>
        %dma_wait3A_152 = tpu.memref_squeeze %dma_wait3A_151 : memref<1x8x128xi32, #tpu.memory_space<hbm>> -> memref<8x128xi32, #tpu.memory_space<hbm>>
        tpu.wait_dma2 semaphore(%run_scoped3A_140 : memref<!tpu.dma_semaphore, #tpu.memory_space<semaphore_mem>>) src(%dma_wait3A_152 : memref<8x128xi32, #tpu.memory_space<hbm>>) dst(%arg8 : memref<8x128xi32, #tpu.memory_space<vmem>>)
        tpu.yield
      }) : () -> ()
      %dma_start3A = arith.constant 0 : i32
      %dma_start3A_23 = arith.constant 0 : i32
      %dma_start3A_24 = tpu.memref_slice %arg7[%dma_start3A, %dma_start3A_23] : memref<8x128xi32, #tpu.memory_space<vmem>> -> memref<1x128xi32, #tpu.memory_space<vmem>>
      %dma_start3A_25 = tpu.memref_squeeze %dma_start3A_24 : memref<1x128xi32, #tpu.memory_space<vmem>> -> memref<128xi32, #tpu.memory_space<vmem>>
      %dma_start3A_26 = arith.constant 0 : i32
      %dma_start3A_27 = arith.constant 0 : i32
      %dma_start3A_28 = tpu.memref_slice %arg2[%dma_start3A_26, %dma_start3A_27] : memref<10240x128xf32, #tpu.memory_space<hbm>> -> memref<10240x128xf32, #tpu.memory_space<hbm>>
      tpu.enqueue_indirect_dma source(%dma_start3A_28 : memref<10240x128xf32, #tpu.memory_space<hbm>>) target(%arg9 : memref<128x128xf32, #tpu.memory_space<vmem>>) offsets(%dma_start3A_25 : memref<128xi32, #tpu.memory_space<vmem>>) semaphore(%arg12 : memref<!tpu.dma_semaphore, #tpu.memory_space<semaphore_mem>>)
      %dma_start3A_29 = arith.constant 1 : i32
      %dma_start3A_30 = arith.constant 0 : i32
      %dma_start3A_31 = tpu.memref_slice %arg7[%dma_start3A_29, %dma_start3A_30] : memref<8x128xi32, #tpu.memory_space<vmem>> -> memref<1x128xi32, #tpu.memory_space<vmem>>
      %dma_start3A_32 = tpu.memref_squeeze %dma_start3A_31 : memref<1x128xi32, #tpu.memory_space<vmem>> -> memref<128xi32, #tpu.memory_space<vmem>>
      %dma_start3A_33 = arith.constant 0 : i32
      %dma_start3A_34 = arith.constant 0 : i32
      %dma_start3A_35 = tpu.memref_slice %arg2[%dma_start3A_33, %dma_start3A_34] : memref<10240x128xf32, #tpu.memory_space<hbm>> -> memref<10240x128xf32, #tpu.memory_space<hbm>>
      tpu.enqueue_indirect_dma source(%dma_start3A_35 : memref<10240x128xf32, #tpu.memory_space<hbm>>) target(%arg10 : memref<128x128xf32, #tpu.memory_space<vmem>>) offsets(%dma_start3A_32 : memref<128xi32, #tpu.memory_space<vmem>>) semaphore(%arg13 : memref<!tpu.dma_semaphore, #tpu.memory_space<semaphore_mem>>)
      %dma_wait3A = arith.constant 0 : i32
      %dma_wait3A_36 = arith.constant 0 : i32
      %dma_wait3A_37 = tpu.memref_slice %arg7[%dma_wait3A, %dma_wait3A_36] : memref<8x128xi32, #tpu.memory_space<vmem>> -> memref<1x128xi32, #tpu.memory_space<vmem>>
      %dma_wait3A_38 = tpu.memref_squeeze %dma_wait3A_37 : memref<1x128xi32, #tpu.memory_space<vmem>> -> memref<128xi32, #tpu.memory_space<vmem>>
      %dma_wait3A_39 = arith.constant 0 : i32
      %dma_wait3A_40 = arith.constant 0 : i32
      %dma_wait3A_41 = tpu.memref_slice %arg2[%dma_wait3A_39, %dma_wait3A_40] : memref<10240x128xf32, #tpu.memory_space<hbm>> -> memref<10240x128xf32, #tpu.memory_space<hbm>>
      tpu.wait_indirect_dma semaphore(%arg12 : memref<!tpu.dma_semaphore, #tpu.memory_space<semaphore_mem>>) src(%dma_wait3A_41 : memref<10240x128xf32, #tpu.memory_space<hbm>>) dst(%arg9 : memref<128x128xf32, #tpu.memory_space<vmem>>)
      %run_scoped3A = arith.constant 0 : i32
      "tpu.region"() ({
        %run_scoped3A_140 = tpu.sem_alloc : memref<!tpu.dma_semaphore, #tpu.memory_space<semaphore_mem>>
        %dma_start3A_141 = arith.constant 0 : i32
        %dma_start3A_142 = tpu.memref_slice %arg8[%run_scoped3A, %dma_start3A_141] : memref<8x128xi32, #tpu.memory_space<vmem>> -> memref<1x128xi32, #tpu.memory_space<vmem>>
        %dma_start3A_143 = tpu.memref_squeeze %dma_start3A_142 : memref<1x128xi32, #tpu.memory_space<vmem>> -> memref<128xi32, #tpu.memory_space<vmem>>
        %dma_start3A_144 = arith.constant 0 : i32
        %dma_start3A_145 = arith.constant 0 : i32
        %dma_start3A_146 = tpu.memref_slice %arg11[%dma_start3A_144, %dma_start3A_145] : memref<10240x128xf32, #tpu.memory_space<vmem_shared>> -> memref<10240x128xf32, #tpu.memory_space<vmem_shared>>
        tpu.enqueue_indirect_dma source(%arg9 : memref<128x128xf32, #tpu.memory_space<vmem>>) target(%dma_start3A_146 : memref<10240x128xf32, #tpu.memory_space<vmem_shared>>) offsets(%dma_start3A_143 : memref<128xi32, #tpu.memory_space<vmem>>) semaphore(%run_scoped3A_140 : memref<!tpu.dma_semaphore, #tpu.memory_space<semaphore_mem>>) {add = true}
        %dma_wait3A_147 = arith.constant 0 : i32
        %dma_wait3A_148 = tpu.memref_slice %arg8[%run_scoped3A, %dma_wait3A_147] : memref<8x128xi32, #tpu.memory_space<vmem>> -> memref<1x128xi32, #tpu.memory_space<vmem>>
        %dma_wait3A_149 = tpu.memref_squeeze %dma_wait3A_148 : memref<1x128xi32, #tpu.memory_space<vmem>> -> memref<128xi32, #tpu.memory_space<vmem>>
        %dma_wait3A_150 = arith.constant 0 : i32
        %dma_wait3A_151 = arith.constant 0 : i32
        %dma_wait3A_152 = tpu.memref_slice %arg11[%dma_wait3A_150, %dma_wait3A_151] : memref<10240x128xf32, #tpu.memory_space<vmem_shared>> -> memref<10240x128xf32, #tpu.memory_space<vmem_shared>>
        tpu.wait_indirect_dma semaphore(%run_scoped3A_140 : memref<!tpu.dma_semaphore, #tpu.memory_space<semaphore_mem>>) src(%arg9 : memref<128x128xf32, #tpu.memory_space<vmem>>) dst(%dma_wait3A_152 : memref<10240x128xf32, #tpu.memory_space<vmem_shared>>)
        tpu.yield
      }) : () -> ()
      %dma_start3A_42 = arith.constant 2 : i32
      %dma_start3A_43 = arith.constant 0 : i32
      %dma_start3A_44 = tpu.memref_slice %arg7[%dma_start3A_42, %dma_start3A_43] : memref<8x128xi32, #tpu.memory_space<vmem>> -> memref<1x128xi32, #tpu.memory_space<vmem>>
      %dma_start3A_45 = tpu.memref_squeeze %dma_start3A_44 : memref<1x128xi32, #tpu.memory_space<vmem>> -> memref<128xi32, #tpu.memory_space<vmem>>
      %dma_start3A_46 = arith.constant 0 : i32
      %dma_start3A_47 = arith.constant 0 : i32
      %dma_start3A_48 = tpu.memref_slice %arg2[%dma_start3A_46, %dma_start3A_47] : memref<10240x128xf32, #tpu.memory_space<hbm>> -> memref<10240x128xf32, #tpu.memory_space<hbm>>
      tpu.enqueue_indirect_dma source(%dma_start3A_48 : memref<10240x128xf32, #tpu.memory_space<hbm>>) target(%arg9 : memref<128x128xf32, #tpu.memory_space<vmem>>) offsets(%dma_start3A_45 : memref<128xi32, #tpu.memory_space<vmem>>) semaphore(%arg12 : memref<!tpu.dma_semaphore, #tpu.memory_space<semaphore_mem>>)
      %dma_wait3A_49 = arith.constant 1 : i32
      %dma_wait3A_50 = arith.constant 0 : i32
      %dma_wait3A_51 = tpu.memref_slice %arg7[%dma_wait3A_49, %dma_wait3A_50] : memref<8x128xi32, #tpu.memory_space<vmem>> -> memref<1x128xi32, #tpu.memory_space<vmem>>
      %dma_wait3A_52 = tpu.memref_squeeze %dma_wait3A_51 : memref<1x128xi32, #tpu.memory_space<vmem>> -> memref<128xi32, #tpu.memory_space<vmem>>
      %dma_wait3A_53 = arith.constant 0 : i32
      %dma_wait3A_54 = arith.constant 0 : i32
      %dma_wait3A_55 = tpu.memref_slice %arg2[%dma_wait3A_53, %dma_wait3A_54] : memref<10240x128xf32, #tpu.memory_space<hbm>> -> memref<10240x128xf32, #tpu.memory_space<hbm>>
      tpu.wait_indirect_dma semaphore(%arg13 : memref<!tpu.dma_semaphore, #tpu.memory_space<semaphore_mem>>) src(%dma_wait3A_55 : memref<10240x128xf32, #tpu.memory_space<hbm>>) dst(%arg10 : memref<128x128xf32, #tpu.memory_space<vmem>>)
      %run_scoped3A_56 = arith.constant 1 : i32
      "tpu.region"() ({
        %run_scoped3A_140 = tpu.sem_alloc : memref<!tpu.dma_semaphore, #tpu.memory_space<semaphore_mem>>
        %dma_start3A_141 = arith.constant 0 : i32
        %dma_start3A_142 = tpu.memref_slice %arg8[%run_scoped3A_56, %dma_start3A_141] : memref<8x128xi32, #tpu.memory_space<vmem>> -> memref<1x128xi32, #tpu.memory_space<vmem>>
        %dma_start3A_143 = tpu.memref_squeeze %dma_start3A_142 : memref<1x128xi32, #tpu.memory_space<vmem>> -> memref<128xi32, #tpu.memory_space<vmem>>
        %dma_start3A_144 = arith.constant 0 : i32
        %dma_start3A_145 = arith.constant 0 : i32
        %dma_start3A_146 = tpu.memref_slice %arg11[%dma_start3A_144, %dma_start3A_145] : memref<10240x128xf32, #tpu.memory_space<vmem_shared>> -> memref<10240x128xf32, #tpu.memory_space<vmem_shared>>
        tpu.enqueue_indirect_dma source(%arg10 : memref<128x128xf32, #tpu.memory_space<vmem>>) target(%dma_start3A_146 : memref<10240x128xf32, #tpu.memory_space<vmem_shared>>) offsets(%dma_start3A_143 : memref<128xi32, #tpu.memory_space<vmem>>) semaphore(%run_scoped3A_140 : memref<!tpu.dma_semaphore, #tpu.memory_space<semaphore_mem>>) {add = true}
        %dma_wait3A_147 = arith.constant 0 : i32
        %dma_wait3A_148 = tpu.memref_slice %arg8[%run_scoped3A_56, %dma_wait3A_147] : memref<8x128xi32, #tpu.memory_space<vmem>> -> memref<1x128xi32, #tpu.memory_space<vmem>>
        %dma_wait3A_149 = tpu.memref_squeeze %dma_wait3A_148 : memref<1x128xi32, #tpu.memory_space<vmem>> -> memref<128xi32, #tpu.memory_space<vmem>>
        %dma_wait3A_150 = arith.constant 0 : i32
        %dma_wait3A_151 = arith.constant 0 : i32
        %dma_wait3A_152 = tpu.memref_slice %arg11[%dma_wait3A_150, %dma_wait3A_151] : memref<10240x128xf32, #tpu.memory_space<vmem_shared>> -> memref<10240x128xf32, #tpu.memory_space<vmem_shared>>
        tpu.wait_indirect_dma semaphore(%run_scoped3A_140 : memref<!tpu.dma_semaphore, #tpu.memory_space<semaphore_mem>>) src(%arg10 : memref<128x128xf32, #tpu.memory_space<vmem>>) dst(%dma_wait3A_152 : memref<10240x128xf32, #tpu.memory_space<vmem_shared>>)
        tpu.yield
      }) : () -> ()
      %dma_start3A_57 = arith.constant 3 : i32
      %dma_start3A_58 = arith.constant 0 : i32
      %dma_start3A_59 = tpu.memref_slice %arg7[%dma_start3A_57, %dma_start3A_58] : memref<8x128xi32, #tpu.memory_space<vmem>> -> memref<1x128xi32, #tpu.memory_space<vmem>>
      %dma_start3A_60 = tpu.memref_squeeze %dma_start3A_59 : memref<1x128xi32, #tpu.memory_space<vmem>> -> memref<128xi32, #tpu.memory_space<vmem>>
      %dma_start3A_61 = arith.constant 0 : i32
      %dma_start3A_62 = arith.constant 0 : i32
      %dma_start3A_63 = tpu.memref_slice %arg2[%dma_start3A_61, %dma_start3A_62] : memref<10240x128xf32, #tpu.memory_space<hbm>> -> memref<10240x128xf32, #tpu.memory_space<hbm>>
      tpu.enqueue_indirect_dma source(%dma_start3A_63 : memref<10240x128xf32, #tpu.memory_space<hbm>>) target(%arg10 : memref<128x128xf32, #tpu.memory_space<vmem>>) offsets(%dma_start3A_60 : memref<128xi32, #tpu.memory_space<vmem>>) semaphore(%arg13 : memref<!tpu.dma_semaphore, #tpu.memory_space<semaphore_mem>>)
      %dma_wait3A_64 = arith.constant 2 : i32
      %dma_wait3A_65 = arith.constant 0 : i32
      %dma_wait3A_66 = tpu.memref_slice %arg7[%dma_wait3A_64, %dma_wait3A_65] : memref<8x128xi32, #tpu.memory_space<vmem>> -> memref<1x128xi32, #tpu.memory_space<vmem>>
      %dma_wait3A_67 = tpu.memref_squeeze %dma_wait3A_66 : memref<1x128xi32, #tpu.memory_space<vmem>> -> memref<128xi32, #tpu.memory_space<vmem>>
      %dma_wait3A_68 = arith.constant 0 : i32
      %dma_wait3A_69 = arith.constant 0 : i32
      %dma_wait3A_70 = tpu.memref_slice %arg2[%dma_wait3A_68, %dma_wait3A_69] : memref<10240x128xf32, #tpu.memory_space<hbm>> -> memref<10240x128xf32, #tpu.memory_space<hbm>>
      tpu.wait_indirect_dma semaphore(%arg12 : memref<!tpu.dma_semaphore, #tpu.memory_space<semaphore_mem>>) src(%dma_wait3A_70 : memref<10240x128xf32, #tpu.memory_space<hbm>>) dst(%arg9 : memref<128x128xf32, #tpu.memory_space<vmem>>)
      %run_scoped3A_71 = arith.constant 2 : i32
      "tpu.region"() ({
        %run_scoped3A_140 = tpu.sem_alloc : memref<!tpu.dma_semaphore, #tpu.memory_space<semaphore_mem>>
        %dma_start3A_141 = arith.constant 0 : i32
        %dma_start3A_142 = tpu.memref_slice %arg8[%run_scoped3A_71, %dma_start3A_141] : memref<8x128xi32, #tpu.memory_space<vmem>> -> memref<1x128xi32, #tpu.memory_space<vmem>>
        %dma_start3A_143 = tpu.memref_squeeze %dma_start3A_142 : memref<1x128xi32, #tpu.memory_space<vmem>> -> memref<128xi32, #tpu.memory_space<vmem>>
        %dma_start3A_144 = arith.constant 0 : i32
        %dma_start3A_145 = arith.constant 0 : i32
        %dma_start3A_146 = tpu.memref_slice %arg11[%dma_start3A_144, %dma_start3A_145] : memref<10240x128xf32, #tpu.memory_space<vmem_shared>> -> memref<10240x128xf32, #tpu.memory_space<vmem_shared>>
        tpu.enqueue_indirect_dma source(%arg9 : memref<128x128xf32, #tpu.memory_space<vmem>>) target(%dma_start3A_146 : memref<10240x128xf32, #tpu.memory_space<vmem_shared>>) offsets(%dma_start3A_143 : memref<128xi32, #tpu.memory_space<vmem>>) semaphore(%run_scoped3A_140 : memref<!tpu.dma_semaphore, #tpu.memory_space<semaphore_mem>>) {add = true}
        %dma_wait3A_147 = arith.constant 0 : i32
        %dma_wait3A_148 = tpu.memref_slice %arg8[%run_scoped3A_71, %dma_wait3A_147] : memref<8x128xi32, #tpu.memory_space<vmem>> -> memref<1x128xi32, #tpu.memory_space<vmem>>
        %dma_wait3A_149 = tpu.memref_squeeze %dma_wait3A_148 : memref<1x128xi32, #tpu.memory_space<vmem>> -> memref<128xi32, #tpu.memory_space<vmem>>
        %dma_wait3A_150 = arith.constant 0 : i32
        %dma_wait3A_151 = arith.constant 0 : i32
        %dma_wait3A_152 = tpu.memref_slice %arg11[%dma_wait3A_150, %dma_wait3A_151] : memref<10240x128xf32, #tpu.memory_space<vmem_shared>> -> memref<10240x128xf32, #tpu.memory_space<vmem_shared>>
        tpu.wait_indirect_dma semaphore(%run_scoped3A_140 : memref<!tpu.dma_semaphore, #tpu.memory_space<semaphore_mem>>) src(%arg9 : memref<128x128xf32, #tpu.memory_space<vmem>>) dst(%dma_wait3A_152 : memref<10240x128xf32, #tpu.memory_space<vmem_shared>>)
        tpu.yield
      }) : () -> ()
      %dma_start3A_72 = arith.constant 4 : i32
      %dma_start3A_73 = arith.constant 0 : i32
      %dma_start3A_74 = tpu.memref_slice %arg7[%dma_start3A_72, %dma_start3A_73] : memref<8x128xi32, #tpu.memory_space<vmem>> -> memref<1x128xi32, #tpu.memory_space<vmem>>
      %dma_start3A_75 = tpu.memref_squeeze %dma_start3A_74 : memref<1x128xi32, #tpu.memory_space<vmem>> -> memref<128xi32, #tpu.memory_space<vmem>>
      %dma_start3A_76 = arith.constant 0 : i32
      %dma_start3A_77 = arith.constant 0 : i32
      %dma_start3A_78 = tpu.memref_slice %arg2[%dma_start3A_76, %dma_start3A_77] : memref<10240x128xf32, #tpu.memory_space<hbm>> -> memref<10240x128xf32, #tpu.memory_space<hbm>>
      tpu.enqueue_indirect_dma source(%dma_start3A_78 : memref<10240x128xf32, #tpu.memory_space<hbm>>) target(%arg9 : memref<128x128xf32, #tpu.memory_space<vmem>>) offsets(%dma_start3A_75 : memref<128xi32, #tpu.memory_space<vmem>>) semaphore(%arg12 : memref<!tpu.dma_semaphore, #tpu.memory_space<semaphore_mem>>)
      %dma_wait3A_79 = arith.constant 3 : i32
      %dma_wait3A_80 = arith.constant 0 : i32
      %dma_wait3A_81 = tpu.memref_slice %arg7[%dma_wait3A_79, %dma_wait3A_80] : memref<8x128xi32, #tpu.memory_space<vmem>> -> memref<1x128xi32, #tpu.memory_space<vmem>>
      %dma_wait3A_82 = tpu.memref_squeeze %dma_wait3A_81 : memref<1x128xi32, #tpu.memory_space<vmem>> -> memref<128xi32, #tpu.memory_space<vmem>>
      %dma_wait3A_83 = arith.constant 0 : i32
      %dma_wait3A_84 = arith.constant 0 : i32
      %dma_wait3A_85 = tpu.memref_slice %arg2[%dma_wait3A_83, %dma_wait3A_84] : memref<10240x128xf32, #tpu.memory_space<hbm>> -> memref<10240x128xf32, #tpu.memory_space<hbm>>
      tpu.wait_indirect_dma semaphore(%arg13 : memref<!tpu.dma_semaphore, #tpu.memory_space<semaphore_mem>>) src(%dma_wait3A_85 : memref<10240x128xf32, #tpu.memory_space<hbm>>) dst(%arg10 : memref<128x128xf32, #tpu.memory_space<vmem>>)
      %run_scoped3A_86 = arith.constant 3 : i32
      "tpu.region"() ({
        %run_scoped3A_140 = tpu.sem_alloc : memref<!tpu.dma_semaphore, #tpu.memory_space<semaphore_mem>>
        %dma_start3A_141 = arith.constant 0 : i32
        %dma_start3A_142 = tpu.memref_slice %arg8[%run_scoped3A_86, %dma_start3A_141] : memref<8x128xi32, #tpu.memory_space<vmem>> -> memref<1x128xi32, #tpu.memory_space<vmem>>
        %dma_start3A_143 = tpu.memref_squeeze %dma_start3A_142 : memref<1x128xi32, #tpu.memory_space<vmem>> -> memref<128xi32, #tpu.memory_space<vmem>>
        %dma_start3A_144 = arith.constant 0 : i32
        %dma_start3A_145 = arith.constant 0 : i32
        %dma_start3A_146 = tpu.memref_slice %arg11[%dma_start3A_144, %dma_start3A_145] : memref<10240x128xf32, #tpu.memory_space<vmem_shared>> -> memref<10240x128xf32, #tpu.memory_space<vmem_shared>>
        tpu.enqueue_indirect_dma source(%arg10 : memref<128x128xf32, #tpu.memory_space<vmem>>) target(%dma_start3A_146 : memref<10240x128xf32, #tpu.memory_space<vmem_shared>>) offsets(%dma_start3A_143 : memref<128xi32, #tpu.memory_space<vmem>>) semaphore(%run_scoped3A_140 : memref<!tpu.dma_semaphore, #tpu.memory_space<semaphore_mem>>) {add = true}
        %dma_wait3A_147 = arith.constant 0 : i32
        %dma_wait3A_148 = tpu.memref_slice %arg8[%run_scoped3A_86, %dma_wait3A_147] : memref<8x128xi32, #tpu.memory_space<vmem>> -> memref<1x128xi32, #tpu.memory_space<vmem>>
        %dma_wait3A_149 = tpu.memref_squeeze %dma_wait3A_148 : memref<1x128xi32, #tpu.memory_space<vmem>> -> memref<128xi32, #tpu.memory_space<vmem>>
        %dma_wait3A_150 = arith.constant 0 : i32
        %dma_wait3A_151 = arith.constant 0 : i32
        %dma_wait3A_152 = tpu.memref_slice %arg11[%dma_wait3A_150, %dma_wait3A_151] : memref<10240x128xf32, #tpu.memory_space<vmem_shared>> -> memref<10240x128xf32, #tpu.memory_space<vmem_shared>>
        tpu.wait_indirect_dma semaphore(%run_scoped3A_140 : memref<!tpu.dma_semaphore, #tpu.memory_space<semaphore_mem>>) src(%arg10 : memref<128x128xf32, #tpu.memory_space<vmem>>) dst(%dma_wait3A_152 : memref<10240x128xf32, #tpu.memory_space<vmem_shared>>)
        tpu.yield
      }) : () -> ()
      %dma_start3A_87 = arith.constant 5 : i32
      %dma_start3A_88 = arith.constant 0 : i32
      %dma_start3A_89 = tpu.memref_slice %arg7[%dma_start3A_87, %dma_start3A_88] : memref<8x128xi32, #tpu.memory_space<vmem>> -> memref<1x128xi32, #tpu.memory_space<vmem>>
      %dma_start3A_90 = tpu.memref_squeeze %dma_start3A_89 : memref<1x128xi32, #tpu.memory_space<vmem>> -> memref<128xi32, #tpu.memory_space<vmem>>
      %dma_start3A_91 = arith.constant 0 : i32
      %dma_start3A_92 = arith.constant 0 : i32
      %dma_start3A_93 = tpu.memref_slice %arg2[%dma_start3A_91, %dma_start3A_92] : memref<10240x128xf32, #tpu.memory_space<hbm>> -> memref<10240x128xf32, #tpu.memory_space<hbm>>
      tpu.enqueue_indirect_dma source(%dma_start3A_93 : memref<10240x128xf32, #tpu.memory_space<hbm>>) target(%arg10 : memref<128x128xf32, #tpu.memory_space<vmem>>) offsets(%dma_start3A_90 : memref<128xi32, #tpu.memory_space<vmem>>) semaphore(%arg13 : memref<!tpu.dma_semaphore, #tpu.memory_space<semaphore_mem>>)
      %dma_wait3A_94 = arith.constant 4 : i32
      %dma_wait3A_95 = arith.constant 0 : i32
      %dma_wait3A_96 = tpu.memref_slice %arg7[%dma_wait3A_94, %dma_wait3A_95] : memref<8x128xi32, #tpu.memory_space<vmem>> -> memref<1x128xi32, #tpu.memory_space<vmem>>
      %dma_wait3A_97 = tpu.memref_squeeze %dma_wait3A_96 : memref<1x128xi32, #tpu.memory_space<vmem>> -> memref<128xi32, #tpu.memory_space<vmem>>
      %dma_wait3A_98 = arith.constant 0 : i32
      %dma_wait3A_99 = arith.constant 0 : i32
      %dma_wait3A_100 = tpu.memref_slice %arg2[%dma_wait3A_98, %dma_wait3A_99] : memref<10240x128xf32, #tpu.memory_space<hbm>> -> memref<10240x128xf32, #tpu.memory_space<hbm>>
      tpu.wait_indirect_dma semaphore(%arg12 : memref<!tpu.dma_semaphore, #tpu.memory_space<semaphore_mem>>) src(%dma_wait3A_100 : memref<10240x128xf32, #tpu.memory_space<hbm>>) dst(%arg9 : memref<128x128xf32, #tpu.memory_space<vmem>>)
      %run_scoped3A_101 = arith.constant 4 : i32
      "tpu.region"() ({
        %run_scoped3A_140 = tpu.sem_alloc : memref<!tpu.dma_semaphore, #tpu.memory_space<semaphore_mem>>
        %dma_start3A_141 = arith.constant 0 : i32
        %dma_start3A_142 = tpu.memref_slice %arg8[%run_scoped3A_101, %dma_start3A_141] : memref<8x128xi32, #tpu.memory_space<vmem>> -> memref<1x128xi32, #tpu.memory_space<vmem>>
        %dma_start3A_143 = tpu.memref_squeeze %dma_start3A_142 : memref<1x128xi32, #tpu.memory_space<vmem>> -> memref<128xi32, #tpu.memory_space<vmem>>
        %dma_start3A_144 = arith.constant 0 : i32
        %dma_start3A_145 = arith.constant 0 : i32
        %dma_start3A_146 = tpu.memref_slice %arg11[%dma_start3A_144, %dma_start3A_145] : memref<10240x128xf32, #tpu.memory_space<vmem_shared>> -> memref<10240x128xf32, #tpu.memory_space<vmem_shared>>
        tpu.enqueue_indirect_dma source(%arg9 : memref<128x128xf32, #tpu.memory_space<vmem>>) target(%dma_start3A_146 : memref<10240x128xf32, #tpu.memory_space<vmem_shared>>) offsets(%dma_start3A_143 : memref<128xi32, #tpu.memory_space<vmem>>) semaphore(%run_scoped3A_140 : memref<!tpu.dma_semaphore, #tpu.memory_space<semaphore_mem>>) {add = true}
        %dma_wait3A_147 = arith.constant 0 : i32
        %dma_wait3A_148 = tpu.memref_slice %arg8[%run_scoped3A_101, %dma_wait3A_147] : memref<8x128xi32, #tpu.memory_space<vmem>> -> memref<1x128xi32, #tpu.memory_space<vmem>>
        %dma_wait3A_149 = tpu.memref_squeeze %dma_wait3A_148 : memref<1x128xi32, #tpu.memory_space<vmem>> -> memref<128xi32, #tpu.memory_space<vmem>>
        %dma_wait3A_150 = arith.constant 0 : i32
        %dma_wait3A_151 = arith.constant 0 : i32
        %dma_wait3A_152 = tpu.memref_slice %arg11[%dma_wait3A_150, %dma_wait3A_151] : memref<10240x128xf32, #tpu.memory_space<vmem_shared>> -> memref<10240x128xf32, #tpu.memory_space<vmem_shared>>
        tpu.wait_indirect_dma semaphore(%run_scoped3A_140 : memref<!tpu.dma_semaphore, #tpu.memory_space<semaphore_mem>>) src(%arg9 : memref<128x128xf32, #tpu.memory_space<vmem>>) dst(%dma_wait3A_152 : memref<10240x128xf32, #tpu.memory_space<vmem_shared>>)
        tpu.yield
      }) : () -> ()
      %dma_start3A_102 = arith.constant 6 : i32
      %dma_start3A_103 = arith.constant 0 : i32
      %dma_start3A_104 = tpu.memref_slice %arg7[%dma_start3A_102, %dma_start3A_103] : memref<8x128xi32, #tpu.memory_space<vmem>> -> memref<1x128xi32, #tpu.memory_space<vmem>>
      %dma_start3A_105 = tpu.memref_squeeze %dma_start3A_104 : memref<1x128xi32, #tpu.memory_space<vmem>> -> memref<128xi32, #tpu.memory_space<vmem>>
      %dma_start3A_106 = arith.constant 0 : i32
      %dma_start3A_107 = arith.constant 0 : i32
      %dma_start3A_108 = tpu.memref_slice %arg2[%dma_start3A_106, %dma_start3A_107] : memref<10240x128xf32, #tpu.memory_space<hbm>> -> memref<10240x128xf32, #tpu.memory_space<hbm>>
      tpu.enqueue_indirect_dma source(%dma_start3A_108 : memref<10240x128xf32, #tpu.memory_space<hbm>>) target(%arg9 : memref<128x128xf32, #tpu.memory_space<vmem>>) offsets(%dma_start3A_105 : memref<128xi32, #tpu.memory_space<vmem>>) semaphore(%arg12 : memref<!tpu.dma_semaphore, #tpu.memory_space<semaphore_mem>>)
      %dma_wait3A_109 = arith.constant 5 : i32
      %dma_wait3A_110 = arith.constant 0 : i32
      %dma_wait3A_111 = tpu.memref_slice %arg7[%dma_wait3A_109, %dma_wait3A_110] : memref<8x128xi32, #tpu.memory_space<vmem>> -> memref<1x128xi32, #tpu.memory_space<vmem>>
      %dma_wait3A_112 = tpu.memref_squeeze %dma_wait3A_111 : memref<1x128xi32, #tpu.memory_space<vmem>> -> memref<128xi32, #tpu.memory_space<vmem>>
      %dma_wait3A_113 = arith.constant 0 : i32
      %dma_wait3A_114 = arith.constant 0 : i32
      %dma_wait3A_115 = tpu.memref_slice %arg2[%dma_wait3A_113, %dma_wait3A_114] : memref<10240x128xf32, #tpu.memory_space<hbm>> -> memref<10240x128xf32, #tpu.memory_space<hbm>>
      tpu.wait_indirect_dma semaphore(%arg13 : memref<!tpu.dma_semaphore, #tpu.memory_space<semaphore_mem>>) src(%dma_wait3A_115 : memref<10240x128xf32, #tpu.memory_space<hbm>>) dst(%arg10 : memref<128x128xf32, #tpu.memory_space<vmem>>)
      %run_scoped3A_116 = arith.constant 5 : i32
      "tpu.region"() ({
        %run_scoped3A_140 = tpu.sem_alloc : memref<!tpu.dma_semaphore, #tpu.memory_space<semaphore_mem>>
        %dma_start3A_141 = arith.constant 0 : i32
        %dma_start3A_142 = tpu.memref_slice %arg8[%run_scoped3A_116, %dma_start3A_141] : memref<8x128xi32, #tpu.memory_space<vmem>> -> memref<1x128xi32, #tpu.memory_space<vmem>>
        %dma_start3A_143 = tpu.memref_squeeze %dma_start3A_142 : memref<1x128xi32, #tpu.memory_space<vmem>> -> memref<128xi32, #tpu.memory_space<vmem>>
        %dma_start3A_144 = arith.constant 0 : i32
        %dma_start3A_145 = arith.constant 0 : i32
        %dma_start3A_146 = tpu.memref_slice %arg11[%dma_start3A_144, %dma_start3A_145] : memref<10240x128xf32, #tpu.memory_space<vmem_shared>> -> memref<10240x128xf32, #tpu.memory_space<vmem_shared>>
        tpu.enqueue_indirect_dma source(%arg10 : memref<128x128xf32, #tpu.memory_space<vmem>>) target(%dma_start3A_146 : memref<10240x128xf32, #tpu.memory_space<vmem_shared>>) offsets(%dma_start3A_143 : memref<128xi32, #tpu.memory_space<vmem>>) semaphore(%run_scoped3A_140 : memref<!tpu.dma_semaphore, #tpu.memory_space<semaphore_mem>>) {add = true}
        %dma_wait3A_147 = arith.constant 0 : i32
        %dma_wait3A_148 = tpu.memref_slice %arg8[%run_scoped3A_116, %dma_wait3A_147] : memref<8x128xi32, #tpu.memory_space<vmem>> -> memref<1x128xi32, #tpu.memory_space<vmem>>
        %dma_wait3A_149 = tpu.memref_squeeze %dma_wait3A_148 : memref<1x128xi32, #tpu.memory_space<vmem>> -> memref<128xi32, #tpu.memory_space<vmem>>
        %dma_wait3A_150 = arith.constant 0 : i32
        %dma_wait3A_151 = arith.constant 0 : i32
        %dma_wait3A_152 = tpu.memref_slice %arg11[%dma_wait3A_150, %dma_wait3A_151] : memref<10240x128xf32, #tpu.memory_space<vmem_shared>> -> memref<10240x128xf32, #tpu.memory_space<vmem_shared>>
        tpu.wait_indirect_dma semaphore(%run_scoped3A_140 : memref<!tpu.dma_semaphore, #tpu.memory_space<semaphore_mem>>) src(%arg10 : memref<128x128xf32, #tpu.memory_space<vmem>>) dst(%dma_wait3A_152 : memref<10240x128xf32, #tpu.memory_space<vmem_shared>>)
        tpu.yield
      }) : () -> ()
      %dma_start3A_117 = arith.constant 7 : i32
      %dma_start3A_118 = arith.constant 0 : i32
      %dma_start3A_119 = tpu.memref_slice %arg7[%dma_start3A_117, %dma_start3A_118] : memref<8x128xi32, #tpu.memory_space<vmem>> -> memref<1x128xi32, #tpu.memory_space<vmem>>
      %dma_start3A_120 = tpu.memref_squeeze %dma_start3A_119 : memref<1x128xi32, #tpu.memory_space<vmem>> -> memref<128xi32, #tpu.memory_space<vmem>>
      %dma_start3A_121 = arith.constant 0 : i32
      %dma_start3A_122 = arith.constant 0 : i32
      %dma_start3A_123 = tpu.memref_slice %arg2[%dma_start3A_121, %dma_start3A_122] : memref<10240x128xf32, #tpu.memory_space<hbm>> -> memref<10240x128xf32, #tpu.memory_space<hbm>>
      tpu.enqueue_indirect_dma source(%dma_start3A_123 : memref<10240x128xf32, #tpu.memory_space<hbm>>) target(%arg10 : memref<128x128xf32, #tpu.memory_space<vmem>>) offsets(%dma_start3A_120 : memref<128xi32, #tpu.memory_space<vmem>>) semaphore(%arg13 : memref<!tpu.dma_semaphore, #tpu.memory_space<semaphore_mem>>)
      %dma_wait3A_124 = arith.constant 6 : i32
      %dma_wait3A_125 = arith.constant 0 : i32
      %dma_wait3A_126 = tpu.memref_slice %arg7[%dma_wait3A_124, %dma_wait3A_125] : memref<8x128xi32, #tpu.memory_space<vmem>> -> memref<1x128xi32, #tpu.memory_space<vmem>>
      %dma_wait3A_127 = tpu.memref_squeeze %dma_wait3A_126 : memref<1x128xi32, #tpu.memory_space<vmem>> -> memref<128xi32, #tpu.memory_space<vmem>>
      %dma_wait3A_128 = arith.constant 0 : i32
      %dma_wait3A_129 = arith.constant 0 : i32
      %dma_wait3A_130 = tpu.memref_slice %arg2[%dma_wait3A_128, %dma_wait3A_129] : memref<10240x128xf32, #tpu.memory_space<hbm>> -> memref<10240x128xf32, #tpu.memory_space<hbm>>
      tpu.wait_indirect_dma semaphore(%arg12 : memref<!tpu.dma_semaphore, #tpu.memory_space<semaphore_mem>>) src(%dma_wait3A_130 : memref<10240x128xf32, #tpu.memory_space<hbm>>) dst(%arg9 : memref<128x128xf32, #tpu.memory_space<vmem>>)
      %run_scoped3A_131 = arith.constant 6 : i32
      "tpu.region"() ({
        %run_scoped3A_140 = tpu.sem_alloc : memref<!tpu.dma_semaphore, #tpu.memory_space<semaphore_mem>>
        %dma_start3A_141 = arith.constant 0 : i32
        %dma_start3A_142 = tpu.memref_slice %arg8[%run_scoped3A_131, %dma_start3A_141] : memref<8x128xi32, #tpu.memory_space<vmem>> -> memref<1x128xi32, #tpu.memory_space<vmem>>
        %dma_start3A_143 = tpu.memref_squeeze %dma_start3A_142 : memref<1x128xi32, #tpu.memory_space<vmem>> -> memref<128xi32, #tpu.memory_space<vmem>>
        %dma_start3A_144 = arith.constant 0 : i32
        %dma_start3A_145 = arith.constant 0 : i32
        %dma_start3A_146 = tpu.memref_slice %arg11[%dma_start3A_144, %dma_start3A_145] : memref<10240x128xf32, #tpu.memory_space<vmem_shared>> -> memref<10240x128xf32, #tpu.memory_space<vmem_shared>>
        tpu.enqueue_indirect_dma source(%arg9 : memref<128x128xf32, #tpu.memory_space<vmem>>) target(%dma_start3A_146 : memref<10240x128xf32, #tpu.memory_space<vmem_shared>>) offsets(%dma_start3A_143 : memref<128xi32, #tpu.memory_space<vmem>>) semaphore(%run_scoped3A_140 : memref<!tpu.dma_semaphore, #tpu.memory_space<semaphore_mem>>) {add = true}
        %dma_wait3A_147 = arith.constant 0 : i32
        %dma_wait3A_148 = tpu.memref_slice %arg8[%run_scoped3A_131, %dma_wait3A_147] : memref<8x128xi32, #tpu.memory_space<vmem>> -> memref<1x128xi32, #tpu.memory_space<vmem>>
        %dma_wait3A_149 = tpu.memref_squeeze %dma_wait3A_148 : memref<1x128xi32, #tpu.memory_space<vmem>> -> memref<128xi32, #tpu.memory_space<vmem>>
        %dma_wait3A_150 = arith.constant 0 : i32
        %dma_wait3A_151 = arith.constant 0 : i32
        %dma_wait3A_152 = tpu.memref_slice %arg11[%dma_wait3A_150, %dma_wait3A_151] : memref<10240x128xf32, #tpu.memory_space<vmem_shared>> -> memref<10240x128xf32, #tpu.memory_space<vmem_shared>>
        tpu.wait_indirect_dma semaphore(%run_scoped3A_140 : memref<!tpu.dma_semaphore, #tpu.memory_space<semaphore_mem>>) src(%arg9 : memref<128x128xf32, #tpu.memory_space<vmem>>) dst(%dma_wait3A_152 : memref<10240x128xf32, #tpu.memory_space<vmem_shared>>)
        tpu.yield
      }) : () -> ()
      %dma_wait3A_132 = arith.constant 7 : i32
      %dma_wait3A_133 = arith.constant 0 : i32
      %dma_wait3A_134 = tpu.memref_slice %arg7[%dma_wait3A_132, %dma_wait3A_133] : memref<8x128xi32, #tpu.memory_space<vmem>> -> memref<1x128xi32, #tpu.memory_space<vmem>>
      %dma_wait3A_135 = tpu.memref_squeeze %dma_wait3A_134 : memref<1x128xi32, #tpu.memory_space<vmem>> -> memref<128xi32, #tpu.memory_space<vmem>>
      %dma_wait3A_136 = arith.constant 0 : i32
      %dma_wait3A_137 = arith.constant 0 : i32
      %dma_wait3A_138 = tpu.memref_slice %arg2[%dma_wait3A_136, %dma_wait3A_137] : memref<10240x128xf32, #tpu.memory_space<hbm>> -> memref<10240x128xf32, #tpu.memory_space<hbm>>
      tpu.wait_indirect_dma semaphore(%arg13 : memref<!tpu.dma_semaphore, #tpu.memory_space<semaphore_mem>>) src(%dma_wait3A_138 : memref<10240x128xf32, #tpu.memory_space<hbm>>) dst(%arg10 : memref<128x128xf32, #tpu.memory_space<vmem>>)
      %run_scoped3A_139 = arith.constant 7 : i32
      "tpu.region"() ({
        %run_scoped3A_140 = tpu.sem_alloc : memref<!tpu.dma_semaphore, #tpu.memory_space<semaphore_mem>>
        %dma_start3A_141 = arith.constant 0 : i32
        %dma_start3A_142 = tpu.memref_slice %arg8[%run_scoped3A_139, %dma_start3A_141] : memref<8x128xi32, #tpu.memory_space<vmem>> -> memref<1x128xi32, #tpu.memory_space<vmem>>
        %dma_start3A_143 = tpu.memref_squeeze %dma_start3A_142 : memref<1x128xi32, #tpu.memory_space<vmem>> -> memref<128xi32, #tpu.memory_space<vmem>>
        %dma_start3A_144 = arith.constant 0 : i32
        %dma_start3A_145 = arith.constant 0 : i32
        %dma_start3A_146 = tpu.memref_slice %arg11[%dma_start3A_144, %dma_start3A_145] : memref<10240x128xf32, #tpu.memory_space<vmem_shared>> -> memref<10240x128xf32, #tpu.memory_space<vmem_shared>>
        tpu.enqueue_indirect_dma source(%arg10 : memref<128x128xf32, #tpu.memory_space<vmem>>) target(%dma_start3A_146 : memref<10240x128xf32, #tpu.memory_space<vmem_shared>>) offsets(%dma_start3A_143 : memref<128xi32, #tpu.memory_space<vmem>>) semaphore(%run_scoped3A_140 : memref<!tpu.dma_semaphore, #tpu.memory_space<semaphore_mem>>) {add = true}
        %dma_wait3A_147 = arith.constant 0 : i32
        %dma_wait3A_148 = tpu.memref_slice %arg8[%run_scoped3A_139, %dma_wait3A_147] : memref<8x128xi32, #tpu.memory_space<vmem>> -> memref<1x128xi32, #tpu.memory_space<vmem>>
        %dma_wait3A_149 = tpu.memref_squeeze %dma_wait3A_148 : memref<1x128xi32, #tpu.memory_space<vmem>> -> memref<128xi32, #tpu.memory_space<vmem>>
        %dma_wait3A_150 = arith.constant 0 : i32
        %dma_wait3A_151 = arith.constant 0 : i32
        %dma_wait3A_152 = tpu.memref_slice %arg11[%dma_wait3A_150, %dma_wait3A_151] : memref<10240x128xf32, #tpu.memory_space<vmem_shared>> -> memref<10240x128xf32, #tpu.memory_space<vmem_shared>>
        tpu.wait_indirect_dma semaphore(%run_scoped3A_140 : memref<!tpu.dma_semaphore, #tpu.memory_space<semaphore_mem>>) src(%arg10 : memref<128x128xf32, #tpu.memory_space<vmem>>) dst(%dma_wait3A_152 : memref<10240x128xf32, #tpu.memory_space<vmem_shared>>)
        tpu.yield
      }) : () -> ()
    }
    %scan3A_8 = arith.constant 10 : i32
    %barrier3A_9 = arith.constant 0 : index
    tpu.barrier barrier_id(%barrier3A_9)
    %mul3A_10 = arith.constant 640 : i32
    %mul3A_11 = arith.muli %arg1, %mul3A_10 : i32
    %mul3A_12 = arith.constant 640 : i32
    %mul3A_13 = arith.muli %arg1, %mul3A_12 : i32
    "tpu.region"() ({
      %run_scoped3A = tpu.sem_alloc : memref<!tpu.dma_semaphore, #tpu.memory_space<semaphore_mem>>
      %dma_start3A = arith.constant 0 : i32
      %dma_start3A_14 = tpu.memref_slice %arg6[%arg0, %mul3A_13, %dma_start3A] : memref<2x10240x128xf32, #tpu.memory_space<hbm>> -> memref<1x640x128xf32, #tpu.memory_space<hbm>>
      %dma_start3A_15 = tpu.memref_squeeze %dma_start3A_14 : memref<1x640x128xf32, #tpu.memory_space<hbm>> -> memref<640x128xf32, #tpu.memory_space<hbm>>
      %dma_start3A_16 = arith.constant 0 : i32
      %dma_start3A_17 = tpu.memref_slice %arg11[%mul3A_11, %dma_start3A_16] : memref<10240x128xf32, #tpu.memory_space<vmem_shared>> -> memref<640x128xf32, #tpu.memory_space<vmem_shared>>
      tpu.enqueue_dma source(%dma_start3A_17 : memref<640x128xf32, #tpu.memory_space<vmem_shared>>) target(%dma_start3A_15 : memref<640x128xf32, #tpu.memory_space<hbm>>) target_semaphore(%run_scoped3A : memref<!tpu.dma_semaphore, #tpu.memory_space<semaphore_mem>>)
      %dma_wait3A = arith.constant 0 : i32
      %dma_wait3A_18 = tpu.memref_slice %arg6[%arg0, %mul3A_13, %dma_wait3A] : memref<2x10240x128xf32, #tpu.memory_space<hbm>> -> memref<1x640x128xf32, #tpu.memory_space<hbm>>
      %dma_wait3A_19 = tpu.memref_squeeze %dma_wait3A_18 : memref<1x640x128xf32, #tpu.memory_space<hbm>> -> memref<640x128xf32, #tpu.memory_space<hbm>>
      %dma_wait3A_20 = arith.constant 0 : i32
      %dma_wait3A_21 = tpu.memref_slice %arg11[%mul3A_11, %dma_wait3A_20] : memref<10240x128xf32, #tpu.memory_space<vmem_shared>> -> memref<640x128xf32, #tpu.memory_space<vmem_shared>>
      tpu.wait_dma2 semaphore(%run_scoped3A : memref<!tpu.dma_semaphore, #tpu.memory_space<semaphore_mem>>) src(%dma_wait3A_21 : memref<640x128xf32, #tpu.memory_space<vmem_shared>>) dst(%dma_wait3A_19 : memref<640x128xf32, #tpu.memory_space<hbm>>)
      tpu.yield
    }) : () -> ()
    return
  }
}

#map = affine_map<(d0, d1) -> (0, 0)>
#map1 = affine_map<(d0, d1) -> (0, 0, 0)>
module attributes {stable_mosaic.version = 14 : i64} {
  func.func @body(%arg0: i32, %arg1: i32, %arg2: memref<10240x128xf32, #tpu.memory_space<hbm>>, %arg3: memref<32x80x128xi32, #tpu.memory_space<hbm>>, %arg4: memref<32x80x128xi32, #tpu.memory_space<hbm>>, %arg5: memref<10240x128xf32, #tpu.memory_space<hbm>>, %arg6: memref<2x10240x128xf32, #tpu.memory_space<hbm>>, %arg7: memref<8x128xi32, #tpu.memory_space<vmem>>, %arg8: memref<8x128xi32, #tpu.memory_space<vmem>>, %arg9: memref<128x128xf32, #tpu.memory_space<vmem>>, %arg10: memref<128x128xf32, #tpu.memory_space<vmem>>, %arg11: memref<10240x128xf32, #tpu.memory_space<vmem_shared>>, %arg12: memref<!tpu.dma_semaphore, #tpu.memory_space<semaphore_mem>>, %arg13: memref<!tpu.dma_semaphore, #tpu.memory_space<semaphore_mem>>) attributes {dimension_semantics = [#tpu.dimension_semantics<core_parallel>, #tpu.dimension_semantics<subcore_parallel>], iteration_bounds = array<i64: 2, 16>, scalar_prefetch = 0 : i64, scratch_operands = 7 : i64, tpu.core_type = #tpu.core_type<sc_vector_subcore>, window_params = [{transform_indices = #map}, {transform_indices = #map1}, {transform_indices = #map1}, {transform_indices = #map}, {transform_indices = #map1}]} {
    %mul3A = arith.constant 2 : i32
    %mul3A_0 = arith.muli %arg1, %mul3A : i32
    %add3A = arith.addi %mul3A_0, %arg0 : i32
    %mul3A_1 = arith.constant 640 : i32
    %mul3A_2 = arith.muli %arg1, %mul3A_1 : i32
    %mul3A_3 = arith.constant 640 : i32
    %mul3A_4 = arith.muli %arg1, %mul3A_3 : i32
    "tpu.region"() ({
      %run_scoped3A = tpu.sem_alloc : memref<!tpu.dma_semaphore, #tpu.memory_space<semaphore_mem>>
      %dma_start3A = arith.constant 0 : i32
      %dma_start3A_14 = tpu.memref_slice %arg11[%mul3A_4, %dma_start3A] : memref<10240x128xf32, #tpu.memory_space<vmem_shared>> -> memref<640x128xf32, #tpu.memory_space<vmem_shared>>
      %dma_start3A_15 = arith.constant 0 : i32
      %dma_start3A_16 = tpu.memref_slice %arg5[%mul3A_2, %dma_start3A_15] : memref<10240x128xf32, #tpu.memory_space<hbm>> -> memref<640x128xf32, #tpu.memory_space<hbm>>
      tpu.enqueue_dma source(%dma_start3A_16 : memref<640x128xf32, #tpu.memory_space<hbm>>) target(%dma_start3A_14 : memref<640x128xf32, #tpu.memory_space<vmem_shared>>) target_semaphore(%run_scoped3A : memref<!tpu.dma_semaphore, #tpu.memory_space<semaphore_mem>>)
      %dma_wait3A = arith.constant 0 : i32
      %dma_wait3A_17 = tpu.memref_slice %arg11[%mul3A_4, %dma_wait3A] : memref<10240x128xf32, #tpu.memory_space<vmem_shared>> -> memref<640x128xf32, #tpu.memory_space<vmem_shared>>
      %dma_wait3A_18 = arith.constant 0 : i32
      %dma_wait3A_19 = tpu.memref_slice %arg5[%mul3A_2, %dma_wait3A_18] : memref<10240x128xf32, #tpu.memory_space<hbm>> -> memref<640x128xf32, #tpu.memory_space<hbm>>
      tpu.wait_dma2 semaphore(%run_scoped3A : memref<!tpu.dma_semaphore, #tpu.memory_space<semaphore_mem>>) src(%dma_wait3A_19 : memref<640x128xf32, #tpu.memory_space<hbm>>) dst(%dma_wait3A_17 : memref<640x128xf32, #tpu.memory_space<vmem_shared>>)
      tpu.yield
    }) : () -> ()
    %barrier3A = arith.constant 0 : index
    tpu.barrier barrier_id(%barrier3A)
    %scan3A = arith.constant 0 : i32
    %scan3A_5 = arith.constant 10 : i32
    %scan3A_6 = arith.addi %scan3A, %scan3A_5 : i32
    %scan3A_7 = arith.constant 1 : i32
    scf.for %scan3A_14 = %scan3A to %scan3A_6 step %scan3A_7  : i32 {
      %mul3A_15 = arith.constant 1 : i32
      %mul3A_16 = arith.muli %scan3A_14, %mul3A_15 : i32
      %add3A_17 = arith.constant 0 : i32
      %add3A_18 = arith.addi %add3A_17, %mul3A_16 : i32
      %mul3A_19 = arith.constant 8 : i32
      %mul3A_20 = arith.muli %add3A_18, %mul3A_19 : i32
      "tpu.region"() ({
        %run_scoped3A_140 = tpu.sem_alloc : memref<!tpu.dma_semaphore, #tpu.memory_space<semaphore_mem>>
        %dma_start3A_141 = arith.constant 0 : i32
        %dma_start3A_142 = tpu.memref_slice %arg3[%add3A, %mul3A_20, %dma_start3A_141] : memref<32x80x128xi32, #tpu.memory_space<hbm>> -> memref<1x8x128xi32, #tpu.memory_space<hbm>>
        %dma_start3A_143 = tpu.memref_squeeze %dma_start3A_142 : memref<1x8x128xi32, #tpu.memory_space<hbm>> -> memref<8x128xi32, #tpu.memory_space<hbm>>
        %dma_start3A_144 = arith.constant 0 : i32
        %dma_start3A_145 = tpu.memref_slice %arg3[%add3A, %mul3A_20, %dma_start3A_144] : memref<32x80x128xi32, #tpu.memory_space<hbm>> -> memref<1x8x128xi32, #tpu.memory_space<hbm>>
        %dma_start3A_146 = tpu.memref_squeeze %dma_start3A_145 : memref<1x8x128xi32, #tpu.memory_space<hbm>> -> memref<8x128xi32, #tpu.memory_space<hbm>>
        tpu.enqueue_dma source(%dma_start3A_146 : memref<8x128xi32, #tpu.memory_space<hbm>>) target(%arg7 : memref<8x128xi32, #tpu.memory_space<vmem>>) target_semaphore(%run_scoped3A_140 : memref<!tpu.dma_semaphore, #tpu.memory_space<semaphore_mem>>)
        %dma_wait3A_147 = arith.constant 0 : i32
        %dma_wait3A_148 = tpu.memref_slice %arg3[%add3A, %mul3A_20, %dma_wait3A_147] : memref<32x80x128xi32, #tpu.memory_space<hbm>> -> memref<1x8x128xi32, #tpu.memory_space<hbm>>
        %dma_wait3A_149 = tpu.memref_squeeze %dma_wait3A_148 : memref<1x8x128xi32, #tpu.memory_space<hbm>> -> memref<8x128xi32, #tpu.memory_space<hbm>>
        %dma_wait3A_150 = arith.constant 0 : i32
        %dma_wait3A_151 = tpu.memref_slice %arg3[%add3A, %mul3A_20, %dma_wait3A_150] : memref<32x80x128xi32, #tpu.memory_space<hbm>> -> memref<1x8x128xi32, #tpu.memory_space<hbm>>
        %dma_wait3A_152 = tpu.memref_squeeze %dma_wait3A_151 : memref<1x8x128xi32, #tpu.memory_space<hbm>> -> memref<8x128xi32, #tpu.memory_space<hbm>>
        tpu.wait_dma2 semaphore(%run_scoped3A_140 : memref<!tpu.dma_semaphore, #tpu.memory_space<semaphore_mem>>) src(%dma_wait3A_152 : memref<8x128xi32, #tpu.memory_space<hbm>>) dst(%arg7 : memref<8x128xi32, #tpu.memory_space<vmem>>)
        tpu.yield
      }) : () -> ()
      %mul3A_21 = arith.constant 8 : i32
      %mul3A_22 = arith.muli %add3A_18, %mul3A_21 : i32
      "tpu.region"() ({
        %run_scoped3A_140 = tpu.sem_alloc : memref<!tpu.dma_semaphore, #tpu.memory_space<semaphore_mem>>
        %dma_start3A_141 = arith.constant 0 : i32
        %dma_start3A_142 = tpu.memref_slice %arg4[%add3A, %mul3A_22, %dma_start3A_141] : memref<32x80x128xi32, #tpu.memory_space<hbm>> -> memref<1x8x128xi32, #tpu.memory_space<hbm>>
        %dma_start3A_143 = tpu.memref_squeeze %dma_start3A_142 : memref<1x8x128xi32, #tpu.memory_space<hbm>> -> memref<8x128xi32, #tpu.memory_space<hbm>>
        %dma_start3A_144 = arith.constant 0 : i32
        %dma_start3A_145 = tpu.memref_slice %arg4[%add3A, %mul3A_22, %dma_start3A_144] : memref<32x80x128xi32, #tpu.memory_space<hbm>> -> memref<1x8x128xi32, #tpu.memory_space<hbm>>
        %dma_start3A_146 = tpu.memref_squeeze %dma_start3A_145 : memref<1x8x128xi32, #tpu.memory_space<hbm>> -> memref<8x128xi32, #tpu.memory_space<hbm>>
        tpu.enqueue_dma source(%dma_start3A_146 : memref<8x128xi32, #tpu.memory_space<hbm>>) target(%arg8 : memref<8x128xi32, #tpu.memory_space<vmem>>) target_semaphore(%run_scoped3A_140 : memref<!tpu.dma_semaphore, #tpu.memory_space<semaphore_mem>>)
        %dma_wait3A_147 = arith.constant 0 : i32
        %dma_wait3A_148 = tpu.memref_slice %arg4[%add3A, %mul3A_22, %dma_wait3A_147] : memref<32x80x128xi32, #tpu.memory_space<hbm>> -> memref<1x8x128xi32, #tpu.memory_space<hbm>>
        %dma_wait3A_149 = tpu.memref_squeeze %dma_wait3A_148 : memref<1x8x128xi32, #tpu.memory_space<hbm>> -> memref<8x128xi32, #tpu.memory_space<hbm>>
        %dma_wait3A_150 = arith.constant 0 : i32
        %dma_wait3A_151 = tpu.memref_slice %arg4[%add3A, %mul3A_22, %dma_wait3A_150] : memref<32x80x128xi32, #tpu.memory_space<hbm>> -> memref<1x8x128xi32, #tpu.memory_space<hbm>>
        %dma_wait3A_152 = tpu.memref_squeeze %dma_wait3A_151 : memref<1x8x128xi32, #tpu.memory_space<hbm>> -> memref<8x128xi32, #tpu.memory_space<hbm>>
        tpu.wait_dma2 semaphore(%run_scoped3A_140 : memref<!tpu.dma_semaphore, #tpu.memory_space<semaphore_mem>>) src(%dma_wait3A_152 : memref<8x128xi32, #tpu.memory_space<hbm>>) dst(%arg8 : memref<8x128xi32, #tpu.memory_space<vmem>>)
        tpu.yield
      }) : () -> ()
      %dma_start3A = arith.constant 0 : i32
      %dma_start3A_23 = arith.constant 0 : i32
      %dma_start3A_24 = tpu.memref_slice %arg7[%dma_start3A, %dma_start3A_23] : memref<8x128xi32, #tpu.memory_space<vmem>> -> memref<1x128xi32, #tpu.memory_space<vmem>>
      %dma_start3A_25 = tpu.memref_squeeze %dma_start3A_24 : memref<1x128xi32, #tpu.memory_space<vmem>> -> memref<128xi32, #tpu.memory_space<vmem>>
      %dma_start3A_26 = arith.constant 0 : i32
      %dma_start3A_27 = arith.constant 0 : i32
      %dma_start3A_28 = tpu.memref_slice %arg2[%dma_start3A_26, %dma_start3A_27] : memref<10240x128xf32, #tpu.memory_space<hbm>> -> memref<10240x128xf32, #tpu.memory_space<hbm>>
      tpu.enqueue_indirect_dma source(%dma_start3A_28 : memref<10240x128xf32, #tpu.memory_space<hbm>>) target(%arg9 : memref<128x128xf32, #tpu.memory_space<vmem>>) offsets(%dma_start3A_25 : memref<128xi32, #tpu.memory_space<vmem>>) semaphore(%arg12 : memref<!tpu.dma_semaphore, #tpu.memory_space<semaphore_mem>>)
      %dma_start3A_29 = arith.constant 1 : i32
      %dma_start3A_30 = arith.constant 0 : i32
      %dma_start3A_31 = tpu.memref_slice %arg7[%dma_start3A_29, %dma_start3A_30] : memref<8x128xi32, #tpu.memory_space<vmem>> -> memref<1x128xi32, #tpu.memory_space<vmem>>
      %dma_start3A_32 = tpu.memref_squeeze %dma_start3A_31 : memref<1x128xi32, #tpu.memory_space<vmem>> -> memref<128xi32, #tpu.memory_space<vmem>>
      %dma_start3A_33 = arith.constant 0 : i32
      %dma_start3A_34 = arith.constant 0 : i32
      %dma_start3A_35 = tpu.memref_slice %arg2[%dma_start3A_33, %dma_start3A_34] : memref<10240x128xf32, #tpu.memory_space<hbm>> -> memref<10240x128xf32, #tpu.memory_space<hbm>>
      tpu.enqueue_indirect_dma source(%dma_start3A_35 : memref<10240x128xf32, #tpu.memory_space<hbm>>) target(%arg10 : memref<128x128xf32, #tpu.memory_space<vmem>>) offsets(%dma_start3A_32 : memref<128xi32, #tpu.memory_space<vmem>>) semaphore(%arg13 : memref<!tpu.dma_semaphore, #tpu.memory_space<semaphore_mem>>)
      %dma_wait3A = arith.constant 0 : i32
      %dma_wait3A_36 = arith.constant 0 : i32
      %dma_wait3A_37 = tpu.memref_slice %arg7[%dma_wait3A, %dma_wait3A_36] : memref<8x128xi32, #tpu.memory_space<vmem>> -> memref<1x128xi32, #tpu.memory_space<vmem>>
      %dma_wait3A_38 = tpu.memref_squeeze %dma_wait3A_37 : memref<1x128xi32, #tpu.memory_space<vmem>> -> memref<128xi32, #tpu.memory_space<vmem>>
      %dma_wait3A_39 = arith.constant 0 : i32
      %dma_wait3A_40 = arith.constant 0 : i32
      %dma_wait3A_41 = tpu.memref_slice %arg2[%dma_wait3A_39, %dma_wait3A_40] : memref<10240x128xf32, #tpu.memory_space<hbm>> -> memref<10240x128xf32, #tpu.memory_space<hbm>>
      tpu.wait_indirect_dma semaphore(%arg12 : memref<!tpu.dma_semaphore, #tpu.memory_space<semaphore_mem>>) src(%dma_wait3A_41 : memref<10240x128xf32, #tpu.memory_space<hbm>>) dst(%arg9 : memref<128x128xf32, #tpu.memory_space<vmem>>)
      %run_scoped3A = arith.constant 0 : i32
      "tpu.region"() ({
        %run_scoped3A_140 = tpu.sem_alloc : memref<!tpu.dma_semaphore, #tpu.memory_space<semaphore_mem>>
        %dma_start3A_141 = arith.constant 0 : i32
        %dma_start3A_142 = tpu.memref_slice %arg8[%run_scoped3A, %dma_start3A_141] : memref<8x128xi32, #tpu.memory_space<vmem>> -> memref<1x128xi32, #tpu.memory_space<vmem>>
        %dma_start3A_143 = tpu.memref_squeeze %dma_start3A_142 : memref<1x128xi32, #tpu.memory_space<vmem>> -> memref<128xi32, #tpu.memory_space<vmem>>
        %dma_start3A_144 = arith.constant 0 : i32
        %dma_start3A_145 = arith.constant 0 : i32
        %dma_start3A_146 = tpu.memref_slice %arg11[%dma_start3A_144, %dma_start3A_145] : memref<10240x128xf32, #tpu.memory_space<vmem_shared>> -> memref<10240x128xf32, #tpu.memory_space<vmem_shared>>
        tpu.enqueue_indirect_dma source(%arg9 : memref<128x128xf32, #tpu.memory_space<vmem>>) target(%dma_start3A_146 : memref<10240x128xf32, #tpu.memory_space<vmem_shared>>) offsets(%dma_start3A_143 : memref<128xi32, #tpu.memory_space<vmem>>) semaphore(%run_scoped3A_140 : memref<!tpu.dma_semaphore, #tpu.memory_space<semaphore_mem>>) {add = true}
        %dma_wait3A_147 = arith.constant 0 : i32
        %dma_wait3A_148 = tpu.memref_slice %arg8[%run_scoped3A, %dma_wait3A_147] : memref<8x128xi32, #tpu.memory_space<vmem>> -> memref<1x128xi32, #tpu.memory_space<vmem>>
        %dma_wait3A_149 = tpu.memref_squeeze %dma_wait3A_148 : memref<1x128xi32, #tpu.memory_space<vmem>> -> memref<128xi32, #tpu.memory_space<vmem>>
        %dma_wait3A_150 = arith.constant 0 : i32
        %dma_wait3A_151 = arith.constant 0 : i32
        %dma_wait3A_152 = tpu.memref_slice %arg11[%dma_wait3A_150, %dma_wait3A_151] : memref<10240x128xf32, #tpu.memory_space<vmem_shared>> -> memref<10240x128xf32, #tpu.memory_space<vmem_shared>>
        tpu.wait_indirect_dma semaphore(%run_scoped3A_140 : memref<!tpu.dma_semaphore, #tpu.memory_space<semaphore_mem>>) src(%arg9 : memref<128x128xf32, #tpu.memory_space<vmem>>) dst(%dma_wait3A_152 : memref<10240x128xf32, #tpu.memory_space<vmem_shared>>)
        tpu.yield
      }) : () -> ()
      %dma_start3A_42 = arith.constant 2 : i32
      %dma_start3A_43 = arith.constant 0 : i32
      %dma_start3A_44 = tpu.memref_slice %arg7[%dma_start3A_42, %dma_start3A_43] : memref<8x128xi32, #tpu.memory_space<vmem>> -> memref<1x128xi32, #tpu.memory_space<vmem>>
      %dma_start3A_45 = tpu.memref_squeeze %dma_start3A_44 : memref<1x128xi32, #tpu.memory_space<vmem>> -> memref<128xi32, #tpu.memory_space<vmem>>
      %dma_start3A_46 = arith.constant 0 : i32
      %dma_start3A_47 = arith.constant 0 : i32
      %dma_start3A_48 = tpu.memref_slice %arg2[%dma_start3A_46, %dma_start3A_47] : memref<10240x128xf32, #tpu.memory_space<hbm>> -> memref<10240x128xf32, #tpu.memory_space<hbm>>
      tpu.enqueue_indirect_dma source(%dma_start3A_48 : memref<10240x128xf32, #tpu.memory_space<hbm>>) target(%arg9 : memref<128x128xf32, #tpu.memory_space<vmem>>) offsets(%dma_start3A_45 : memref<128xi32, #tpu.memory_space<vmem>>) semaphore(%arg12 : memref<!tpu.dma_semaphore, #tpu.memory_space<semaphore_mem>>)
      %dma_wait3A_49 = arith.constant 1 : i32
      %dma_wait3A_50 = arith.constant 0 : i32
      %dma_wait3A_51 = tpu.memref_slice %arg7[%dma_wait3A_49, %dma_wait3A_50] : memref<8x128xi32, #tpu.memory_space<vmem>> -> memref<1x128xi32, #tpu.memory_space<vmem>>
      %dma_wait3A_52 = tpu.memref_squeeze %dma_wait3A_51 : memref<1x128xi32, #tpu.memory_space<vmem>> -> memref<128xi32, #tpu.memory_space<vmem>>
      %dma_wait3A_53 = arith.constant 0 : i32
      %dma_wait3A_54 = arith.constant 0 : i32
      %dma_wait3A_55 = tpu.memref_slice %arg2[%dma_wait3A_53, %dma_wait3A_54] : memref<10240x128xf32, #tpu.memory_space<hbm>> -> memref<10240x128xf32, #tpu.memory_space<hbm>>
      tpu.wait_indirect_dma semaphore(%arg13 : memref<!tpu.dma_semaphore, #tpu.memory_space<semaphore_mem>>) src(%dma_wait3A_55 : memref<10240x128xf32, #tpu.memory_space<hbm>>) dst(%arg10 : memref<128x128xf32, #tpu.memory_space<vmem>>)
      %run_scoped3A_56 = arith.constant 1 : i32
      "tpu.region"() ({
        %run_scoped3A_140 = tpu.sem_alloc : memref<!tpu.dma_semaphore, #tpu.memory_space<semaphore_mem>>
        %dma_start3A_141 = arith.constant 0 : i32
        %dma_start3A_142 = tpu.memref_slice %arg8[%run_scoped3A_56, %dma_start3A_141] : memref<8x128xi32, #tpu.memory_space<vmem>> -> memref<1x128xi32, #tpu.memory_space<vmem>>
        %dma_start3A_143 = tpu.memref_squeeze %dma_start3A_142 : memref<1x128xi32, #tpu.memory_space<vmem>> -> memref<128xi32, #tpu.memory_space<vmem>>
        %dma_start3A_144 = arith.constant 0 : i32
        %dma_start3A_145 = arith.constant 0 : i32
        %dma_start3A_146 = tpu.memref_slice %arg11[%dma_start3A_144, %dma_start3A_145] : memref<10240x128xf32, #tpu.memory_space<vmem_shared>> -> memref<10240x128xf32, #tpu.memory_space<vmem_shared>>
        tpu.enqueue_indirect_dma source(%arg10 : memref<128x128xf32, #tpu.memory_space<vmem>>) target(%dma_start3A_146 : memref<10240x128xf32, #tpu.memory_space<vmem_shared>>) offsets(%dma_start3A_143 : memref<128xi32, #tpu.memory_space<vmem>>) semaphore(%run_scoped3A_140 : memref<!tpu.dma_semaphore, #tpu.memory_space<semaphore_mem>>) {add = true}
        %dma_wait3A_147 = arith.constant 0 : i32
        %dma_wait3A_148 = tpu.memref_slice %arg8[%run_scoped3A_56, %dma_wait3A_147] : memref<8x128xi32, #tpu.memory_space<vmem>> -> memref<1x128xi32, #tpu.memory_space<vmem>>
        %dma_wait3A_149 = tpu.memref_squeeze %dma_wait3A_148 : memref<1x128xi32, #tpu.memory_space<vmem>> -> memref<128xi32, #tpu.memory_space<vmem>>
        %dma_wait3A_150 = arith.constant 0 : i32
        %dma_wait3A_151 = arith.constant 0 : i32
        %dma_wait3A_152 = tpu.memref_slice %arg11[%dma_wait3A_150, %dma_wait3A_151] : memref<10240x128xf32, #tpu.memory_space<vmem_shared>> -> memref<10240x128xf32, #tpu.memory_space<vmem_shared>>
        tpu.wait_indirect_dma semaphore(%run_scoped3A_140 : memref<!tpu.dma_semaphore, #tpu.memory_space<semaphore_mem>>) src(%arg10 : memref<128x128xf32, #tpu.memory_space<vmem>>) dst(%dma_wait3A_152 : memref<10240x128xf32, #tpu.memory_space<vmem_shared>>)
        tpu.yield
      }) : () -> ()
      %dma_start3A_57 = arith.constant 3 : i32
      %dma_start3A_58 = arith.constant 0 : i32
      %dma_start3A_59 = tpu.memref_slice %arg7[%dma_start3A_57, %dma_start3A_58] : memref<8x128xi32, #tpu.memory_space<vmem>> -> memref<1x128xi32, #tpu.memory_space<vmem>>
      %dma_start3A_60 = tpu.memref_squeeze %dma_start3A_59 : memref<1x128xi32, #tpu.memory_space<vmem>> -> memref<128xi32, #tpu.memory_space<vmem>>
      %dma_start3A_61 = arith.constant 0 : i32
      %dma_start3A_62 = arith.constant 0 : i32
      %dma_start3A_63 = tpu.memref_slice %arg2[%dma_start3A_61, %dma_start3A_62] : memref<10240x128xf32, #tpu.memory_space<hbm>> -> memref<10240x128xf32, #tpu.memory_space<hbm>>
      tpu.enqueue_indirect_dma source(%dma_start3A_63 : memref<10240x128xf32, #tpu.memory_space<hbm>>) target(%arg10 : memref<128x128xf32, #tpu.memory_space<vmem>>) offsets(%dma_start3A_60 : memref<128xi32, #tpu.memory_space<vmem>>) semaphore(%arg13 : memref<!tpu.dma_semaphore, #tpu.memory_space<semaphore_mem>>)
      %dma_wait3A_64 = arith.constant 2 : i32
      %dma_wait3A_65 = arith.constant 0 : i32
      %dma_wait3A_66 = tpu.memref_slice %arg7[%dma_wait3A_64, %dma_wait3A_65] : memref<8x128xi32, #tpu.memory_space<vmem>> -> memref<1x128xi32, #tpu.memory_space<vmem>>
      %dma_wait3A_67 = tpu.memref_squeeze %dma_wait3A_66 : memref<1x128xi32, #tpu.memory_space<vmem>> -> memref<128xi32, #tpu.memory_space<vmem>>
      %dma_wait3A_68 = arith.constant 0 : i32
      %dma_wait3A_69 = arith.constant 0 : i32
      %dma_wait3A_70 = tpu.memref_slice %arg2[%dma_wait3A_68, %dma_wait3A_69] : memref<10240x128xf32, #tpu.memory_space<hbm>> -> memref<10240x128xf32, #tpu.memory_space<hbm>>
      tpu.wait_indirect_dma semaphore(%arg12 : memref<!tpu.dma_semaphore, #tpu.memory_space<semaphore_mem>>) src(%dma_wait3A_70 : memref<10240x128xf32, #tpu.memory_space<hbm>>) dst(%arg9 : memref<128x128xf32, #tpu.memory_space<vmem>>)
      %run_scoped3A_71 = arith.constant 2 : i32
      "tpu.region"() ({
        %run_scoped3A_140 = tpu.sem_alloc : memref<!tpu.dma_semaphore, #tpu.memory_space<semaphore_mem>>
        %dma_start3A_141 = arith.constant 0 : i32
        %dma_start3A_142 = tpu.memref_slice %arg8[%run_scoped3A_71, %dma_start3A_141] : memref<8x128xi32, #tpu.memory_space<vmem>> -> memref<1x128xi32, #tpu.memory_space<vmem>>
        %dma_start3A_143 = tpu.memref_squeeze %dma_start3A_142 : memref<1x128xi32, #tpu.memory_space<vmem>> -> memref<128xi32, #tpu.memory_space<vmem>>
        %dma_start3A_144 = arith.constant 0 : i32
        %dma_start3A_145 = arith.constant 0 : i32
        %dma_start3A_146 = tpu.memref_slice %arg11[%dma_start3A_144, %dma_start3A_145] : memref<10240x128xf32, #tpu.memory_space<vmem_shared>> -> memref<10240x128xf32, #tpu.memory_space<vmem_shared>>
        tpu.enqueue_indirect_dma source(%arg9 : memref<128x128xf32, #tpu.memory_space<vmem>>) target(%dma_start3A_146 : memref<10240x128xf32, #tpu.memory_space<vmem_shared>>) offsets(%dma_start3A_143 : memref<128xi32, #tpu.memory_space<vmem>>) semaphore(%run_scoped3A_140 : memref<!tpu.dma_semaphore, #tpu.memory_space<semaphore_mem>>) {add = true}
        %dma_wait3A_147 = arith.constant 0 : i32
        %dma_wait3A_148 = tpu.memref_slice %arg8[%run_scoped3A_71, %dma_wait3A_147] : memref<8x128xi32, #tpu.memory_space<vmem>> -> memref<1x128xi32, #tpu.memory_space<vmem>>
        %dma_wait3A_149 = tpu.memref_squeeze %dma_wait3A_148 : memref<1x128xi32, #tpu.memory_space<vmem>> -> memref<128xi32, #tpu.memory_space<vmem>>
        %dma_wait3A_150 = arith.constant 0 : i32
        %dma_wait3A_151 = arith.constant 0 : i32
        %dma_wait3A_152 = tpu.memref_slice %arg11[%dma_wait3A_150, %dma_wait3A_151] : memref<10240x128xf32, #tpu.memory_space<vmem_shared>> -> memref<10240x128xf32, #tpu.memory_space<vmem_shared>>
        tpu.wait_indirect_dma semaphore(%run_scoped3A_140 : memref<!tpu.dma_semaphore, #tpu.memory_space<semaphore_mem>>) src(%arg9 : memref<128x128xf32, #tpu.memory_space<vmem>>) dst(%dma_wait3A_152 : memref<10240x128xf32, #tpu.memory_space<vmem_shared>>)
        tpu.yield
      }) : () -> ()
      %dma_start3A_72 = arith.constant 4 : i32
      %dma_start3A_73 = arith.constant 0 : i32
      %dma_start3A_74 = tpu.memref_slice %arg7[%dma_start3A_72, %dma_start3A_73] : memref<8x128xi32, #tpu.memory_space<vmem>> -> memref<1x128xi32, #tpu.memory_space<vmem>>
      %dma_start3A_75 = tpu.memref_squeeze %dma_start3A_74 : memref<1x128xi32, #tpu.memory_space<vmem>> -> memref<128xi32, #tpu.memory_space<vmem>>
      %dma_start3A_76 = arith.constant 0 : i32
      %dma_start3A_77 = arith.constant 0 : i32
      %dma_start3A_78 = tpu.memref_slice %arg2[%dma_start3A_76, %dma_start3A_77] : memref<10240x128xf32, #tpu.memory_space<hbm>> -> memref<10240x128xf32, #tpu.memory_space<hbm>>
      tpu.enqueue_indirect_dma source(%dma_start3A_78 : memref<10240x128xf32, #tpu.memory_space<hbm>>) target(%arg9 : memref<128x128xf32, #tpu.memory_space<vmem>>) offsets(%dma_start3A_75 : memref<128xi32, #tpu.memory_space<vmem>>) semaphore(%arg12 : memref<!tpu.dma_semaphore, #tpu.memory_space<semaphore_mem>>)
      %dma_wait3A_79 = arith.constant 3 : i32
      %dma_wait3A_80 = arith.constant 0 : i32
      %dma_wait3A_81 = tpu.memref_slice %arg7[%dma_wait3A_79, %dma_wait3A_80] : memref<8x128xi32, #tpu.memory_space<vmem>> -> memref<1x128xi32, #tpu.memory_space<vmem>>
      %dma_wait3A_82 = tpu.memref_squeeze %dma_wait3A_81 : memref<1x128xi32, #tpu.memory_space<vmem>> -> memref<128xi32, #tpu.memory_space<vmem>>
      %dma_wait3A_83 = arith.constant 0 : i32
      %dma_wait3A_84 = arith.constant 0 : i32
      %dma_wait3A_85 = tpu.memref_slice %arg2[%dma_wait3A_83, %dma_wait3A_84] : memref<10240x128xf32, #tpu.memory_space<hbm>> -> memref<10240x128xf32, #tpu.memory_space<hbm>>
      tpu.wait_indirect_dma semaphore(%arg13 : memref<!tpu.dma_semaphore, #tpu.memory_space<semaphore_mem>>) src(%dma_wait3A_85 : memref<10240x128xf32, #tpu.memory_space<hbm>>) dst(%arg10 : memref<128x128xf32, #tpu.memory_space<vmem>>)
      %run_scoped3A_86 = arith.constant 3 : i32
      "tpu.region"() ({
        %run_scoped3A_140 = tpu.sem_alloc : memref<!tpu.dma_semaphore, #tpu.memory_space<semaphore_mem>>
        %dma_start3A_141 = arith.constant 0 : i32
        %dma_start3A_142 = tpu.memref_slice %arg8[%run_scoped3A_86, %dma_start3A_141] : memref<8x128xi32, #tpu.memory_space<vmem>> -> memref<1x128xi32, #tpu.memory_space<vmem>>
        %dma_start3A_143 = tpu.memref_squeeze %dma_start3A_142 : memref<1x128xi32, #tpu.memory_space<vmem>> -> memref<128xi32, #tpu.memory_space<vmem>>
        %dma_start3A_144 = arith.constant 0 : i32
        %dma_start3A_145 = arith.constant 0 : i32
        %dma_start3A_146 = tpu.memref_slice %arg11[%dma_start3A_144, %dma_start3A_145] : memref<10240x128xf32, #tpu.memory_space<vmem_shared>> -> memref<10240x128xf32, #tpu.memory_space<vmem_shared>>
        tpu.enqueue_indirect_dma source(%arg10 : memref<128x128xf32, #tpu.memory_space<vmem>>) target(%dma_start3A_146 : memref<10240x128xf32, #tpu.memory_space<vmem_shared>>) offsets(%dma_start3A_143 : memref<128xi32, #tpu.memory_space<vmem>>) semaphore(%run_scoped3A_140 : memref<!tpu.dma_semaphore, #tpu.memory_space<semaphore_mem>>) {add = true}
        %dma_wait3A_147 = arith.constant 0 : i32
        %dma_wait3A_148 = tpu.memref_slice %arg8[%run_scoped3A_86, %dma_wait3A_147] : memref<8x128xi32, #tpu.memory_space<vmem>> -> memref<1x128xi32, #tpu.memory_space<vmem>>
        %dma_wait3A_149 = tpu.memref_squeeze %dma_wait3A_148 : memref<1x128xi32, #tpu.memory_space<vmem>> -> memref<128xi32, #tpu.memory_space<vmem>>
        %dma_wait3A_150 = arith.constant 0 : i32
        %dma_wait3A_151 = arith.constant 0 : i32
        %dma_wait3A_152 = tpu.memref_slice %arg11[%dma_wait3A_150, %dma_wait3A_151] : memref<10240x128xf32, #tpu.memory_space<vmem_shared>> -> memref<10240x128xf32, #tpu.memory_space<vmem_shared>>
        tpu.wait_indirect_dma semaphore(%run_scoped3A_140 : memref<!tpu.dma_semaphore, #tpu.memory_space<semaphore_mem>>) src(%arg10 : memref<128x128xf32, #tpu.memory_space<vmem>>) dst(%dma_wait3A_152 : memref<10240x128xf32, #tpu.memory_space<vmem_shared>>)
        tpu.yield
      }) : () -> ()
      %dma_start3A_87 = arith.constant 5 : i32
      %dma_start3A_88 = arith.constant 0 : i32
      %dma_start3A_89 = tpu.memref_slice %arg7[%dma_start3A_87, %dma_start3A_88] : memref<8x128xi32, #tpu.memory_space<vmem>> -> memref<1x128xi32, #tpu.memory_space<vmem>>
      %dma_start3A_90 = tpu.memref_squeeze %dma_start3A_89 : memref<1x128xi32, #tpu.memory_space<vmem>> -> memref<128xi32, #tpu.memory_space<vmem>>
      %dma_start3A_91 = arith.constant 0 : i32
      %dma_start3A_92 = arith.constant 0 : i32
      %dma_start3A_93 = tpu.memref_slice %arg2[%dma_start3A_91, %dma_start3A_92] : memref<10240x128xf32, #tpu.memory_space<hbm>> -> memref<10240x128xf32, #tpu.memory_space<hbm>>
      tpu.enqueue_indirect_dma source(%dma_start3A_93 : memref<10240x128xf32, #tpu.memory_space<hbm>>) target(%arg10 : memref<128x128xf32, #tpu.memory_space<vmem>>) offsets(%dma_start3A_90 : memref<128xi32, #tpu.memory_space<vmem>>) semaphore(%arg13 : memref<!tpu.dma_semaphore, #tpu.memory_space<semaphore_mem>>)
      %dma_wait3A_94 = arith.constant 4 : i32
      %dma_wait3A_95 = arith.constant 0 : i32
      %dma_wait3A_96 = tpu.memref_slice %arg7[%dma_wait3A_94, %dma_wait3A_95] : memref<8x128xi32, #tpu.memory_space<vmem>> -> memref<1x128xi32, #tpu.memory_space<vmem>>
      %dma_wait3A_97 = tpu.memref_squeeze %dma_wait3A_96 : memref<1x128xi32, #tpu.memory_space<vmem>> -> memref<128xi32, #tpu.memory_space<vmem>>
      %dma_wait3A_98 = arith.constant 0 : i32
      %dma_wait3A_99 = arith.constant 0 : i32
      %dma_wait3A_100 = tpu.memref_slice %arg2[%dma_wait3A_98, %dma_wait3A_99] : memref<10240x128xf32, #tpu.memory_space<hbm>> -> memref<10240x128xf32, #tpu.memory_space<hbm>>
      tpu.wait_indirect_dma semaphore(%arg12 : memref<!tpu.dma_semaphore, #tpu.memory_space<semaphore_mem>>) src(%dma_wait3A_100 : memref<10240x128xf32, #tpu.memory_space<hbm>>) dst(%arg9 : memref<128x128xf32, #tpu.memory_space<vmem>>)
      %run_scoped3A_101 = arith.constant 4 : i32
      "tpu.region"() ({
        %run_scoped3A_140 = tpu.sem_alloc : memref<!tpu.dma_semaphore, #tpu.memory_space<semaphore_mem>>
        %dma_start3A_141 = arith.constant 0 : i32
        %dma_start3A_142 = tpu.memref_slice %arg8[%run_scoped3A_101, %dma_start3A_141] : memref<8x128xi32, #tpu.memory_space<vmem>> -> memref<1x128xi32, #tpu.memory_space<vmem>>
        %dma_start3A_143 = tpu.memref_squeeze %dma_start3A_142 : memref<1x128xi32, #tpu.memory_space<vmem>> -> memref<128xi32, #tpu.memory_space<vmem>>
        %dma_start3A_144 = arith.constant 0 : i32
        %dma_start3A_145 = arith.constant 0 : i32
        %dma_start3A_146 = tpu.memref_slice %arg11[%dma_start3A_144, %dma_start3A_145] : memref<10240x128xf32, #tpu.memory_space<vmem_shared>> -> memref<10240x128xf32, #tpu.memory_space<vmem_shared>>
        tpu.enqueue_indirect_dma source(%arg9 : memref<128x128xf32, #tpu.memory_space<vmem>>) target(%dma_start3A_146 : memref<10240x128xf32, #tpu.memory_space<vmem_shared>>) offsets(%dma_start3A_143 : memref<128xi32, #tpu.memory_space<vmem>>) semaphore(%run_scoped3A_140 : memref<!tpu.dma_semaphore, #tpu.memory_space<semaphore_mem>>) {add = true}
        %dma_wait3A_147 = arith.constant 0 : i32
        %dma_wait3A_148 = tpu.memref_slice %arg8[%run_scoped3A_101, %dma_wait3A_147] : memref<8x128xi32, #tpu.memory_space<vmem>> -> memref<1x128xi32, #tpu.memory_space<vmem>>
        %dma_wait3A_149 = tpu.memref_squeeze %dma_wait3A_148 : memref<1x128xi32, #tpu.memory_space<vmem>> -> memref<128xi32, #tpu.memory_space<vmem>>
        %dma_wait3A_150 = arith.constant 0 : i32
        %dma_wait3A_151 = arith.constant 0 : i32
        %dma_wait3A_152 = tpu.memref_slice %arg11[%dma_wait3A_150, %dma_wait3A_151] : memref<10240x128xf32, #tpu.memory_space<vmem_shared>> -> memref<10240x128xf32, #tpu.memory_space<vmem_shared>>
        tpu.wait_indirect_dma semaphore(%run_scoped3A_140 : memref<!tpu.dma_semaphore, #tpu.memory_space<semaphore_mem>>) src(%arg9 : memref<128x128xf32, #tpu.memory_space<vmem>>) dst(%dma_wait3A_152 : memref<10240x128xf32, #tpu.memory_space<vmem_shared>>)
        tpu.yield
      }) : () -> ()
      %dma_start3A_102 = arith.constant 6 : i32
      %dma_start3A_103 = arith.constant 0 : i32
      %dma_start3A_104 = tpu.memref_slice %arg7[%dma_start3A_102, %dma_start3A_103] : memref<8x128xi32, #tpu.memory_space<vmem>> -> memref<1x128xi32, #tpu.memory_space<vmem>>
      %dma_start3A_105 = tpu.memref_squeeze %dma_start3A_104 : memref<1x128xi32, #tpu.memory_space<vmem>> -> memref<128xi32, #tpu.memory_space<vmem>>
      %dma_start3A_106 = arith.constant 0 : i32
      %dma_start3A_107 = arith.constant 0 : i32
      %dma_start3A_108 = tpu.memref_slice %arg2[%dma_start3A_106, %dma_start3A_107] : memref<10240x128xf32, #tpu.memory_space<hbm>> -> memref<10240x128xf32, #tpu.memory_space<hbm>>
      tpu.enqueue_indirect_dma source(%dma_start3A_108 : memref<10240x128xf32, #tpu.memory_space<hbm>>) target(%arg9 : memref<128x128xf32, #tpu.memory_space<vmem>>) offsets(%dma_start3A_105 : memref<128xi32, #tpu.memory_space<vmem>>) semaphore(%arg12 : memref<!tpu.dma_semaphore, #tpu.memory_space<semaphore_mem>>)
      %dma_wait3A_109 = arith.constant 5 : i32
      %dma_wait3A_110 = arith.constant 0 : i32
      %dma_wait3A_111 = tpu.memref_slice %arg7[%dma_wait3A_109, %dma_wait3A_110] : memref<8x128xi32, #tpu.memory_space<vmem>> -> memref<1x128xi32, #tpu.memory_space<vmem>>
      %dma_wait3A_112 = tpu.memref_squeeze %dma_wait3A_111 : memref<1x128xi32, #tpu.memory_space<vmem>> -> memref<128xi32, #tpu.memory_space<vmem>>
      %dma_wait3A_113 = arith.constant 0 : i32
      %dma_wait3A_114 = arith.constant 0 : i32
      %dma_wait3A_115 = tpu.memref_slice %arg2[%dma_wait3A_113, %dma_wait3A_114] : memref<10240x128xf32, #tpu.memory_space<hbm>> -> memref<10240x128xf32, #tpu.memory_space<hbm>>
      tpu.wait_indirect_dma semaphore(%arg13 : memref<!tpu.dma_semaphore, #tpu.memory_space<semaphore_mem>>) src(%dma_wait3A_115 : memref<10240x128xf32, #tpu.memory_space<hbm>>) dst(%arg10 : memref<128x128xf32, #tpu.memory_space<vmem>>)
      %run_scoped3A_116 = arith.constant 5 : i32
      "tpu.region"() ({
        %run_scoped3A_140 = tpu.sem_alloc : memref<!tpu.dma_semaphore, #tpu.memory_space<semaphore_mem>>
        %dma_start3A_141 = arith.constant 0 : i32
        %dma_start3A_142 = tpu.memref_slice %arg8[%run_scoped3A_116, %dma_start3A_141] : memref<8x128xi32, #tpu.memory_space<vmem>> -> memref<1x128xi32, #tpu.memory_space<vmem>>
        %dma_start3A_143 = tpu.memref_squeeze %dma_start3A_142 : memref<1x128xi32, #tpu.memory_space<vmem>> -> memref<128xi32, #tpu.memory_space<vmem>>
        %dma_start3A_144 = arith.constant 0 : i32
        %dma_start3A_145 = arith.constant 0 : i32
        %dma_start3A_146 = tpu.memref_slice %arg11[%dma_start3A_144, %dma_start3A_145] : memref<10240x128xf32, #tpu.memory_space<vmem_shared>> -> memref<10240x128xf32, #tpu.memory_space<vmem_shared>>
        tpu.enqueue_indirect_dma source(%arg10 : memref<128x128xf32, #tpu.memory_space<vmem>>) target(%dma_start3A_146 : memref<10240x128xf32, #tpu.memory_space<vmem_shared>>) offsets(%dma_start3A_143 : memref<128xi32, #tpu.memory_space<vmem>>) semaphore(%run_scoped3A_140 : memref<!tpu.dma_semaphore, #tpu.memory_space<semaphore_mem>>) {add = true}
        %dma_wait3A_147 = arith.constant 0 : i32
        %dma_wait3A_148 = tpu.memref_slice %arg8[%run_scoped3A_116, %dma_wait3A_147] : memref<8x128xi32, #tpu.memory_space<vmem>> -> memref<1x128xi32, #tpu.memory_space<vmem>>
        %dma_wait3A_149 = tpu.memref_squeeze %dma_wait3A_148 : memref<1x128xi32, #tpu.memory_space<vmem>> -> memref<128xi32, #tpu.memory_space<vmem>>
        %dma_wait3A_150 = arith.constant 0 : i32
        %dma_wait3A_151 = arith.constant 0 : i32
        %dma_wait3A_152 = tpu.memref_slice %arg11[%dma_wait3A_150, %dma_wait3A_151] : memref<10240x128xf32, #tpu.memory_space<vmem_shared>> -> memref<10240x128xf32, #tpu.memory_space<vmem_shared>>
        tpu.wait_indirect_dma semaphore(%run_scoped3A_140 : memref<!tpu.dma_semaphore, #tpu.memory_space<semaphore_mem>>) src(%arg10 : memref<128x128xf32, #tpu.memory_space<vmem>>) dst(%dma_wait3A_152 : memref<10240x128xf32, #tpu.memory_space<vmem_shared>>)
        tpu.yield
      }) : () -> ()
      %dma_start3A_117 = arith.constant 7 : i32
      %dma_start3A_118 = arith.constant 0 : i32
      %dma_start3A_119 = tpu.memref_slice %arg7[%dma_start3A_117, %dma_start3A_118] : memref<8x128xi32, #tpu.memory_space<vmem>> -> memref<1x128xi32, #tpu.memory_space<vmem>>
      %dma_start3A_120 = tpu.memref_squeeze %dma_start3A_119 : memref<1x128xi32, #tpu.memory_space<vmem>> -> memref<128xi32, #tpu.memory_space<vmem>>
      %dma_start3A_121 = arith.constant 0 : i32
      %dma_start3A_122 = arith.constant 0 : i32
      %dma_start3A_123 = tpu.memref_slice %arg2[%dma_start3A_121, %dma_start3A_122] : memref<10240x128xf32, #tpu.memory_space<hbm>> -> memref<10240x128xf32, #tpu.memory_space<hbm>>
      tpu.enqueue_indirect_dma source(%dma_start3A_123 : memref<10240x128xf32, #tpu.memory_space<hbm>>) target(%arg10 : memref<128x128xf32, #tpu.memory_space<vmem>>) offsets(%dma_start3A_120 : memref<128xi32, #tpu.memory_space<vmem>>) semaphore(%arg13 : memref<!tpu.dma_semaphore, #tpu.memory_space<semaphore_mem>>)
      %dma_wait3A_124 = arith.constant 6 : i32
      %dma_wait3A_125 = arith.constant 0 : i32
      %dma_wait3A_126 = tpu.memref_slice %arg7[%dma_wait3A_124, %dma_wait3A_125] : memref<8x128xi32, #tpu.memory_space<vmem>> -> memref<1x128xi32, #tpu.memory_space<vmem>>
      %dma_wait3A_127 = tpu.memref_squeeze %dma_wait3A_126 : memref<1x128xi32, #tpu.memory_space<vmem>> -> memref<128xi32, #tpu.memory_space<vmem>>
      %dma_wait3A_128 = arith.constant 0 : i32
      %dma_wait3A_129 = arith.constant 0 : i32
      %dma_wait3A_130 = tpu.memref_slice %arg2[%dma_wait3A_128, %dma_wait3A_129] : memref<10240x128xf32, #tpu.memory_space<hbm>> -> memref<10240x128xf32, #tpu.memory_space<hbm>>
      tpu.wait_indirect_dma semaphore(%arg12 : memref<!tpu.dma_semaphore, #tpu.memory_space<semaphore_mem>>) src(%dma_wait3A_130 : memref<10240x128xf32, #tpu.memory_space<hbm>>) dst(%arg9 : memref<128x128xf32, #tpu.memory_space<vmem>>)
      %run_scoped3A_131 = arith.constant 6 : i32
      "tpu.region"() ({
        %run_scoped3A_140 = tpu.sem_alloc : memref<!tpu.dma_semaphore, #tpu.memory_space<semaphore_mem>>
        %dma_start3A_141 = arith.constant 0 : i32
        %dma_start3A_142 = tpu.memref_slice %arg8[%run_scoped3A_131, %dma_start3A_141] : memref<8x128xi32, #tpu.memory_space<vmem>> -> memref<1x128xi32, #tpu.memory_space<vmem>>
        %dma_start3A_143 = tpu.memref_squeeze %dma_start3A_142 : memref<1x128xi32, #tpu.memory_space<vmem>> -> memref<128xi32, #tpu.memory_space<vmem>>
        %dma_start3A_144 = arith.constant 0 : i32
        %dma_start3A_145 = arith.constant 0 : i32
        %dma_start3A_146 = tpu.memref_slice %arg11[%dma_start3A_144, %dma_start3A_145] : memref<10240x128xf32, #tpu.memory_space<vmem_shared>> -> memref<10240x128xf32, #tpu.memory_space<vmem_shared>>
        tpu.enqueue_indirect_dma source(%arg9 : memref<128x128xf32, #tpu.memory_space<vmem>>) target(%dma_start3A_146 : memref<10240x128xf32, #tpu.memory_space<vmem_shared>>) offsets(%dma_start3A_143 : memref<128xi32, #tpu.memory_space<vmem>>) semaphore(%run_scoped3A_140 : memref<!tpu.dma_semaphore, #tpu.memory_space<semaphore_mem>>) {add = true}
        %dma_wait3A_147 = arith.constant 0 : i32
        %dma_wait3A_148 = tpu.memref_slice %arg8[%run_scoped3A_131, %dma_wait3A_147] : memref<8x128xi32, #tpu.memory_space<vmem>> -> memref<1x128xi32, #tpu.memory_space<vmem>>
        %dma_wait3A_149 = tpu.memref_squeeze %dma_wait3A_148 : memref<1x128xi32, #tpu.memory_space<vmem>> -> memref<128xi32, #tpu.memory_space<vmem>>
        %dma_wait3A_150 = arith.constant 0 : i32
        %dma_wait3A_151 = arith.constant 0 : i32
        %dma_wait3A_152 = tpu.memref_slice %arg11[%dma_wait3A_150, %dma_wait3A_151] : memref<10240x128xf32, #tpu.memory_space<vmem_shared>> -> memref<10240x128xf32, #tpu.memory_space<vmem_shared>>
        tpu.wait_indirect_dma semaphore(%run_scoped3A_140 : memref<!tpu.dma_semaphore, #tpu.memory_space<semaphore_mem>>) src(%arg9 : memref<128x128xf32, #tpu.memory_space<vmem>>) dst(%dma_wait3A_152 : memref<10240x128xf32, #tpu.memory_space<vmem_shared>>)
        tpu.yield
      }) : () -> ()
      %dma_wait3A_132 = arith.constant 7 : i32
      %dma_wait3A_133 = arith.constant 0 : i32
      %dma_wait3A_134 = tpu.memref_slice %arg7[%dma_wait3A_132, %dma_wait3A_133] : memref<8x128xi32, #tpu.memory_space<vmem>> -> memref<1x128xi32, #tpu.memory_space<vmem>>
      %dma_wait3A_135 = tpu.memref_squeeze %dma_wait3A_134 : memref<1x128xi32, #tpu.memory_space<vmem>> -> memref<128xi32, #tpu.memory_space<vmem>>
      %dma_wait3A_136 = arith.constant 0 : i32
      %dma_wait3A_137 = arith.constant 0 : i32
      %dma_wait3A_138 = tpu.memref_slice %arg2[%dma_wait3A_136, %dma_wait3A_137] : memref<10240x128xf32, #tpu.memory_space<hbm>> -> memref<10240x128xf32, #tpu.memory_space<hbm>>
      tpu.wait_indirect_dma semaphore(%arg13 : memref<!tpu.dma_semaphore, #tpu.memory_space<semaphore_mem>>) src(%dma_wait3A_138 : memref<10240x128xf32, #tpu.memory_space<hbm>>) dst(%arg10 : memref<128x128xf32, #tpu.memory_space<vmem>>)
      %run_scoped3A_139 = arith.constant 7 : i32
      "tpu.region"() ({
        %run_scoped3A_140 = tpu.sem_alloc : memref<!tpu.dma_semaphore, #tpu.memory_space<semaphore_mem>>
        %dma_start3A_141 = arith.constant 0 : i32
        %dma_start3A_142 = tpu.memref_slice %arg8[%run_scoped3A_139, %dma_start3A_141] : memref<8x128xi32, #tpu.memory_space<vmem>> -> memref<1x128xi32, #tpu.memory_space<vmem>>
        %dma_start3A_143 = tpu.memref_squeeze %dma_start3A_142 : memref<1x128xi32, #tpu.memory_space<vmem>> -> memref<128xi32, #tpu.memory_space<vmem>>
        %dma_start3A_144 = arith.constant 0 : i32
        %dma_start3A_145 = arith.constant 0 : i32
        %dma_start3A_146 = tpu.memref_slice %arg11[%dma_start3A_144, %dma_start3A_145] : memref<10240x128xf32, #tpu.memory_space<vmem_shared>> -> memref<10240x128xf32, #tpu.memory_space<vmem_shared>>
        tpu.enqueue_indirect_dma source(%arg10 : memref<128x128xf32, #tpu.memory_space<vmem>>) target(%dma_start3A_146 : memref<10240x128xf32, #tpu.memory_space<vmem_shared>>) offsets(%dma_start3A_143 : memref<128xi32, #tpu.memory_space<vmem>>) semaphore(%run_scoped3A_140 : memref<!tpu.dma_semaphore, #tpu.memory_space<semaphore_mem>>) {add = true}
        %dma_wait3A_147 = arith.constant 0 : i32
        %dma_wait3A_148 = tpu.memref_slice %arg8[%run_scoped3A_139, %dma_wait3A_147] : memref<8x128xi32, #tpu.memory_space<vmem>> -> memref<1x128xi32, #tpu.memory_space<vmem>>
        %dma_wait3A_149 = tpu.memref_squeeze %dma_wait3A_148 : memref<1x128xi32, #tpu.memory_space<vmem>> -> memref<128xi32, #tpu.memory_space<vmem>>
        %dma_wait3A_150 = arith.constant 0 : i32
        %dma_wait3A_151 = arith.constant 0 : i32
        %dma_wait3A_152 = tpu.memref_slice %arg11[%dma_wait3A_150, %dma_wait3A_151] : memref<10240x128xf32, #tpu.memory_space<vmem_shared>> -> memref<10240x128xf32, #tpu.memory_space<vmem_shared>>
        tpu.wait_indirect_dma semaphore(%run_scoped3A_140 : memref<!tpu.dma_semaphore, #tpu.memory_space<semaphore_mem>>) src(%arg10 : memref<128x128xf32, #tpu.memory_space<vmem>>) dst(%dma_wait3A_152 : memref<10240x128xf32, #tpu.memory_space<vmem_shared>>)
        tpu.yield
      }) : () -> ()
    }
    %scan3A_8 = arith.constant 10 : i32
    %barrier3A_9 = arith.constant 0 : index
    tpu.barrier barrier_id(%barrier3A_9)
    %mul3A_10 = arith.constant 640 : i32
    %mul3A_11 = arith.muli %arg1, %mul3A_10 : i32
    %mul3A_12 = arith.constant 640 : i32
    %mul3A_13 = arith.muli %arg1, %mul3A_12 : i32
    "tpu.region"() ({
      %run_scoped3A = tpu.sem_alloc : memref<!tpu.dma_semaphore, #tpu.memory_space<semaphore_mem>>
      %dma_start3A = arith.constant 0 : i32
      %dma_start3A_14 = tpu.memref_slice %arg6[%arg0, %mul3A_13, %dma_start3A] : memref<2x10240x128xf32, #tpu.memory_space<hbm>> -> memref<1x640x128xf32, #tpu.memory_space<hbm>>
      %dma_start3A_15 = tpu.memref_squeeze %dma_start3A_14 : memref<1x640x128xf32, #tpu.memory_space<hbm>> -> memref<640x128xf32, #tpu.memory_space<hbm>>
      %dma_start3A_16 = arith.constant 0 : i32
      %dma_start3A_17 = tpu.memref_slice %arg11[%mul3A_11, %dma_start3A_16] : memref<10240x128xf32, #tpu.memory_space<vmem_shared>> -> memref<640x128xf32, #tpu.memory_space<vmem_shared>>
      tpu.enqueue_dma source(%dma_start3A_17 : memref<640x128xf32, #tpu.memory_space<vmem_shared>>) target(%dma_start3A_15 : memref<640x128xf32, #tpu.memory_space<hbm>>) target_semaphore(%run_scoped3A : memref<!tpu.dma_semaphore, #tpu.memory_space<semaphore_mem>>)
      %dma_wait3A = arith.constant 0 : i32
      %dma_wait3A_18 = tpu.memref_slice %arg6[%arg0, %mul3A_13, %dma_wait3A] : memref<2x10240x128xf32, #tpu.memory_space<hbm>> -> memref<1x640x128xf32, #tpu.memory_space<hbm>>
      %dma_wait3A_19 = tpu.memref_squeeze %dma_wait3A_18 : memref<1x640x128xf32, #tpu.memory_space<hbm>> -> memref<640x128xf32, #tpu.memory_space<hbm>>
      %dma_wait3A_20 = arith.constant 0 : i32
      %dma_wait3A_21 = tpu.memref_slice %arg11[%mul3A_11, %dma_wait3A_20] : memref<10240x128xf32, #tpu.memory_space<vmem_shared>> -> memref<640x128xf32, #tpu.memory_space<vmem_shared>>
      tpu.wait_dma2 semaphore(%run_scoped3A : memref<!tpu.dma_semaphore, #tpu.memory_space<semaphore_mem>>) src(%dma_wait3A_21 : memref<640x128xf32, #tpu.memory_space<vmem_shared>>) dst(%dma_wait3A_19 : memref<640x128xf32, #tpu.memory_space<hbm>>)
      tpu.yield
    }) : () -> ()
    return
  }
}

module attributes {stable_mosaic.version = 14 : i64} {
  func.func @_dense0_body(%arg0: memref<10240x128xf32, #tpu.memory_space<vmem>>, %arg1: memref<128x128xf32, #tpu.memory_space<vmem>>, %arg2: memref<10240x128xf32, #tpu.memory_space<vmem>>) attributes {dimension_semantics = [], scalar_prefetch = 0 : i64, scratch_operands = 0 : i64, tpu.core_type = #tpu.core_type<tc>} {
    %get3A = arith.constant 0 : index
    %get3A_0 = arith.constant 0 : index
    %get3A_1 = vector.load %arg0[%get3A, %get3A_0] : memref<10240x128xf32, #tpu.memory_space<vmem>>, vector<10240x128xf32>
    %get3A_2 = arith.constant 0 : index
    %get3A_3 = arith.constant 0 : index
    %get3A_4 = vector.load %arg1[%get3A_2, %get3A_3] : memref<128x128xf32, #tpu.memory_space<vmem>>, vector<128x128xf32>
    %dot_general3A = arith.constant dense<0.000000e+00> : vector<10240x128xf32>
    %dot_general3A_5 = tpu.matmul %get3A_1, %get3A_4, %dot_general3A {dimension_numbers = #tpu.dot_dimension_numbers<[1], [0], [0], [1], [0, 0, 1, 1], [], []>, transpose_lhs_hint = false} : vector<10240x128xf32>, vector<128x128xf32>, vector<10240x128xf32> -> vector<10240x128xf32>
    %swap3A = arith.constant 0 : index
    %swap3A_6 = arith.constant 0 : index
    %swap3A_7 = vector.load %arg2[%swap3A, %swap3A_6] : memref<10240x128xf32, #tpu.memory_space<vmem>>, vector<10240x128xf32>
    tpu.vector_store %arg2[%swap3A, %swap3A_6], %dot_general3A_5 {strides = array<i32>} : memref<10240x128xf32, #tpu.memory_space<vmem>>, vector<10240x128xf32>,
    return
  }
}

module attributes {stable_mosaic.version = 14 : i64} {
  func.func @body(%arg0: memref<2x10240x128xf32, #tpu.memory_space<vmem>>, %arg1: memref<10240x128xf32, #tpu.memory_space<vmem>>, %arg2: memref<10240x1xf32, #tpu.memory_space<vmem>>, %arg3: memref<10240x128xf32, #tpu.memory_space<vmem>>) attributes {dimension_semantics = [], scalar_prefetch = 0 : i64, scratch_operands = 0 : i64, tpu.core_type = #tpu.core_type<tc>} {
    %iota3A = tpu.iota {dimensions = array<i32: 0>} : vector<10240x1xi32>
    %lt3A = arith.constant 10000 : i32
    %lt3A_0 = vector.broadcast %lt3A : i32 to vector<10240x1xi32>
    %lt3A_1 = arith.cmpi slt, %iota3A, %lt3A_0 : vector<10240x1xi32>
    %get3A = arith.constant 0 : index
    %get3A_2 = arith.constant 0 : index
    %get3A_3 = arith.constant 0 : index
    %get3A_4 = vector.load %arg0[%get3A, %get3A_2, %get3A_3] : memref<2x10240x128xf32, #tpu.memory_space<vmem>>, vector<2x10240x128xf32>
    %slice3A = vector.extract_strided_slice %get3A_4 {offsets = [0, 0, 0], sizes = [1, 10240, 1], strides = [1, 1, 1]} : vector<2x10240x128xf32> to vector<1x10240x1xf32>
    %squeeze3A = vector.shape_cast %slice3A : vector<1x10240x1xf32> to vector<10240x1xf32>
    %slice3A_5 = vector.extract_strided_slice %get3A_4 {offsets = [1, 0, 0], sizes = [1, 10240, 1], strides = [1, 1, 1]} : vector<2x10240x128xf32> to vector<1x10240x1xf32>
    %squeeze3A_6 = vector.shape_cast %slice3A_5 : vector<1x10240x1xf32> to vector<10240x1xf32>
    %add3A = arith.addf %squeeze3A, %squeeze3A_6 : vector<10240x1xf32>
    %jit3A = arith.constant 1.000000e+00 : f32
    %jit3A_7 = arith.constant 0.000000e+00 : f32
    %broadcast_in_dim3A = vector.broadcast %jit3A : f32 to vector<10240x1xf32>
    %broadcast_in_dim3A_8 = vector.broadcast %jit3A_7 : f32 to vector<10240x1xf32>
    %select_n3A = arith.select %lt3A_1, %broadcast_in_dim3A, %broadcast_in_dim3A_8 : vector<10240x1xi1>, vector<10240x1xf32>
    %add3A_9 = arith.addf %add3A, %select_n3A : vector<10240x1xf32>
    %max3A = arith.constant 9.99999996E-13 : f32
    %max3A_10 = vector.broadcast %max3A : f32 to vector<10240x1xf32>
    %max3A_11 = arith.maximumf %add3A_9, %max3A_10 : vector<10240x1xf32>
    %rsqrt3A = math.rsqrt %max3A_11 : vector<10240x1xf32>
    %jit3A_12 = arith.constant 0.000000e+00 : f32
    %broadcast_in_dim3A_13 = vector.broadcast %jit3A_12 : f32 to vector<10240x1xf32>
    %select_n3A_14 = arith.select %lt3A_1, %rsqrt3A, %broadcast_in_dim3A_13 : vector<10240x1xi1>, vector<10240x1xf32>
    %swap3A = arith.constant 0 : index
    %swap3A_15 = arith.constant 0 : index
    %swap3A_16 = vector.load %arg2[%swap3A, %swap3A_15] : memref<10240x1xf32, #tpu.memory_space<vmem>>, vector<10240x1xf32>
    tpu.vector_store %arg2[%swap3A, %swap3A_15], %select_n3A_14 {strides = array<i32>} : memref<10240x1xf32, #tpu.memory_space<vmem>>, vector<10240x1xf32>,
    %get3A_17 = arith.constant 0 : index
    %get3A_18 = arith.constant 0 : index
    %get3A_19 = vector.load %arg1[%get3A_17, %get3A_18] : memref<10240x128xf32, #tpu.memory_space<vmem>>, vector<10240x128xf32>
    %mul3A = vector.broadcast %select_n3A_14 : vector<10240x1xf32> to vector<10240x128xf32>
    %mul3A_20 = arith.mulf %get3A_19, %mul3A : vector<10240x128xf32>
    %swap3A_21 = arith.constant 0 : index
    %swap3A_22 = arith.constant 0 : index
    %swap3A_23 = vector.load %arg3[%swap3A_21, %swap3A_22] : memref<10240x128xf32, #tpu.memory_space<vmem>>, vector<10240x128xf32>
    tpu.vector_store %arg3[%swap3A_21, %swap3A_22], %mul3A_20 {strides = array<i32>} : memref<10240x128xf32, #tpu.memory_space<vmem>>, vector<10240x128xf32>,
    return
  }
}

module attributes {stable_mosaic.version = 14 : i64} {
  func.func @body(%arg0: memref<10240x128xf32, #tpu.memory_space<vmem>>, %arg1: memref<10240x128xf32, #tpu.memory_space<vmem>>, %arg2: memref<10240x128xf32, #tpu.memory_space<vmem>>, %arg3: memref<10240x1xf32, #tpu.memory_space<vmem>>, %arg4: memref<1x128xf32, #tpu.memory_space<vmem>>, %arg5: memref<128x128xf32, #tpu.memory_space<vmem>>, %arg6: memref<10240x128xf32, #tpu.memory_space<vmem>>) attributes {dimension_semantics = [], scalar_prefetch = 0 : i64, scratch_operands = 0 : i64, tpu.core_type = #tpu.core_type<tc>} {
    %get3A = arith.constant 0 : index
    %get3A_0 = arith.constant 0 : index
    %get3A_1 = vector.load %arg0[%get3A, %get3A_0] : memref<10240x128xf32, #tpu.memory_space<vmem>>, vector<10240x128xf32>
    %get3A_2 = arith.constant 0 : index
    %get3A_3 = arith.constant 0 : index
    %get3A_4 = vector.load %arg1[%get3A_2, %get3A_3] : memref<10240x128xf32, #tpu.memory_space<vmem>>, vector<10240x128xf32>
    %add3A = arith.addf %get3A_1, %get3A_4 : vector<10240x128xf32>
    %get3A_5 = arith.constant 0 : index
    %get3A_6 = arith.constant 0 : index
    %get3A_7 = vector.load %arg2[%get3A_5, %get3A_6] : memref<10240x128xf32, #tpu.memory_space<vmem>>, vector<10240x128xf32>
    %add3A_8 = arith.addf %add3A, %get3A_7 : vector<10240x128xf32>
    %get3A_9 = arith.constant 0 : index
    %get3A_10 = arith.constant 0 : index
    %get3A_11 = vector.load %arg3[%get3A_9, %get3A_10] : memref<10240x1xf32, #tpu.memory_space<vmem>>, vector<10240x1xf32>
    %mul3A = vector.broadcast %get3A_11 : vector<10240x1xf32> to vector<10240x128xf32>
    %mul3A_12 = arith.mulf %mul3A, %add3A_8 : vector<10240x128xf32>
    %get3A_13 = arith.constant 0 : index
    %get3A_14 = arith.constant 0 : index
    %get3A_15 = vector.load %arg4[%get3A_13, %get3A_14] : memref<1x128xf32, #tpu.memory_space<vmem>>, vector<1x128xf32>
    %add3A_16 = vector.broadcast %get3A_15 : vector<1x128xf32> to vector<10240x128xf32>
    %add3A_17 = arith.addf %mul3A_12, %add3A_16 : vector<10240x128xf32>
    %max3A = arith.constant 0.000000e+00 : f32
    %max3A_18 = vector.broadcast %max3A : f32 to vector<10240x128xf32>
    %max3A_19 = arith.maximumf %add3A_17, %max3A_18 : vector<10240x128xf32>
    %get3A_20 = arith.constant 0 : index
    %get3A_21 = arith.constant 0 : index
    %get3A_22 = vector.load %arg5[%get3A_20, %get3A_21] : memref<128x128xf32, #tpu.memory_space<vmem>>, vector<128x128xf32>
    %dot_general3A = arith.constant dense<0.000000e+00> : vector<10240x128xf32>
    %dot_general3A_23 = tpu.matmul %max3A_19, %get3A_22, %dot_general3A {dimension_numbers = #tpu.dot_dimension_numbers<[1], [0], [0], [1], [0, 0, 1, 1], [], []>, transpose_lhs_hint = false} : vector<10240x128xf32>, vector<128x128xf32>, vector<10240x128xf32> -> vector<10240x128xf32>
    %mul3A_24 = vector.broadcast %get3A_11 : vector<10240x1xf32> to vector<10240x128xf32>
    %mul3A_25 = arith.mulf %mul3A_24, %dot_general3A_23 : vector<10240x128xf32>
    %swap3A = arith.constant 0 : index
    %swap3A_26 = arith.constant 0 : index
    %swap3A_27 = vector.load %arg6[%swap3A, %swap3A_26] : memref<10240x128xf32, #tpu.memory_space<vmem>>, vector<10240x128xf32>
    tpu.vector_store %arg6[%swap3A, %swap3A_26], %mul3A_25 {strides = array<i32>} : memref<10240x128xf32, #tpu.memory_space<vmem>>, vector<10240x128xf32>,
    return
  }
}

module attributes {stable_mosaic.version = 14 : i64} {
  func.func @body(%arg0: memref<10240x128xf32, #tpu.memory_space<vmem>>, %arg1: memref<10240x128xf32, #tpu.memory_space<vmem>>, %arg2: memref<10240x128xf32, #tpu.memory_space<vmem>>, %arg3: memref<10240x1xf32, #tpu.memory_space<vmem>>, %arg4: memref<1x128xf32, #tpu.memory_space<vmem>>, %arg5: memref<1x10240xi32, #tpu.memory_space<vmem>>, %arg6: memref<128x256xf32, #tpu.memory_space<vmem>>, %arg7: memref<1x256xf32, #tpu.memory_space<vmem>>, %arg8: memref<256x7xf32, #tpu.memory_space<vmem>>, %arg9: memref<1x7xf32, #tpu.memory_space<vmem>>, %arg10: memref<16x7xf32, #tpu.memory_space<vmem>>) attributes {dimension_semantics = [], scalar_prefetch = 0 : i64, scratch_operands = 0 : i64, tpu.core_type = #tpu.core_type<tc>} {
    %get3A = arith.constant 0 : index
    %get3A_0 = arith.constant 0 : index
    %get3A_1 = vector.load %arg0[%get3A, %get3A_0] : memref<10240x128xf32, #tpu.memory_space<vmem>>, vector<10240x128xf32>
    %get3A_2 = arith.constant 0 : index
    %get3A_3 = arith.constant 0 : index
    %get3A_4 = vector.load %arg1[%get3A_2, %get3A_3] : memref<10240x128xf32, #tpu.memory_space<vmem>>, vector<10240x128xf32>
    %add3A = arith.addf %get3A_1, %get3A_4 : vector<10240x128xf32>
    %get3A_5 = arith.constant 0 : index
    %get3A_6 = arith.constant 0 : index
    %get3A_7 = vector.load %arg2[%get3A_5, %get3A_6] : memref<10240x128xf32, #tpu.memory_space<vmem>>, vector<10240x128xf32>
    %add3A_8 = arith.addf %add3A, %get3A_7 : vector<10240x128xf32>
    %get3A_9 = arith.constant 0 : index
    %get3A_10 = arith.constant 0 : index
    %get3A_11 = vector.load %arg3[%get3A_9, %get3A_10] : memref<10240x1xf32, #tpu.memory_space<vmem>>, vector<10240x1xf32>
    %mul3A = vector.broadcast %get3A_11 : vector<10240x1xf32> to vector<10240x128xf32>
    %mul3A_12 = arith.mulf %mul3A, %add3A_8 : vector<10240x128xf32>
    %get3A_13 = arith.constant 0 : index
    %get3A_14 = arith.constant 0 : index
    %get3A_15 = vector.load %arg4[%get3A_13, %get3A_14] : memref<1x128xf32, #tpu.memory_space<vmem>>, vector<1x128xf32>
    %add3A_16 = vector.broadcast %get3A_15 : vector<1x128xf32> to vector<10240x128xf32>
    %add3A_17 = arith.addf %mul3A_12, %add3A_16 : vector<10240x128xf32>
    %max3A = arith.constant 0.000000e+00 : f32
    %max3A_18 = vector.broadcast %max3A : f32 to vector<10240x128xf32>
    %max3A_19 = arith.maximumf %add3A_17, %max3A_18 : vector<10240x128xf32>
    %iota3A = tpu.iota {dimensions = array<i32: 0>} : vector<16x10240xi32>
    %get3A_20 = arith.constant 0 : index
    %get3A_21 = arith.constant 0 : index
    %get3A_22 = vector.load %arg5[%get3A_20, %get3A_21] : memref<1x10240xi32, #tpu.memory_space<vmem>>, vector<1x10240xi32>
    %eq3A = vector.broadcast %get3A_22 : vector<1x10240xi32> to vector<16x10240xi32>
    %eq3A_23 = arith.cmpi eq, %eq3A, %iota3A : vector<16x10240xi32>
    %convert_element_type3A = arith.extui %eq3A_23 : vector<16x10240xi1> to vector<16x10240xi32>
    %convert_element_type3A_24 = arith.sitofp %convert_element_type3A : vector<16x10240xi32> to vector<16x10240xf32>
    %dot_general3A = arith.constant dense<0.000000e+00> : vector<16x128xf32>
    %dot_general3A_25 = tpu.matmul %convert_element_type3A_24, %max3A_19, %dot_general3A {dimension_numbers = #tpu.dot_dimension_numbers<[1], [0], [0], [1], [0, 0, 1, 1], [], []>, transpose_lhs_hint = false} : vector<16x10240xf32>, vector<10240x128xf32>, vector<16x128xf32> -> vector<16x128xf32>
    %reduce_sum3A = arith.constant dense<0.000000e+00> : vector<16xf32>
    %reduce_sum3A_26 = vector.multi_reduction <add>, %convert_element_type3A_24, %reduce_sum3A [1] : vector<16x10240xf32> to vector<16xf32>
    %broadcast_in_dim3A = vector.shape_cast %reduce_sum3A_26 : vector<16xf32> to vector<16x1xf32>
    %max3A_27 = arith.constant 1.000000e+00 : f32
    %max3A_28 = vector.broadcast %max3A_27 : f32 to vector<16x1xf32>
    %max3A_29 = arith.maximumf %broadcast_in_dim3A, %max3A_28 : vector<16x1xf32>
    %div3A = vector.broadcast %max3A_29 : vector<16x1xf32> to vector<16x128xf32>
    %div3A_30 = arith.divf %dot_general3A_25, %div3A : vector<16x128xf32>
    %get3A_31 = arith.constant 0 : index
    %get3A_32 = arith.constant 0 : index
    %get3A_33 = vector.load %arg6[%get3A_31, %get3A_32] : memref<128x256xf32, #tpu.memory_space<vmem>>, vector<128x256xf32>
    %dot_general3A_34 = arith.constant dense<0.000000e+00> : vector<16x256xf32>
    %dot_general3A_35 = tpu.matmul %div3A_30, %get3A_33, %dot_general3A_34 {dimension_numbers = #tpu.dot_dimension_numbers<[1], [0], [0], [1], [0, 0, 1, 1], [], []>, transpose_lhs_hint = false} : vector<16x128xf32>, vector<128x256xf32>, vector<16x256xf32> -> vector<16x256xf32>
    %get3A_36 = arith.constant 0 : index
    %get3A_37 = arith.constant 0 : index
    %get3A_38 = vector.load %arg7[%get3A_36, %get3A_37] : memref<1x256xf32, #tpu.memory_space<vmem>>, vector<1x256xf32>
    %add3A_39 = vector.broadcast %get3A_38 : vector<1x256xf32> to vector<16x256xf32>
    %add3A_40 = arith.addf %dot_general3A_35, %add3A_39 : vector<16x256xf32>
    %max3A_41 = arith.constant 0.000000e+00 : f32
    %max3A_42 = vector.broadcast %max3A_41 : f32 to vector<16x256xf32>
    %max3A_43 = arith.maximumf %add3A_40, %max3A_42 : vector<16x256xf32>
    %get3A_44 = arith.constant 0 : index
    %get3A_45 = arith.constant 0 : index
    %get3A_46 = vector.load %arg8[%get3A_44, %get3A_45] : memref<256x7xf32, #tpu.memory_space<vmem>>, vector<256x7xf32>
    %dot_general3A_47 = arith.constant dense<0.000000e+00> : vector<16x7xf32>
    %dot_general3A_48 = tpu.matmul %max3A_43, %get3A_46, %dot_general3A_47 {dimension_numbers = #tpu.dot_dimension_numbers<[1], [0], [0], [1], [0, 0, 1, 1], [], []>, transpose_lhs_hint = false} : vector<16x256xf32>, vector<256x7xf32>, vector<16x7xf32> -> vector<16x7xf32>
    %get3A_49 = arith.constant 0 : index
    %get3A_50 = arith.constant 0 : index
    %get3A_51 = vector.load %arg9[%get3A_49, %get3A_50] : memref<1x7xf32, #tpu.memory_space<vmem>>, vector<1x7xf32>
    %add3A_52 = vector.broadcast %get3A_51 : vector<1x7xf32> to vector<16x7xf32>
    %add3A_53 = arith.addf %dot_general3A_48, %add3A_52 : vector<16x7xf32>
    %swap3A = arith.constant 0 : index
    %swap3A_54 = arith.constant 0 : index
    %swap3A_55 = vector.load %arg10[%swap3A, %swap3A_54] : memref<16x7xf32, #tpu.memory_space<vmem>>, vector<16x7xf32>
    tpu.vector_store %arg10[%swap3A, %swap3A_54], %add3A_53 {strides = array<i32>} : memref<16x7xf32, #tpu.memory_space<vmem>>, vector<16x7xf32>,
    return
  }
}

</mosaic_0001>

<sc_bundles>
// kernel: kernel.11.cloned.1.call-start
scs
__scs_entry_jumppad:
0x0: {  	(pc) =	sbr.rel $0x88, $3  }
0x1: {  	(tag) =	ssettag $0x0;
	lr =	simm.s32 $0x1  }
0x2: {  	[smem:$0x3F94] =	sst lr;
	_ =	strace $0xD0000000  }
0x3: {  	_ = 	snop  }
0x4: {  	_ = 	snop  }
0x5: {  	_ = 	snop  }
0x6: {  	_ = 	snop  }
0x7: {  	_ = 	snop  }
__scs_overlays_trampoline_lowered:
0x8: {  	[smem:$0x3FA3] =	sst s0  }
0x9: {  	[smem:$0x3FA4] =	sst s1  }
0xa: {  	[smem:$0x3FA5] =	sst s2  }
0xb: {  	[smem:$0x3FA6] =	sst s3  }
0xc: {  	[smem:$0x3FA7] =	sst s4  }
0xd: {  	[smem:$0x3FA8] =	sst s5  }
0xe: {  	[smem:$0x3FA9] =	sst s6  }
0xf: {  	[smem:$0x3FAA] =	sst s7  }
0x10: {  	[smem:$0x3FAB] =	sst s8  }
0x11: {  	[smem:$0x3FAC] =	sst s9;
	s0 =	simm.s32 @!p0 $0x0  }
0x12: {  	s1 =	sld [smem:$0x3F92];
	s0 =	simm.s32 @p0 $0x1  }
0x13: {  	[smem:$0x3FAD] =	sst s0;
	s0 =	simm.s32 @!p1 $0x0  }
0x14: {  	s2 =	sld [smem:$0x3F91];
	s0 =	simm.s32 @p1 $0x1  }
0x15: {  	[smem:$0x3FAE] =	sst s0;
	s0 =	simm.s32 @!p2 $0x0  }
0x16: {  	s3 =	sld [smem:$0x3FDB];
	s0 =	simm.s32 @p2 $0x1  }
0x17: {  	s4 =	simm.s32 $0x1BF5;
	[smem:$0x3FB0] =	sst s0  }
0x18: {  	s0 =	sld [smem:$0x3F93];
	_ =	swait.ge [sflag:s4], $0x0  }
0x19: {  	s7 =	sld [smem:$0x3F94]  }
0x1a: {  	s8 =	sadd.s32 $0xFFFFE003, lr  }
0x1b: {  	s9 =	sadd.s32 $0xFFFFFEF7, lr;
	s5 =	simm.s32 $0xFFFFFFFF;
	p2 =	slt.u32 s8, $0xFFFFF086  }
0x1c: {  	p1 =	slt.u32 s9, $0xF7A;
	s5 =	simm.s32 @!p2 $0x0  }
0x1d: {  	s5 =	simm.s32 @p1 $0x1;
	p0 =	seq.s32 s7, s2  }
0x1e: {  	s7 =	smul.u32 @!p0 $0xF7A, s2;
	p2 =	seq.s32 @!p0 s5, $0x0  }
0x1f: {  	s9 =	smul.u32 $0xF7A, s1;
	s8 =	simm.s32 @!p0 $0x1BF5;
	p2 =	por !p2, p0  }
0x20: {  	[sflag:s8] =	ssyncset.s32 @!p0 $0xFFFFF086;
	s6 =	sadd.s32 @!p0 s3, s7;
	s7 =	simm.s32 @!p0 $0x108  }
0x21: {  	s3 =	sadd.s32 s3, s9;
	s6 =	sadd.s32 @!p0 $0x88, s6;
	s7 =	simm.s32 @p2 $0x1082  }
0x22: {  	[simem:s7], [sflag:s8] =	dma.local @!p0 [hbm:s6], $0xF7A  }
0x23: {  	s9 =	sor.u32 $0xD0000000, s2;
	s6 =	simm.s32 $0x108;
	_ =	swait.ge @!p0 [sflag:s8], $0x0  }
0x24: {  	s3 =	sadd.s32 $0x88, s3;
	s6 =	simm.s32 @!p1 $0x1082;
	[sflag:s4] =	ssyncset.s32 $0xFFFFF086  }
0x25: {  	[simem:s6], [sflag:s4] =	dma.local [hbm:s3], $0xF7A  }
0x26: {  	[smem:$0x3F94] =	sst s1;
	(tag) =	ssettag s2;
	_ =	strace s9  }
0x27: {  	s1 =	sld [smem:$0x3FA4]  }
0x28: {  	s2 =	sld [smem:$0x3FA5]  }
0x29: {  	s4 =	sld [smem:$0x3FA7]  }
0x2a: {  	p0 =	seq.s32 s5, $0x0;
	s5 =	sld [smem:$0x3FA8]  }
0x2b: {  	s6 =	sld [smem:$0x3FA9]  }
0x2c: {  	s7 =	sld [smem:$0x3FAA]  }
0x2d: {  	s3 =	simm.s32 $0x108;
	s8 =	sld [smem:$0x3FAB]  }
0x2e: {  	s3 =	simm.s32 @!p0 $0x1082;
	s9 =	sld [smem:$0x3FAC]  }
0x2f: {  	lr =	sadd.s32 s0, s3;
	s0 =	sld [smem:$0x3FA3]  }
0x30: {  	s3 =	sld [smem:$0x3FA6]  }
0x31: {  	[smem:$0x3FAF] =	sst s10  }
0x32: {  	s10 =	sld [smem:$0x3FAD];
	_ =	sdelay $0x3  }
0x33: {  	p0 =	seq.s32 s10, $0x1;
	s10 =	sld [smem:$0x3FAF];
	_ =	sdelay $0x3  }
0x34: {  	[smem:$0x3FAF] =	sst s10  }
0x35: {  	s10 =	sld [smem:$0x3FAE];
	_ =	sdelay $0x3  }
0x36: {  	p1 =	seq.s32 s10, $0x1;
	s10 =	sld [smem:$0x3FAF];
	_ =	sdelay $0x3  }
0x37: {  	[smem:$0x3FAF] =	sst s10  }
0x38: {  	s10 =	sld [smem:$0x3FB0]  }
0x39: {  	_ = 	snop;
	(pc) =	sbr.ind lr, $3  }
0x3a: {  	_ = 	snop  }
0x3b: {  	_ = 	snop  }
0x3c: {  	p2 =	seq.s32 s10, $0x1;
	s10 =	sld [smem:$0x3FAF]  }
0x3d: {  	_ =	shalt  }
0x3e: {  	_ =	shalt  }
0x3f: {  	_ =	shalt  }
0x40: {  	_ =	shalt  }
0x41: {  	_ =	shalt  }
0x42: {  	_ =	shalt  }
0x43: {  	_ =	shalt  }
0x44: {  	_ =	shalt  }
0x45: {  	_ =	shalt  }
0x46: {  	_ =	shalt  }
0x47: {  	_ =	shalt  }
0x48: {  	_ =	shalt  }
0x49: {  	_ =	shalt  }
0x4a: {  	_ =	shalt  }
0x4b: {  	_ =	shalt  }
0x4c: {  	_ =	shalt  }
0x4d: {  	_ =	shalt  }
0x4e: {  	_ =	shalt  }
0x4f: {  	_ =	shalt  }
0x50: {  	_ =	shalt  }
0x51: {  	_ =	shalt  }
0x52: {  	_ =	shalt  }
0x53: {  	_ =	shalt  }
0x54: {  	_ =	shalt  }
0x55: {  	_ =	shalt  }
0x56: {  	_ =	shalt  }
0x57: {  	_ =	shalt  }
0x58: {  	_ =	shalt  }
0x59: {  	_ =	shalt  }
0x5a: {  	_ =	shalt  }
0x5b: {  	_ =	shalt  }
0x5c: {  	_ =	shalt  }
0x5d: {  	_ =	shalt  }
0x5e: {  	_ =	shalt  }
0x5f: {  	_ =	shalt  }
0x60: {  	_ =	shalt  }
0x61: {  	_ =	shalt  }
0x62: {  	_ =	shalt  }
0x63: {  	_ =	shalt  }
0x64: {  	_ =	shalt  }
0x65: {  	_ =	shalt  }
0x66: {  	_ =	shalt  }
0x67: {  	_ =	shalt  }
0x68: {  	_ =	shalt  }
0x69: {  	_ =	shalt  }
0x6a: {  	_ =	shalt  }
0x6b: {  	_ =	shalt  }
0x6c: {  	_ =	shalt  }
0x6d: {  	_ =	shalt  }
0x6e: {  	_ =	shalt  }
0x6f: {  	_ =	shalt  }
0x70: {  	_ =	shalt  }
0x71: {  	_ =	shalt  }
0x72: {  	_ =	shalt  }
0x73: {  	_ =	shalt  }
0x74: {  	_ =	shalt  }
0x75: {  	_ =	shalt  }
0x76: {  	_ =	shalt  }
0x77: {  	_ =	shalt  }
0x78: {  	_ =	shalt  }
0x79: {  	_ =	shalt  }
0x7a: {  	_ =	shalt  }
0x7b: {  	_ =	shalt  }
0x7c: {  	_ =	shalt  }
0x7d: {  	_ =	shalt  }
0x7e: {  	_ =	shalt  }
0x7f: {  	_ =	shalt  }
0x80: {  	_ =	shalt  }
0x81: {  	_ =	shalt  }
0x82: {  	_ =	shalt  }
0x83: {  	_ =	shalt  }
0x84: {  	_ =	shalt  }
0x85: {  	_ =	shalt  }
0x86: {  	_ =	shalt  }
0x87: {  	_ =	shalt  }
.Lfunc_end0:
.L_simem_size_0:
called_computation_lowered:
.L_overlay_start_0:
0x88: {  	s2 =	sld [smem:$0x3FD9]  }
0x89: {  	s3 =	sld [smem:$0x3FFE];
	_ =	sdelay $0x1  }
0x8a: {  	s1 =	srdreg.scid  }
0x8b: {  	s0 =	sand.u32 $0x1, s1  }
0x8c: {  	s16 =	sshll.u32 s0, $0xA;
	s2 =	sadd.s32 s3, s2  }
0x8d: {  	s2 =	sadd.s32 s2, s16  }
0x8e: {  	[smem:$0x3FBB] =	sst s2  }
0x8f: {  	_ = 	snop  }
0x90: {  	(tm) =	ssettm $0x1  }
0x91: {  	s17 =	sld [smem:$0x3FFB];
	_ =	sdelay $0x3  }
0x92: {  	_ =	strace s17  }
0x93: {  	s2 =	sld [smem:$0x3FFC];
	_ =	sdelay $0x3  }
0x94: {  	_ =	strace s2  }
0x95: {  	s2 =	sld [smem:$0x3FFD];
	_ =	sdelay $0x3  }
0x96: {  	_ =	strace s2  }
0x97: {  	_ =	strace $0x8FFFFFFF  }
0x98: {  	s18 =	sld [smem:$0x3FDB];
	_ =	sdelay $0x1  }
0x99: {  	s19 =	simm.s32 $_scs_section_size  }
0x9a: {  	s4 =	simm.s32 $_size__tile_overlayer_lowered;
	s5 =	simm.s32 $_tile_overlayer_lowered  }
0x9b: {  	s22 =	simm.s32 $0x1BFF;
	s21 =	sshll.u32 s5, $0x1;
	s2 =	sadd.s32 s19, s18  }
0x9c: {  	s6 =	simm.s32 $0x0;
	s20 =	sshll.u32 s4, $0x1;
	s4 =	sadd.s32 s21, s2  }
0x9d: {  	[timem:s6], [sflag:s22] =	dma.local [hbm:s4], s20  }
0x9e: {  	_ =	swait.ge [sflag:s22], s20  }
0x9f: {  	s3 =	ssub.s32 $0x0, s20;
	[sflag:s22] =	ssyncset.done $0x0  }
0xa0: {  	[sflag:s22] =	ssyncadd.s32 s3;
	_ =	sdelay $0x1  }
0xa1: {  	s23 =	simm.s32 $0x1B8B  }
0xa2: {  	_ =	swait.ge [sflag:s23], $0x1  }
0xa3: {  	[sflag:s23] =	ssyncset.done $0x0  }
0xa4: {  	s25 =	simm.s32 $0x1B8E;
	s24 =	sld [smem:$0x3FFE];
	[sflag:s23] =	ssyncadd.s32 $0xFFFFFFFF  }
0xa5: {  	s26 =	simm.s32 $execute0_lowered;
	[smem:$0x3FD2] =	sst s25  }
0xa6: {  	s4 =	sshll.u32 s26, $0x1;
	_ =	strace $0x80000046;
	[dreg:$0x1] =	wrdreg $0xFFFFFFFF  }
0xa7: {  	s28 =	simm.s32 $_size_execute0_lowered;
	s2 =	sadd.s32 s2, s4;
	[dreg:$0x0] =	wrdreg $0x0  }
0xa8: {  	s4 =	sshll.u32 s28, $0x1;
	[dreg:$0x2] =	wrdreg s2  }
0xa9: {  	[dreg:$0x3] =	wrdreg s4  }
0xaa: {  	[dreg:$0x4] =	wrdreg $0xC0  }
0xab: {  	_ =	task [dreg:s6], $0x5FFFF  }
0xac: {  	[dreg:$0x1] =	wrdreg $0xFFFFFFFF  }
0xad: {  	[dreg:$0x0] =	wrdreg $0x60  }
0xae: {  	[dreg:$0x2] =	wrdreg s24  }
0xaf: {  	[dreg:$0x3] =	wrdreg $0x44000  }
0xb0: {  	[dreg:$0x4] =	wrdreg $0x9  }
0xb1: {  	_ =	task.clear_ibuf [dreg:s6], $0x5FFFF;
	_ =	strace $0x90000046  }
0xb2: {  	s29 =	simm.s32 $0x9;
	_ =	strace $0x80000048  }
0xb3: {  	_ =	swait.ge [sflag:s29], $0x1  }
0xb4: {  	[sflag:s29] =	ssyncadd.s32 $0xFFFFFFFF  }
0xb5: {  	_ =	strace $0x90000048  }
0xb6: {  	_ =	sfence  }
0xb7: {  	s30 =	sld [smem:$0x0];
	_ =	sdelay $0x2  }
0xb8: {  	s31 =	sshll.u32 s1, $0xD;
	s1 =	sshrl.u32 s1, $0x2  }
0xb9: {  	s3 =	sand.u32 $0x4000, s31;
	s1 =	sadd.s32 s1, s30  }
0xba: {  	s0 =	sor.u32 s3, s0;
	s1 =	sshll.u32 s1, $0x11  }
0xbb: {  	s0 =	sor.u32 s1, s0  }
0xbc: {  	s0 =	sadd.s32 $0x8F2B, s0  }
0xbd: {  	[sflag:s0] =	ssyncadd.remote.s32 $0x1  }
0xbe: {  	_ =	sfence.sel $0xFFFF  }
0xbf: {  	[dreg:$0x0] =	wrdreg $0xFFFFFFFF;
	(pc) =	sbr.abs _section_cstart, $3  }
0xc0: {  	[dreg:$0x1] =	wrdreg $0xFFFFFFFF  }
0xc1: {  	_ =	task.clear_ibuf [dreg:s6], $0x2FFFF;
	_ =	strace $0x9FFFFFFF  }
0xc2: {  	(tm) =	ssettm $0x7FFFFFFF  }
0xc3: {  	_ =	shalt  }
tec
execute0_lowered:
.L_overlay_start_1:
0x0: {  	(tag) =	ssettag $0x1  }
0x1: {  	s1 =	srdreg.scid  }
0x2: {  	s0 =	stileid.u32;
	s5 =	rddreg [dreg:$0x0]  }
0x3: {  	s2 =	rddreg [dreg:$0x1];
	s3 =	simm.s32 $0x0;
	s13 =	simm.s32 $0x80  }
0x4: {  	s14 =	simm.s32 $0x100;
	s15 =	simm.s32 $0x180;
	s16 =	simm.s32 $0x200  }
0x5: {  	s17 =	simm.s32 $0x280;
	s18 =	simm.s32 $0x300;
	s4 =	smul.u32 $0x5000, s0  }
0x6: {  	s19 =	simm.s32 $0x380;
	s20 =	simm.s32 $0x0;
	s28 =	smul.u32 $0x14000, s0  }
0x7: {  	s6 =	sand.u32 $0x1, s1;
	s1 =	rddreg [dreg:$0x2];
	s29 =	smul.u32 $0x50000, s0  }
0x8: {  	[smem:$0x7FF] =	sst s3;
	s31 =	sshll.u32 s0, $0x6;
	s7 =	smul.u32 $0x2800, s6  }
0x9: {  	_ =	strace $0x80000047;
	s8 =	smul.u32 $0x140000, s6;
	s6 =	ssub.s32 $0x2, s6  }
0xa: {  	s10 =	sshrl.u32 s28, $0x3;
	s11 =	sshrl.u32 s6, $0x1;
	s30 =	sshrl.u32 s29, $0x2  }
0xb: {  	s4 =	sadd.s32 s7, s4;
	s7 =	sadd.s32 s28, s8;
	s10 =	sadd.s32 s10, s5  }
0xc: {  	s11 =	ssub.s32 s6, s11;
	s12 =	sadd.s32 s30, s2;
	s6 =	sor.u32 $0x1C01, s31  }
0xd: {  	s4 =	sshrl.u32 s4, $0x3;
	s7 =	sshrl.u32 s7, $0x3;
	s8 =	smax.u32 s11, $0x1  }
0xe: {  	s11 =	simm.s32 $0x1;
	s9 =	sadd.s32 s4, s5;
	s4 =	sadd.s32 $0x37600, s5  }
0xf: {  	s7 =	sadd.s32 s7, s5;
	s5 =	sadd.s32 $0xF600, s10;
	s10 =	sshrl.u32 s12, $0x3  }
0x10: {  	s12 =	simm.s32 $0x400;
	s7 =	sadd.s32 $0x37E00, s7;
	s9 =	sadd.s32 $0x5600, s9  }
.LBB2_1:
0x11: {  	[spmem:s10], [sflag:s6] =	dma.local [hbm:s5], $0x2800  }
0x12: {  	_ =	swait.ge [sflag:s11], $0x2800  }
0x13: {  	[sflag:s11] =	ssyncset.done $0x0  }
0x14: {  	[sflag:s11] =	ssyncadd.s32 $0xFFFFD800  }
0x15: {  	[tilespmem:s12], [sflag:$0x1] =	stream.linear.gather [hbm4b:s4+s3], $0x4000, $0x38;
	[tilespmem:$0x18400] =	vst v63  }
0x16: {  	_ =	swait.ge [sflag:s11], $0x4000  }
0x17: {  	[sflag:s11] =	ssyncset.done $0x0  }
0x18: {  	[sflag:s11] =	ssyncadd.s32 $0xFFFFC000  }
0x19: {  	s21 =	sadd.s32 $0x0, s9;
	[bflag:$0x0] =	sbarrier.arrive $0xFFFF  }
0x1a: {  	[tilespmem:s3], [sflag:$0x1] =	stream.linear.gather [hbm4b:s21+s3], $0x400, $0x38;
	[tilespmem:$0x18400] =	vst v63  }
0x1b: {  	_ =	swait.ge [sflag:s11], $0x400  }
0x1c: {  	[sflag:s11] =	ssyncset.done $0x0  }
0x1d: {  	[sflag:s11] =	ssyncadd.s32 $0xFFFFFC00  }
0x1e: {  	[spmem:s2] =	stream.indirect.scatter.add.f32 [tilespmem:s12], [sflag:$0x1], $0x80, s3, s13, $0xb8;
	[tilespmem:$0x18400] =	vst v63  }
0x1f: {  	_ =	swait.ge [sflag:s11], $0x4000  }
0x20: {  	[sflag:s11] =	ssyncset.done $0x0  }
0x21: {  	[sflag:s11] =	ssyncadd.s32 $0xFFFFC000  }
0x22: {  	[spmem:s2] =	stream.indirect.scatter.add.f32 [tilespmem:s12], [sflag:$0x1], $0x80, s13, s13, $0xb8;
	[tilespmem:$0x18400] =	vst v63  }
0x23: {  	_ =	swait.ge [sflag:s11], $0x4000  }
0x24: {  	[sflag:s11] =	ssyncset.done $0x0  }
0x25: {  	[sflag:s11] =	ssyncadd.s32 $0xFFFFC000  }
0x26: {  	[spmem:s2] =	stream.indirect.scatter.add.f32 [tilespmem:s12], [sflag:$0x1], $0x80, s14, s13, $0xb8;
	[tilespmem:$0x18400] =	vst v63  }
0x27: {  	_ =	swait.ge [sflag:s11], $0x4000  }
0x28: {  	[sflag:s11] =	ssyncset.done $0x0  }
0x29: {  	[sflag:s11] =	ssyncadd.s32 $0xFFFFC000  }
0x2a: {  	[spmem:s2] =	stream.indirect.scatter.add.f32 [tilespmem:s12], [sflag:$0x1], $0x80, s15, s13, $0xb8;
	[tilespmem:$0x18400] =	vst v63  }
0x2b: {  	_ =	swait.ge [sflag:s11], $0x4000  }
0x2c: {  	[sflag:s11] =	ssyncset.done $0x0  }
0x2d: {  	[sflag:s11] =	ssyncadd.s32 $0xFFFFC000  }
0x2e: {  	[spmem:s2] =	stream.indirect.scatter.add.f32 [tilespmem:s12], [sflag:$0x1], $0x80, s16, s13, $0xb8;
	[tilespmem:$0x18400] =	vst v63  }
0x2f: {  	_ =	swait.ge [sflag:s11], $0x4000  }
0x30: {  	[sflag:s11] =	ssyncset.done $0x0  }
0x31: {  	[sflag:s11] =	ssyncadd.s32 $0xFFFFC000  }
0x32: {  	[spmem:s2] =	stream.indirect.scatter.add.f32 [tilespmem:s12], [sflag:$0x1], $0x80, s17, s13, $0xb8;
	[tilespmem:$0x18400] =	vst v63  }
0x33: {  	_ =	swait.ge [sflag:s11], $0x4000  }
0x34: {  	[sflag:s11] =	ssyncset.done $0x0  }
0x35: {  	[sflag:s11] =	ssyncadd.s32 $0xFFFFC000  }
0x36: {  	[spmem:s2] =	stream.indirect.scatter.add.f32 [tilespmem:s12], [sflag:$0x1], $0x80, s18, s13, $0xb8;
	[tilespmem:$0x18400] =	vst v63  }
0x37: {  	_ =	swait.ge [sflag:s11], $0x4000  }
0x38: {  	[sflag:s11] =	ssyncset.done $0x0  }
0x39: {  	[sflag:s11] =	ssyncadd.s32 $0xFFFFC000  }
0x3a: {  	[spmem:s2] =	stream.indirect.scatter.add.f32 [tilespmem:s12], [sflag:$0x1], $0x80, s19, s13, $0xb8;
	[tilespmem:$0x18400] =	vst v63  }
0x3b: {  	_ =	swait.ge [sflag:s11], $0x4000  }
0x3c: {  	s23 =	simm.s32 $0x100;
	s21 =	simm.s32 $0x80;
	[sflag:s11] =	ssyncset.done $0x0  }
.LBB2_2:
0x3d: {  	s24 =	sadd.s32 s21, s9  }
0x3e: {  	[sflag:s11] =	ssyncadd.s32 $0xFFFFC000;
	s21 =	smov.u32 s23;
	s22 =	sadd.s32 $0x80, s23  }
0x3f: {  	[tilespmem:s3], [sflag:$0x1] =	stream.linear.gather [hbm4b:s24+s3], $0x400, $0x38;
	[tilespmem:$0x18400] =	vst v63  }
0x40: {  	p0 =	sne.s32 s23, $0x480;
	_ =	swait.ge [sflag:s11], $0x400  }
0x41: {  	[sflag:s11] =	ssyncset.done $0x0  }
0x42: {  	[sflag:s11] =	ssyncadd.s32 $0xFFFFFC00  }
0x43: {  	[spmem:s2] =	stream.indirect.scatter.add.f32 [tilespmem:s12], [sflag:$0x1], $0x80, s3, s13, $0xb8;
	[tilespmem:$0x18400] =	vst v63  }
0x44: {  	_ =	swait.ge [sflag:s11], $0x4000  }
0x45: {  	[sflag:s11] =	ssyncset.done $0x0  }
0x46: {  	[sflag:s11] =	ssyncadd.s32 $0xFFFFC000  }
0x47: {  	[spmem:s2] =	stream.indirect.scatter.add.f32 [tilespmem:s12], [sflag:$0x1], $0x80, s13, s13, $0xb8;
	[tilespmem:$0x18400] =	vst v63  }
0x48: {  	_ =	swait.ge [sflag:s11], $0x4000  }
0x49: {  	[sflag:s11] =	ssyncset.done $0x0  }
0x4a: {  	[sflag:s11] =	ssyncadd.s32 $0xFFFFC000  }
0x4b: {  	[spmem:s2] =	stream.indirect.scatter.add.f32 [tilespmem:s12], [sflag:$0x1], $0x80, s14, s13, $0xb8;
	[tilespmem:$0x18400] =	vst v63  }
0x4c: {  	_ =	swait.ge [sflag:s11], $0x4000  }
0x4d: {  	[sflag:s11] =	ssyncset.done $0x0  }
0x4e: {  	[sflag:s11] =	ssyncadd.s32 $0xFFFFC000  }
0x4f: {  	[spmem:s2] =	stream.indirect.scatter.add.f32 [tilespmem:s12], [sflag:$0x1], $0x80, s15, s13, $0xb8;
	[tilespmem:$0x18400] =	vst v63  }
0x50: {  	_ =	swait.ge [sflag:s11], $0x4000  }
0x51: {  	[sflag:s11] =	ssyncset.done $0x0  }
0x52: {  	[sflag:s11] =	ssyncadd.s32 $0xFFFFC000  }
0x53: {  	[spmem:s2] =	stream.indirect.scatter.add.f32 [tilespmem:s12], [sflag:$0x1], $0x80, s16, s13, $0xb8;
	[tilespmem:$0x18400] =	vst v63  }
0x54: {  	_ =	swait.ge [sflag:s11], $0x4000  }
0x55: {  	[sflag:s11] =	ssyncset.done $0x0  }
0x56: {  	[sflag:s11] =	ssyncadd.s32 $0xFFFFC000  }
0x57: {  	[spmem:s2] =	stream.indirect.scatter.add.f32 [tilespmem:s12], [sflag:$0x1], $0x80, s17, s13, $0xb8;
	[tilespmem:$0x18400] =	vst v63  }
0x58: {  	_ =	swait.ge [sflag:s11], $0x4000  }
0x59: {  	[sflag:s11] =	ssyncset.done $0x0  }
0x5a: {  	[sflag:s11] =	ssyncadd.s32 $0xFFFFC000  }
0x5b: {  	[spmem:s2] =	stream.indirect.scatter.add.f32 [tilespmem:s12], [sflag:$0x1], $0x80, s18, s13, $0xb8;
	[tilespmem:$0x18400] =	vst v63  }
0x5c: {  	_ =	swait.ge [sflag:s11], $0x4000  }
.Ltmp0:
0x5d: {  	[sflag:s11] =	ssyncset.done $0x0;
	(pc) =	sbr.rel @p0 .LBB2_2-.Ltmp0, $4  }
0x5e: {  	[sflag:s11] =	ssyncadd.s32 $0xFFFFC000  }
0x5f: {  	[spmem:s2] =	stream.indirect.scatter.add.f32 [tilespmem:s12], [sflag:$0x1], $0x80, s19, s13, $0xb8;
	[tilespmem:$0x18400] =	vst v63  }
0x60: {  	_ =	swait.ge [sflag:s11], $0x4000  }
0x61: {  	s23 =	smov.u32 s22;
	[sflag:s11] =	ssyncset.done $0x0  }
0x62: {  	s21 =	sadd.s32 s21, s9;
	[sflag:s11] =	ssyncadd.s32 $0xFFFFC000  }
0x63: {  	[tilespmem:s3], [sflag:$0x1] =	stream.linear.gather [hbm4b:s21+s3], $0x400, $0x38;
	[tilespmem:$0x18400] =	vst v63  }
0x64: {  	_ =	swait.ge [sflag:s11], $0x400  }
0x65: {  	[sflag:s11] =	ssyncset.done $0x0  }
0x66: {  	[sflag:s11] =	ssyncadd.s32 $0xFFFFFC00  }
0x67: {  	[spmem:s2] =	stream.indirect.scatter.add.f32 [tilespmem:s12], [sflag:$0x1], $0x80, s3, s13, $0xb8;
	[tilespmem:$0x18400] =	vst v63  }
0x68: {  	_ =	swait.ge [sflag:s11], $0x4000  }
0x69: {  	[sflag:s11] =	ssyncset.done $0x0  }
0x6a: {  	[sflag:s11] =	ssyncadd.s32 $0xFFFFC000  }
0x6b: {  	[spmem:s2] =	stream.indirect.scatter.add.f32 [tilespmem:s12], [sflag:$0x1], $0x80, s13, s13, $0xb8;
	[tilespmem:$0x18400] =	vst v63  }
0x6c: {  	_ =	swait.ge [sflag:s11], $0x4000  }
0x6d: {  	[sflag:s11] =	ssyncset.done $0x0  }
0x6e: {  	[sflag:s11] =	ssyncadd.s32 $0xFFFFC000  }
0x6f: {  	[spmem:s2] =	stream.indirect.scatter.add.f32 [tilespmem:s12], [sflag:$0x1], $0x80, s14, s13, $0xb8;
	[tilespmem:$0x18400] =	vst v63  }
0x70: {  	_ =	swait.ge [sflag:s11], $0x4000  }
0x71: {  	[sflag:s11] =	ssyncset.done $0x0  }
0x72: {  	[sflag:s11] =	ssyncadd.s32 $0xFFFFC000  }
0x73: {  	[spmem:s2] =	stream.indirect.scatter.add.f32 [tilespmem:s12], [sflag:$0x1], $0x80, s15, s13, $0xb8;
	[tilespmem:$0x18400] =	vst v63  }
0x74: {  	_ =	swait.ge [sflag:s11], $0x4000  }
0x75: {  	[sflag:s11] =	ssyncset.done $0x0  }
0x76: {  	[sflag:s11] =	ssyncadd.s32 $0xFFFFC000  }
0x77: {  	[spmem:s2] =	stream.indirect.scatter.add.f32 [tilespmem:s12], [sflag:$0x1], $0x80, s16, s13, $0xb8;
	[tilespmem:$0x18400] =	vst v63  }
0x78: {  	_ =	swait.ge [sflag:s11], $0x4000  }
0x79: {  	[sflag:s11] =	ssyncset.done $0x0  }
0x7a: {  	[sflag:s11] =	ssyncadd.s32 $0xFFFFC000  }
0x7b: {  	[spmem:s2] =	stream.indirect.scatter.add.f32 [tilespmem:s12], [sflag:$0x1], $0x80, s17, s13, $0xb8;
	[tilespmem:$0x18400] =	vst v63  }
0x7c: {  	_ =	swait.ge [sflag:s11], $0x4000  }
0x7d: {  	[sflag:s11] =	ssyncset.done $0x0  }
0x7e: {  	[sflag:s11] =	ssyncadd.s32 $0xFFFFC000  }
0x7f: {  	[spmem:s2] =	stream.indirect.scatter.add.f32 [tilespmem:s12], [sflag:$0x1], $0x80, s18, s13, $0xb8;
	[tilespmem:$0x18400] =	vst v63  }
0x80: {  	_ =	swait.ge [sflag:s11], $0x4000  }
0x81: {  	[sflag:s11] =	ssyncset.done $0x0  }
0x82: {  	[sflag:s11] =	ssyncadd.s32 $0xFFFFC000  }
0x83: {  	[spmem:s2] =	stream.indirect.scatter.add.f32 [tilespmem:s12], [sflag:$0x1], $0x80, s19, s13, $0xb8;
	[tilespmem:$0x18400] =	vst v63  }
0x84: {  	_ =	swait.ge [sflag:s11], $0x4000  }
0x85: {  	s20 =	sadd.s32 $0x1, s20;
	[sflag:s11] =	ssyncset.done $0x0  }
0x86: {  	p0 =	sne.s32 s20, s8;
	[sflag:s11] =	ssyncadd.s32 $0xFFFFC000  }
.Ltmp1:
0x87: {  	[bflag:$0x0] =	sbarrier.arrive $0xFFFF;
	(pc) =	sbr.rel @p0 .LBB2_1-.Ltmp1, $4  }
0x88: {  	[hbm:s7], [sflag:s6] =	dma.local [spmem:s10], $0x2800  }
0x89: {  	_ =	swait.ge [sflag:s11], $0x2800  }
0x8a: {  	[sflag:s11] =	ssyncset.done $0x0  }
0x8b: {  	[sflag:s11] =	ssyncadd.s32 $0xFFFFD800  }
0x8c: {  	_ =	sfence.sel $0x180000  }
0x8d: {  	[bflag:$0x0] =	sbarrier.arrive $0xFFFF  }
0x8e: {  	p0 =	sne.s32 s0, $0x0;
	_ =	strace $0x90000047  }
0x8f: {  	s0 =	sadd.s32 @!p0 $0x100000, s1;
	[bflag:$0x2] =	sbarrier.arrive $0xFFFF  }
0x90: {  	[sflag:s0] =	ssyncadd.tile.s32 @!p0 $0x1;
	_ =	shalt  }
.Lfunc_end2:
_tile_overlayer_lowered:
.L_overlay_start_2:
0x91: {  	(tag) =	ssettag $0x2  }
0x92: {  	s0 =	rddreg [dreg:$0x0];
	s2 =	stileid.u32  }
0x93: {  	s1 =	rddreg [dreg:$0x1];
	p0 =	sne.s32 s2, $0x0  }
0x94: {  	s3 =	rddreg [dreg:$0x2];
	[bflag:$0x3] =	sbarrier.arrive $0xFFFF;
	s2 =	simm.s32 @!p0 $0x1C01  }
0x95: {  	[timem:s3], [sflag:s2] =	dma.local @!p0 [hbm:s0], s1  }
0x96: {  	s0 =	simm.s32 @!p0 $0x1  }
0x97: {  	_ =	swait.ge @!p0 [sflag:s0], s1  }
0x98: {  	s1 =	ssub.s32 @!p0 $0x0, s1;
	[sflag:s0] =	ssyncset.done @!p0 $0x0  }
0x99: {  	[sflag:s0] =	ssyncadd.s32 @!p0 s1  }
0x9a: {  	[bflag:$0x3] =	sbarrier.arrive $0xFFFF  }
0x9b: {  	_ =	shalt  }

// kernel: kernel.14.cloned.1.call-start
scs
__scs_entry_jumppad:
0x0: {  	(pc) =	sbr.rel $0x88, $3  }
0x1: {  	(tag) =	ssettag $0x0;
	lr =	simm.s32 $0x1  }
0x2: {  	[smem:$0x3F94] =	sst lr;
	_ =	strace $0xD0000000  }
0x3: {  	_ = 	snop  }
0x4: {  	_ = 	snop  }
0x5: {  	_ = 	snop  }
0x6: {  	_ = 	snop  }
0x7: {  	_ = 	snop  }
__scs_overlays_trampoline_lowered:
0x8: {  	[smem:$0x3FA3] =	sst s0  }
0x9: {  	[smem:$0x3FA4] =	sst s1  }
0xa: {  	[smem:$0x3FA5] =	sst s2  }
0xb: {  	[smem:$0x3FA6] =	sst s3  }
0xc: {  	[smem:$0x3FA7] =	sst s4  }
0xd: {  	[smem:$0x3FA8] =	sst s5  }
0xe: {  	[smem:$0x3FA9] =	sst s6  }
0xf: {  	[smem:$0x3FAA] =	sst s7  }
0x10: {  	[smem:$0x3FAB] =	sst s8  }
0x11: {  	[smem:$0x3FAC] =	sst s9;
	s0 =	simm.s32 @!p0 $0x0  }
0x12: {  	s1 =	sld [smem:$0x3F92];
	s0 =	simm.s32 @p0 $0x1  }
0x13: {  	[smem:$0x3FAD] =	sst s0;
	s0 =	simm.s32 @!p1 $0x0  }
0x14: {  	s2 =	sld [smem:$0x3F91];
	s0 =	simm.s32 @p1 $0x1  }
0x15: {  	[smem:$0x3FAE] =	sst s0;
	s0 =	simm.s32 @!p2 $0x0  }
0x16: {  	s3 =	sld [smem:$0x3FDB];
	s0 =	simm.s32 @p2 $0x1  }
0x17: {  	s4 =	simm.s32 $0x1BF5;
	[smem:$0x3FB0] =	sst s0  }
0x18: {  	s0 =	sld [smem:$0x3F93];
	_ =	swait.ge [sflag:s4], $0x0  }
0x19: {  	s7 =	sld [smem:$0x3F94]  }
0x1a: {  	s8 =	sadd.s32 $0xFFFFE003, lr  }
0x1b: {  	s9 =	sadd.s32 $0xFFFFFEF7, lr;
	s5 =	simm.s32 $0xFFFFFFFF;
	p2 =	slt.u32 s8, $0xFFFFF086  }
0x1c: {  	p1 =	slt.u32 s9, $0xF7A;
	s5 =	simm.s32 @!p2 $0x0  }
0x1d: {  	s5 =	simm.s32 @p1 $0x1;
	p0 =	seq.s32 s7, s2  }
0x1e: {  	s7 =	smul.u32 @!p0 $0xF7A, s2;
	p2 =	seq.s32 @!p0 s5, $0x0  }
0x1f: {  	s9 =	smul.u32 $0xF7A, s1;
	s8 =	simm.s32 @!p0 $0x1BF5;
	p2 =	por !p2, p0  }
0x20: {  	[sflag:s8] =	ssyncset.s32 @!p0 $0xFFFFF086;
	s6 =	sadd.s32 @!p0 s3, s7;
	s7 =	simm.s32 @!p0 $0x108  }
0x21: {  	s3 =	sadd.s32 s3, s9;
	s6 =	sadd.s32 @!p0 $0x88, s6;
	s7 =	simm.s32 @p2 $0x1082  }
0x22: {  	[simem:s7], [sflag:s8] =	dma.local @!p0 [hbm:s6], $0xF7A  }
0x23: {  	s9 =	sor.u32 $0xD0000000, s2;
	s6 =	simm.s32 $0x108;
	_ =	swait.ge @!p0 [sflag:s8], $0x0  }
0x24: {  	s3 =	sadd.s32 $0x88, s3;
	s6 =	simm.s32 @!p1 $0x1082;
	[sflag:s4] =	ssyncset.s32 $0xFFFFF086  }
0x25: {  	[simem:s6], [sflag:s4] =	dma.local [hbm:s3], $0xF7A  }
0x26: {  	[smem:$0x3F94] =	sst s1;
	(tag) =	ssettag s2;
	_ =	strace s9  }
0x27: {  	s1 =	sld [smem:$0x3FA4]  }
0x28: {  	s2 =	sld [smem:$0x3FA5]  }
0x29: {  	s4 =	sld [smem:$0x3FA7]  }
0x2a: {  	p0 =	seq.s32 s5, $0x0;
	s5 =	sld [smem:$0x3FA8]  }
0x2b: {  	s6 =	sld [smem:$0x3FA9]  }
0x2c: {  	s7 =	sld [smem:$0x3FAA]  }
0x2d: {  	s3 =	simm.s32 $0x108;
	s8 =	sld [smem:$0x3FAB]  }
0x2e: {  	s3 =	simm.s32 @!p0 $0x1082;
	s9 =	sld [smem:$0x3FAC]  }
0x2f: {  	lr =	sadd.s32 s0, s3;
	s0 =	sld [smem:$0x3FA3]  }
0x30: {  	s3 =	sld [smem:$0x3FA6]  }
0x31: {  	[smem:$0x3FAF] =	sst s10  }
0x32: {  	s10 =	sld [smem:$0x3FAD];
	_ =	sdelay $0x3  }
0x33: {  	p0 =	seq.s32 s10, $0x1;
	s10 =	sld [smem:$0x3FAF];
	_ =	sdelay $0x3  }
0x34: {  	[smem:$0x3FAF] =	sst s10  }
0x35: {  	s10 =	sld [smem:$0x3FAE];
	_ =	sdelay $0x3  }
0x36: {  	p1 =	seq.s32 s10, $0x1;
	s10 =	sld [smem:$0x3FAF];
	_ =	sdelay $0x3  }
0x37: {  	[smem:$0x3FAF] =	sst s10  }
0x38: {  	s10 =	sld [smem:$0x3FB0]  }
0x39: {  	_ = 	snop;
	(pc) =	sbr.ind lr, $3  }
0x3a: {  	_ = 	snop  }
0x3b: {  	_ = 	snop  }
0x3c: {  	p2 =	seq.s32 s10, $0x1;
	s10 =	sld [smem:$0x3FAF]  }
0x3d: {  	_ =	shalt  }
0x3e: {  	_ =	shalt  }
0x3f: {  	_ =	shalt  }
0x40: {  	_ =	shalt  }
0x41: {  	_ =	shalt  }
0x42: {  	_ =	shalt  }
0x43: {  	_ =	shalt  }
0x44: {  	_ =	shalt  }
0x45: {  	_ =	shalt  }
0x46: {  	_ =	shalt  }
0x47: {  	_ =	shalt  }
0x48: {  	_ =	shalt  }
0x49: {  	_ =	shalt  }
0x4a: {  	_ =	shalt  }
0x4b: {  	_ =	shalt  }
0x4c: {  	_ =	shalt  }
0x4d: {  	_ =	shalt  }
0x4e: {  	_ =	shalt  }
0x4f: {  	_ =	shalt  }
0x50: {  	_ =	shalt  }
0x51: {  	_ =	shalt  }
0x52: {  	_ =	shalt  }
0x53: {  	_ =	shalt  }
0x54: {  	_ =	shalt  }
0x55: {  	_ =	shalt  }
0x56: {  	_ =	shalt  }
0x57: {  	_ =	shalt  }
0x58: {  	_ =	shalt  }
0x59: {  	_ =	shalt  }
0x5a: {  	_ =	shalt  }
0x5b: {  	_ =	shalt  }
0x5c: {  	_ =	shalt  }
0x5d: {  	_ =	shalt  }
0x5e: {  	_ =	shalt  }
0x5f: {  	_ =	shalt  }
0x60: {  	_ =	shalt  }
0x61: {  	_ =	shalt  }
0x62: {  	_ =	shalt  }
0x63: {  	_ =	shalt  }
0x64: {  	_ =	shalt  }
0x65: {  	_ =	shalt  }
0x66: {  	_ =	shalt  }
0x67: {  	_ =	shalt  }
0x68: {  	_ =	shalt  }
0x69: {  	_ =	shalt  }
0x6a: {  	_ =	shalt  }
0x6b: {  	_ =	shalt  }
0x6c: {  	_ =	shalt  }
0x6d: {  	_ =	shalt  }
0x6e: {  	_ =	shalt  }
0x6f: {  	_ =	shalt  }
0x70: {  	_ =	shalt  }
0x71: {  	_ =	shalt  }
0x72: {  	_ =	shalt  }
0x73: {  	_ =	shalt  }
0x74: {  	_ =	shalt  }
0x75: {  	_ =	shalt  }
0x76: {  	_ =	shalt  }
0x77: {  	_ =	shalt  }
0x78: {  	_ =	shalt  }
0x79: {  	_ =	shalt  }
0x7a: {  	_ =	shalt  }
0x7b: {  	_ =	shalt  }
0x7c: {  	_ =	shalt  }
0x7d: {  	_ =	shalt  }
0x7e: {  	_ =	shalt  }
0x7f: {  	_ =	shalt  }
0x80: {  	_ =	shalt  }
0x81: {  	_ =	shalt  }
0x82: {  	_ =	shalt  }
0x83: {  	_ =	shalt  }
0x84: {  	_ =	shalt  }
0x85: {  	_ =	shalt  }
0x86: {  	_ =	shalt  }
0x87: {  	_ =	shalt  }
.Lfunc_end0:
.L_simem_size_0:
called_computation.1_lowered:
.L_overlay_start_0:
0x88: {  	s2 =	sld [smem:$0x3FD9]  }
0x89: {  	s3 =	sld [smem:$0x3FFE];
	_ =	sdelay $0x1  }
0x8a: {  	s1 =	srdreg.scid  }
0x8b: {  	s0 =	sand.u32 $0x1, s1  }
0x8c: {  	s16 =	sshll.u32 s0, $0xA;
	s2 =	sadd.s32 s3, s2  }
0x8d: {  	s2 =	sadd.s32 s2, s16  }
0x8e: {  	[smem:$0x3FBB] =	sst s2  }
0x8f: {  	_ = 	snop  }
0x90: {  	(tm) =	ssettm $0x1  }
0x91: {  	s17 =	sld [smem:$0x3FFB];
	_ =	sdelay $0x3  }
0x92: {  	_ =	strace s17  }
0x93: {  	s2 =	sld [smem:$0x3FFC];
	_ =	sdelay $0x3  }
0x94: {  	_ =	strace s2  }
0x95: {  	s2 =	sld [smem:$0x3FFD];
	_ =	sdelay $0x3  }
0x96: {  	_ =	strace s2  }
0x97: {  	_ =	strace $0x8FFFFFFF  }
0x98: {  	s18 =	sld [smem:$0x3FDB];
	_ =	sdelay $0x1  }
0x99: {  	s19 =	simm.s32 $_scs_section_size  }
0x9a: {  	s4 =	simm.s32 $_size__tile_overlayer_lowered;
	s5 =	simm.s32 $_tile_overlayer_lowered  }
0x9b: {  	s22 =	simm.s32 $0x1BFF;
	s21 =	sshll.u32 s5, $0x1;
	s2 =	sadd.s32 s19, s18  }
0x9c: {  	s6 =	simm.s32 $0x0;
	s20 =	sshll.u32 s4, $0x1;
	s4 =	sadd.s32 s21, s2  }
0x9d: {  	[timem:s6], [sflag:s22] =	dma.local [hbm:s4], s20  }
0x9e: {  	_ =	swait.ge [sflag:s22], s20  }
0x9f: {  	s3 =	ssub.s32 $0x0, s20;
	[sflag:s22] =	ssyncset.done $0x0  }
0xa0: {  	[sflag:s22] =	ssyncadd.s32 s3;
	_ =	sdelay $0x1  }
0xa1: {  	s23 =	simm.s32 $0x1B8B  }
0xa2: {  	_ =	swait.ge [sflag:s23], $0x1  }
0xa3: {  	[sflag:s23] =	ssyncset.done $0x0  }
0xa4: {  	s25 =	simm.s32 $0x1B8E;
	s24 =	sld [smem:$0x3FFE];
	[sflag:s23] =	ssyncadd.s32 $0xFFFFFFFF  }
0xa5: {  	s26 =	simm.s32 $execute0_lowered;
	[smem:$0x3FD2] =	sst s25  }
0xa6: {  	s4 =	sshll.u32 s26, $0x1;
	_ =	strace $0x80000049;
	[dreg:$0x1] =	wrdreg $0xFFFFFFFF  }
0xa7: {  	s28 =	simm.s32 $_size_execute0_lowered;
	s2 =	sadd.s32 s2, s4;
	[dreg:$0x0] =	wrdreg $0x0  }
0xa8: {  	s4 =	sshll.u32 s28, $0x1;
	[dreg:$0x2] =	wrdreg s2  }
0xa9: {  	[dreg:$0x3] =	wrdreg s4  }
0xaa: {  	[dreg:$0x4] =	wrdreg $0xC0  }
0xab: {  	_ =	task [dreg:s6], $0x5FFFF  }
0xac: {  	[dreg:$0x1] =	wrdreg $0xFFFFFFFF  }
0xad: {  	[dreg:$0x0] =	wrdreg $0x60  }
0xae: {  	[dreg:$0x2] =	wrdreg s24  }
0xaf: {  	[dreg:$0x3] =	wrdreg $0x88000  }
0xb0: {  	[dreg:$0x4] =	wrdreg $0x9  }
0xb1: {  	_ =	task.clear_ibuf [dreg:s6], $0x5FFFF;
	_ =	strace $0x90000049  }
0xb2: {  	s29 =	simm.s32 $0x9;
	_ =	strace $0x8000004B  }
0xb3: {  	_ =	swait.ge [sflag:s29], $0x1  }
0xb4: {  	[sflag:s29] =	ssyncadd.s32 $0xFFFFFFFF  }
0xb5: {  	_ =	strace $0x9000004B  }
0xb6: {  	_ =	sfence  }
0xb7: {  	s30 =	sld [smem:$0x0];
	_ =	sdelay $0x2  }
0xb8: {  	s31 =	sshll.u32 s1, $0xD;
	s1 =	sshrl.u32 s1, $0x2  }
0xb9: {  	s3 =	sand.u32 $0x4000, s31;
	s1 =	sadd.s32 s1, s30  }
0xba: {  	s0 =	sor.u32 s3, s0;
	s1 =	sshll.u32 s1, $0x11  }
0xbb: {  	s0 =	sor.u32 s1, s0  }
0xbc: {  	s0 =	sadd.s32 $0x8F2B, s0  }
0xbd: {  	[sflag:s0] =	ssyncadd.remote.s32 $0x1  }
0xbe: {  	_ =	sfence.sel $0xFFFF  }
0xbf: {  	[dreg:$0x0] =	wrdreg $0xFFFFFFFF;
	(pc) =	sbr.abs _section_cstart, $3  }
0xc0: {  	[dreg:$0x1] =	wrdreg $0xFFFFFFFF  }
0xc1: {  	_ =	task.clear_ibuf [dreg:s6], $0x2FFFF;
	_ =	strace $0x9FFFFFFF  }
0xc2: {  	(tm) =	ssettm $0x7FFFFFFF  }
0xc3: {  	_ =	shalt  }
tec
execute0_lowered:
.L_overlay_start_1:
0x0: {  	(tag) =	ssettag $0x1  }
0x1: {  	s0 =	srdreg.scid;
	s1 =	rddreg [dreg:$0x0]  }
0x2: {  	s10 =	stileid.u32;
	s2 =	rddreg [dreg:$0x1]  }
0x3: {  	s3 =	simm.s32 $0x0;
	s12 =	simm.s32 $0x3;
	s13 =	simm.s32 $0x400  }
0x4: {  	s14 =	simm.s32 $0x80;
	s15 =	simm.s32 $0x800;
	s16 =	simm.s32 $0x4800  }
0x5: {  	s17 =	simm.s32 $0x1;
	s18 =	simm.s32 $0x100;
	s19 =	simm.s32 $0x2  }
0x6: {  	s20 =	simm.s32 $0x480;
	s21 =	simm.s32 $0x180;
	s4 =	smul.u32 $0x5000, s10  }
0x7: {  	s28 =	simm.s32 $0x300;
	s29 =	simm.s32 $0x680;
	s22 =	smul.u32 $0x14000, s10  }
0x8: {  	s30 =	simm.s32 $0x380;
	s0 =	sand.u32 $0x1, s0;
	s24 =	smul.u32 $0x50000, s10  }
0x9: {  	s31 =	simm.s32 $0x700;
	[smem:$0x7FF] =	sst s3;
	s5 =	smul.u32 $0x2800, s0  }
0xa: {  	s26 =	sshll.u32 s10, $0x6;
	s7 =	smul.u32 $0x140000, s0;
	s0 =	ssub.s32 $0x2, s0  }
0xb: {  	_ =	strace $0x8000004A;
	s23 =	sshrl.u32 s22, $0x3;
	s9 =	sshrl.u32 s0, $0x1  }
0xc: {  	s25 =	sshrl.u32 s24, $0x2;
	s24 =	simm.s32 $0x580;
	s4 =	sadd.s32 s5, s4  }
0xd: {  	s5 =	sadd.s32 s22, s7;
	s0 =	ssub.s32 s0, s9;
	s22 =	simm.s32 $0x500  }
0xe: {  	s6 =	sshrl.u32 s4, $0x3;
	s4 =	sadd.s32 $0x37600, s1;
	s5 =	sshrl.u32 s5, $0x3  }
0xf: {  	s0 =	smax.u32 s0, $0x1;
	s8 =	sadd.s32 s6, s1;
	s6 =	sadd.s32 s23, s1  }
0x10: {  	s1 =	sadd.s32 s5, s1;
	s5 =	sadd.s32 s25, s2;
	[dreg:$0x6] =	wrdreg s0  }
0x11: {  	s23 =	simm.s32 $0x200;
	s25 =	simm.s32 $0x280;
	s6 =	sadd.s32 $0xF600, s6  }
0x12: {  	s0 =	simm.s32 $0x0;
	s1 =	sadd.s32 $0x91E00, s1;
	[dreg:$0x3] =	wrdreg s6  }
0x13: {  	s9 =	sadd.s32 $0x5600, s8;
	s7 =	sshrl.u32 s5, $0x3;
	[dreg:$0x5] =	wrdreg s1  }
0x14: {  	s10 =	sadd.s32 $0x87E00, s8;
	s6 =	sor.u32 $0x1C03, s26;
	[dreg:$0x7] =	wrdreg s7  }
0x15: {  	s26 =	simm.s32 $0x600;
	s1 =	simm.s32 $0x780;
	[dreg:$0x4] =	wrdreg s6  }
.LBB2_1:
0x16: {  	s5 =	rddreg [dreg:$0x3]  }
0x17: {  	[spmem:s7], [sflag:s6] =	dma.local [hbm:s5], $0x2800  }
0x18: {  	_ =	swait.ge [sflag:s12], $0x2800  }
0x19: {  	[sflag:s12] =	ssyncset.done $0x0  }
0x1a: {  	[sflag:s12] =	ssyncadd.s32 $0xFFFFD800  }
0x1b: {  	s8 =	sadd.s32 $0x0, s10;
	[bflag:$0x0] =	sbarrier.arrive $0xFFFF  }
0x1c: {  	[tilespmem:s3], [sflag:$0x3] =	stream.linear.gather [hbm4b:s8+s3], $0x400, $0x38;
	[tilespmem:$0x1C800] =	vst v63  }
0x1d: {  	_ =	swait.ge [sflag:s12], $0x400  }
0x1e: {  	[sflag:s12] =	ssyncset.done $0x0  }
0x1f: {  	s11 =	sadd.s32 $0x0, s9;
	[sflag:s12] =	ssyncadd.s32 $0xFFFFFC00  }
0x20: {  	[tilespmem:s13], [sflag:$0x3] =	stream.linear.gather [hbm4b:s11+s3], $0x400, $0x38;
	[tilespmem:$0x1C800] =	vst v63  }
0x21: {  	_ =	swait.ge [sflag:s12], $0x400  }
0x22: {  	[sflag:s12] =	ssyncset.done $0x0  }
0x23: {  	[sflag:s12] =	ssyncadd.s32 $0xFFFFFC00  }
0x24: {  	[tilespmem:s15], [sflag:$0x1] =	stream.indirect.gather [hbm4b:s4+s14], $0x80, s3, s14, $0xb8;
	[tilespmem:$0x1C800] =	vst v63  }
0x25: {  	_ = 	snop  }
0x26: {  	[tilespmem:s16], [sflag:$0x2] =	stream.indirect.gather [hbm4b:s4+s14], $0x80, s14, s14, $0xb8;
	[tilespmem:$0x1C800] =	vst v63  }
0x27: {  	_ =	swait.ge [sflag:s17], $0x4000  }
0x28: {  	[sflag:s17] =	ssyncset.done $0x0  }
0x29: {  	[sflag:s17] =	ssyncadd.s32 $0xFFFFC000  }
0x2a: {  	[spmem:s2] =	stream.indirect.scatter.add.f32 [tilespmem:s15], [sflag:$0x3], $0x80, s13, s14, $0xb8;
	[tilespmem:$0x1C800] =	vst v63  }
0x2b: {  	_ =	swait.ge [sflag:s12], $0x4000  }
0x2c: {  	[sflag:s12] =	ssyncset.done $0x0  }
0x2d: {  	[sflag:s12] =	ssyncadd.s32 $0xFFFFC000  }
0x2e: {  	[tilespmem:s15], [sflag:$0x1] =	stream.indirect.gather [hbm4b:s4+s14], $0x80, s18, s14, $0xb8;
	[tilespmem:$0x1C800] =	vst v63  }
0x2f: {  	_ =	swait.ge [sflag:s19], $0x4000  }
0x30: {  	[sflag:s19] =	ssyncset.done $0x0  }
0x31: {  	[sflag:s19] =	ssyncadd.s32 $0xFFFFC000  }
0x32: {  	[spmem:s2] =	stream.indirect.scatter.add.f32 [tilespmem:s16], [sflag:$0x3], $0x80, s20, s14, $0xb8;
	[tilespmem:$0x1C800] =	vst v63  }
0x33: {  	_ =	swait.ge [sflag:s12], $0x4000  }
0x34: {  	[sflag:s12] =	ssyncset.done $0x0  }
0x35: {  	[sflag:s12] =	ssyncadd.s32 $0xFFFFC000  }
0x36: {  	[tilespmem:s16], [sflag:$0x2] =	stream.indirect.gather [hbm4b:s4+s14], $0x80, s21, s14, $0xb8;
	[tilespmem:$0x1C800] =	vst v63  }
0x37: {  	_ =	swait.ge [sflag:s17], $0x4000  }
0x38: {  	[sflag:s17] =	ssyncset.done $0x0  }
0x39: {  	[sflag:s17] =	ssyncadd.s32 $0xFFFFC000  }
0x3a: {  	[spmem:s2] =	stream.indirect.scatter.add.f32 [tilespmem:s15], [sflag:$0x3], $0x80, s22, s14, $0xb8;
	[tilespmem:$0x1C800] =	vst v63  }
0x3b: {  	_ =	swait.ge [sflag:s12], $0x4000  }
0x3c: {  	[sflag:s12] =	ssyncset.done $0x0  }
0x3d: {  	[sflag:s12] =	ssyncadd.s32 $0xFFFFC000  }
0x3e: {  	[tilespmem:s15], [sflag:$0x1] =	stream.indirect.gather [hbm4b:s4+s14], $0x80, s23, s14, $0xb8;
	[tilespmem:$0x1C800] =	vst v63  }
0x3f: {  	_ =	swait.ge [sflag:s19], $0x4000  }
0x40: {  	[sflag:s19] =	ssyncset.done $0x0  }
0x41: {  	[sflag:s19] =	ssyncadd.s32 $0xFFFFC000  }
0x42: {  	[spmem:s2] =	stream.indirect.scatter.add.f32 [tilespmem:s16], [sflag:$0x3], $0x80, s24, s14, $0xb8;
	[tilespmem:$0x1C800] =	vst v63  }
0x43: {  	_ =	swait.ge [sflag:s12], $0x4000  }
0x44: {  	[sflag:s12] =	ssyncset.done $0x0  }
0x45: {  	[sflag:s12] =	ssyncadd.s32 $0xFFFFC000  }
0x46: {  	[tilespmem:s16], [sflag:$0x2] =	stream.indirect.gather [hbm4b:s4+s14], $0x80, s25, s14, $0xb8;
	[tilespmem:$0x1C800] =	vst v63  }
0x47: {  	_ =	swait.ge [sflag:s17], $0x4000  }
0x48: {  	[sflag:s17] =	ssyncset.done $0x0  }
0x49: {  	[sflag:s17] =	ssyncadd.s32 $0xFFFFC000  }
0x4a: {  	[spmem:s2] =	stream.indirect.scatter.add.f32 [tilespmem:s15], [sflag:$0x3], $0x80, s26, s14, $0xb8;
	[tilespmem:$0x1C800] =	vst v63  }
0x4b: {  	_ =	swait.ge [sflag:s12], $0x4000  }
0x4c: {  	[sflag:s12] =	ssyncset.done $0x0  }
0x4d: {  	[sflag:s12] =	ssyncadd.s32 $0xFFFFC000  }
0x4e: {  	[tilespmem:s15], [sflag:$0x1] =	stream.indirect.gather [hbm4b:s4+s14], $0x80, s28, s14, $0xb8;
	[tilespmem:$0x1C800] =	vst v63  }
0x4f: {  	_ =	swait.ge [sflag:s19], $0x4000  }
0x50: {  	[sflag:s19] =	ssyncset.done $0x0  }
0x51: {  	[sflag:s19] =	ssyncadd.s32 $0xFFFFC000  }
0x52: {  	[spmem:s2] =	stream.indirect.scatter.add.f32 [tilespmem:s16], [sflag:$0x3], $0x80, s29, s14, $0xb8;
	[tilespmem:$0x1C800] =	vst v63  }
0x53: {  	_ =	swait.ge [sflag:s12], $0x4000  }
0x54: {  	[sflag:s12] =	ssyncset.done $0x0  }
0x55: {  	[sflag:s12] =	ssyncadd.s32 $0xFFFFC000  }
0x56: {  	[tilespmem:s16], [sflag:$0x2] =	stream.indirect.gather [hbm4b:s4+s14], $0x80, s30, s14, $0xb8;
	[tilespmem:$0x1C800] =	vst v63  }
0x57: {  	_ =	swait.ge [sflag:s17], $0x4000  }
0x58: {  	[sflag:s17] =	ssyncset.done $0x0  }
0x59: {  	[sflag:s17] =	ssyncadd.s32 $0xFFFFC000  }
0x5a: {  	[spmem:s2] =	stream.indirect.scatter.add.f32 [tilespmem:s15], [sflag:$0x3], $0x80, s31, s14, $0xb8;
	[tilespmem:$0x1C800] =	vst v63  }
0x5b: {  	_ =	swait.ge [sflag:s12], $0x4000  }
0x5c: {  	[sflag:s12] =	ssyncset.done $0x0  }
0x5d: {  	[sflag:s12] =	ssyncadd.s32 $0xFFFFC000  }
0x5e: {  	_ =	swait.ge [sflag:s19], $0x4000  }
0x5f: {  	[sflag:s19] =	ssyncset.done $0x0  }
0x60: {  	[sflag:s19] =	ssyncadd.s32 $0xFFFFC000  }
0x61: {  	[spmem:s2] =	stream.indirect.scatter.add.f32 [tilespmem:s16], [sflag:$0x3], $0x80, s1, s14, $0xb8;
	[tilespmem:$0x1C800] =	vst v63  }
0x62: {  	_ =	swait.ge [sflag:s12], $0x4000  }
0x63: {  	s5 =	simm.s32 $0x80;
	s7 =	simm.s32 $0x100;
	[sflag:s12] =	ssyncset.done $0x0  }
.LBB2_2:
0x64: {  	s6 =	sadd.s32 s5, s10  }
0x65: {  	[sflag:s12] =	ssyncadd.s32 $0xFFFFC000;
	s11 =	smov.u32 s7;
	s8 =	sadd.s32 $0x80, s7  }
0x66: {  	[tilespmem:s3], [sflag:$0x3] =	stream.linear.gather [hbm4b:s6+s3], $0x400, $0x38;
	[tilespmem:$0x1C800] =	vst v63  }
0x67: {  	p0 =	sne.s32 s7, $0x480;
	_ =	swait.ge [sflag:s12], $0x400  }
0x68: {  	[sflag:s12] =	ssyncset.done $0x0  }
0x69: {  	s6 =	sadd.s32 s5, s9;
	s5 =	smov.u32 s11;
	[sflag:s12] =	ssyncadd.s32 $0xFFFFFC00  }
0x6a: {  	[tilespmem:s13], [sflag:$0x3] =	stream.linear.gather [hbm4b:s6+s3], $0x400, $0x38;
	[tilespmem:$0x1C800] =	vst v63  }
0x6b: {  	_ =	swait.ge [sflag:s12], $0x400  }
0x6c: {  	[sflag:s12] =	ssyncset.done $0x0  }
0x6d: {  	[sflag:s12] =	ssyncadd.s32 $0xFFFFFC00  }
0x6e: {  	[tilespmem:s15], [sflag:$0x1] =	stream.indirect.gather [hbm4b:s4+s14], $0x80, s3, s14, $0xb8;
	[tilespmem:$0x1C800] =	vst v63  }
0x6f: {  	_ = 	snop  }
0x70: {  	[tilespmem:s16], [sflag:$0x2] =	stream.indirect.gather [hbm4b:s4+s14], $0x80, s14, s14, $0xb8;
	[tilespmem:$0x1C800] =	vst v63  }
0x71: {  	_ =	swait.ge [sflag:s17], $0x4000  }
0x72: {  	[sflag:s17] =	ssyncset.done $0x0  }
0x73: {  	[sflag:s17] =	ssyncadd.s32 $0xFFFFC000  }
0x74: {  	[spmem:s2] =	stream.indirect.scatter.add.f32 [tilespmem:s15], [sflag:$0x3], $0x80, s13, s14, $0xb8;
	[tilespmem:$0x1C800] =	vst v63  }
0x75: {  	_ =	swait.ge [sflag:s12], $0x4000  }
0x76: {  	[sflag:s12] =	ssyncset.done $0x0  }
0x77: {  	[sflag:s12] =	ssyncadd.s32 $0xFFFFC000  }
0x78: {  	[tilespmem:s15], [sflag:$0x1] =	stream.indirect.gather [hbm4b:s4+s14], $0x80, s18, s14, $0xb8;
	[tilespmem:$0x1C800] =	vst v63  }
0x79: {  	_ =	swait.ge [sflag:s19], $0x4000  }
0x7a: {  	[sflag:s19] =	ssyncset.done $0x0  }
0x7b: {  	[sflag:s19] =	ssyncadd.s32 $0xFFFFC000  }
0x7c: {  	[spmem:s2] =	stream.indirect.scatter.add.f32 [tilespmem:s16], [sflag:$0x3], $0x80, s20, s14, $0xb8;
	[tilespmem:$0x1C800] =	vst v63  }
0x7d: {  	_ =	swait.ge [sflag:s12], $0x4000  }
0x7e: {  	[sflag:s12] =	ssyncset.done $0x0  }
0x7f: {  	[sflag:s12] =	ssyncadd.s32 $0xFFFFC000  }
0x80: {  	[tilespmem:s16], [sflag:$0x2] =	stream.indirect.gather [hbm4b:s4+s14], $0x80, s21, s14, $0xb8;
	[tilespmem:$0x1C800] =	vst v63  }
0x81: {  	_ =	swait.ge [sflag:s17], $0x4000  }
0x82: {  	[sflag:s17] =	ssyncset.done $0x0  }
0x83: {  	[sflag:s17] =	ssyncadd.s32 $0xFFFFC000  }
0x84: {  	[spmem:s2] =	stream.indirect.scatter.add.f32 [tilespmem:s15], [sflag:$0x3], $0x80, s22, s14, $0xb8;
	[tilespmem:$0x1C800] =	vst v63  }
0x85: {  	_ =	swait.ge [sflag:s12], $0x4000  }
0x86: {  	[sflag:s12] =	ssyncset.done $0x0  }
0x87: {  	[sflag:s12] =	ssyncadd.s32 $0xFFFFC000  }
0x88: {  	[tilespmem:s15], [sflag:$0x1] =	stream.indirect.gather [hbm4b:s4+s14], $0x80, s23, s14, $0xb8;
	[tilespmem:$0x1C800] =	vst v63  }
0x89: {  	_ =	swait.ge [sflag:s19], $0x4000  }
0x8a: {  	[sflag:s19] =	ssyncset.done $0x0  }
0x8b: {  	[sflag:s19] =	ssyncadd.s32 $0xFFFFC000  }
0x8c: {  	[spmem:s2] =	stream.indirect.scatter.add.f32 [tilespmem:s16], [sflag:$0x3], $0x80, s24, s14, $0xb8;
	[tilespmem:$0x1C800] =	vst v63  }
0x8d: {  	_ =	swait.ge [sflag:s12], $0x4000  }
0x8e: {  	[sflag:s12] =	ssyncset.done $0x0  }
0x8f: {  	[sflag:s12] =	ssyncadd.s32 $0xFFFFC000  }
0x90: {  	[tilespmem:s16], [sflag:$0x2] =	stream.indirect.gather [hbm4b:s4+s14], $0x80, s25, s14, $0xb8;
	[tilespmem:$0x1C800] =	vst v63  }
0x91: {  	_ =	swait.ge [sflag:s17], $0x4000  }
0x92: {  	[sflag:s17] =	ssyncset.done $0x0  }
0x93: {  	[sflag:s17] =	ssyncadd.s32 $0xFFFFC000  }
0x94: {  	[spmem:s2] =	stream.indirect.scatter.add.f32 [tilespmem:s15], [sflag:$0x3], $0x80, s26, s14, $0xb8;
	[tilespmem:$0x1C800] =	vst v63  }
0x95: {  	_ =	swait.ge [sflag:s12], $0x4000  }
0x96: {  	[sflag:s12] =	ssyncset.done $0x0  }
0x97: {  	[sflag:s12] =	ssyncadd.s32 $0xFFFFC000  }
0x98: {  	[tilespmem:s15], [sflag:$0x1] =	stream.indirect.gather [hbm4b:s4+s14], $0x80, s28, s14, $0xb8;
	[tilespmem:$0x1C800] =	vst v63  }
0x99: {  	_ =	swait.ge [sflag:s19], $0x4000  }
0x9a: {  	[sflag:s19] =	ssyncset.done $0x0  }
0x9b: {  	[sflag:s19] =	ssyncadd.s32 $0xFFFFC000  }
0x9c: {  	[spmem:s2] =	stream.indirect.scatter.add.f32 [tilespmem:s16], [sflag:$0x3], $0x80, s29, s14, $0xb8;
	[tilespmem:$0x1C800] =	vst v63  }
0x9d: {  	_ =	swait.ge [sflag:s12], $0x4000  }
0x9e: {  	[sflag:s12] =	ssyncset.done $0x0  }
0x9f: {  	[sflag:s12] =	ssyncadd.s32 $0xFFFFC000  }
0xa0: {  	[tilespmem:s16], [sflag:$0x2] =	stream.indirect.gather [hbm4b:s4+s14], $0x80, s30, s14, $0xb8;
	[tilespmem:$0x1C800] =	vst v63  }
0xa1: {  	_ =	swait.ge [sflag:s17], $0x4000  }
0xa2: {  	[sflag:s17] =	ssyncset.done $0x0  }
0xa3: {  	[sflag:s17] =	ssyncadd.s32 $0xFFFFC000  }
0xa4: {  	[spmem:s2] =	stream.indirect.scatter.add.f32 [tilespmem:s15], [sflag:$0x3], $0x80, s31, s14, $0xb8;
	[tilespmem:$0x1C800] =	vst v63  }
0xa5: {  	_ =	swait.ge [sflag:s12], $0x4000  }
0xa6: {  	[sflag:s12] =	ssyncset.done $0x0  }
0xa7: {  	[sflag:s12] =	ssyncadd.s32 $0xFFFFC000  }
0xa8: {  	_ =	swait.ge [sflag:s19], $0x4000  }
.Ltmp0:
0xa9: {  	[sflag:s19] =	ssyncset.done $0x0;
	(pc) =	sbr.rel @p0 .LBB2_2-.Ltmp0, $4  }
0xaa: {  	[sflag:s19] =	ssyncadd.s32 $0xFFFFC000  }
0xab: {  	[spmem:s2] =	stream.indirect.scatter.add.f32 [tilespmem:s16], [sflag:$0x3], $0x80, s1, s14, $0xb8;
	[tilespmem:$0x1C800] =	vst v63  }
0xac: {  	_ =	swait.ge [sflag:s12], $0x4000  }
0xad: {  	s7 =	smov.u32 s8;
	[sflag:s12] =	ssyncset.done $0x0  }
0xae: {  	s6 =	sadd.s32 s5, s10;
	[sflag:s12] =	ssyncadd.s32 $0xFFFFC000  }
0xaf: {  	[tilespmem:s3], [sflag:$0x3] =	stream.linear.gather [hbm4b:s6+s3], $0x400, $0x38;
	[tilespmem:$0x1C800] =	vst v63  }
0xb0: {  	_ =	swait.ge [sflag:s12], $0x400  }
0xb1: {  	[sflag:s12] =	ssyncset.done $0x0  }
0xb2: {  	s7 =	sadd.s32 s5, s9;
	[sflag:s12] =	ssyncadd.s32 $0xFFFFFC00  }
0xb3: {  	[tilespmem:s13], [sflag:$0x3] =	stream.linear.gather [hbm4b:s7+s3], $0x400, $0x38;
	[tilespmem:$0x1C800] =	vst v63  }
0xb4: {  	_ =	swait.ge [sflag:s12], $0x400  }
0xb5: {  	[sflag:s12] =	ssyncset.done $0x0  }
0xb6: {  	[sflag:s12] =	ssyncadd.s32 $0xFFFFFC00  }
0xb7: {  	[tilespmem:s15], [sflag:$0x1] =	stream.indirect.gather [hbm4b:s4+s14], $0x80, s3, s14, $0xb8;
	[tilespmem:$0x1C800] =	vst v63  }
0xb8: {  	_ = 	snop  }
0xb9: {  	[tilespmem:s16], [sflag:$0x2] =	stream.indirect.gather [hbm4b:s4+s14], $0x80, s14, s14, $0xb8;
	[tilespmem:$0x1C800] =	vst v63  }
0xba: {  	_ =	swait.ge [sflag:s17], $0x4000  }
0xbb: {  	[sflag:s17] =	ssyncset.done $0x0  }
0xbc: {  	[sflag:s17] =	ssyncadd.s32 $0xFFFFC000  }
0xbd: {  	[spmem:s2] =	stream.indirect.scatter.add.f32 [tilespmem:s15], [sflag:$0x3], $0x80, s13, s14, $0xb8;
	[tilespmem:$0x1C800] =	vst v63  }
0xbe: {  	_ =	swait.ge [sflag:s12], $0x4000  }
0xbf: {  	[sflag:s12] =	ssyncset.done $0x0  }
0xc0: {  	[sflag:s12] =	ssyncadd.s32 $0xFFFFC000  }
0xc1: {  	[tilespmem:s15], [sflag:$0x1] =	stream.indirect.gather [hbm4b:s4+s14], $0x80, s18, s14, $0xb8;
	[tilespmem:$0x1C800] =	vst v63  }
0xc2: {  	_ =	swait.ge [sflag:s19], $0x4000  }
0xc3: {  	[sflag:s19] =	ssyncset.done $0x0  }
0xc4: {  	[sflag:s19] =	ssyncadd.s32 $0xFFFFC000  }
0xc5: {  	[spmem:s2] =	stream.indirect.scatter.add.f32 [tilespmem:s16], [sflag:$0x3], $0x80, s20, s14, $0xb8;
	[tilespmem:$0x1C800] =	vst v63  }
0xc6: {  	_ =	swait.ge [sflag:s12], $0x4000  }
0xc7: {  	[sflag:s12] =	ssyncset.done $0x0  }
0xc8: {  	[sflag:s12] =	ssyncadd.s32 $0xFFFFC000  }
0xc9: {  	[tilespmem:s16], [sflag:$0x2] =	stream.indirect.gather [hbm4b:s4+s14], $0x80, s21, s14, $0xb8;
	[tilespmem:$0x1C800] =	vst v63  }
0xca: {  	_ =	swait.ge [sflag:s17], $0x4000  }
0xcb: {  	[sflag:s17] =	ssyncset.done $0x0  }
0xcc: {  	[sflag:s17] =	ssyncadd.s32 $0xFFFFC000  }
0xcd: {  	[spmem:s2] =	stream.indirect.scatter.add.f32 [tilespmem:s15], [sflag:$0x3], $0x80, s22, s14, $0xb8;
	[tilespmem:$0x1C800] =	vst v63  }
0xce: {  	_ =	swait.ge [sflag:s12], $0x4000  }
0xcf: {  	[sflag:s12] =	ssyncset.done $0x0  }
0xd0: {  	[sflag:s12] =	ssyncadd.s32 $0xFFFFC000  }
0xd1: {  	[tilespmem:s15], [sflag:$0x1] =	stream.indirect.gather [hbm4b:s4+s14], $0x80, s23, s14, $0xb8;
	[tilespmem:$0x1C800] =	vst v63  }
0xd2: {  	_ =	swait.ge [sflag:s19], $0x4000  }
0xd3: {  	[sflag:s19] =	ssyncset.done $0x0  }
0xd4: {  	[sflag:s19] =	ssyncadd.s32 $0xFFFFC000  }
0xd5: {  	[spmem:s2] =	stream.indirect.scatter.add.f32 [tilespmem:s16], [sflag:$0x3], $0x80, s24, s14, $0xb8;
	[tilespmem:$0x1C800] =	vst v63  }
0xd6: {  	_ =	swait.ge [sflag:s12], $0x4000  }
0xd7: {  	[sflag:s12] =	ssyncset.done $0x0  }
0xd8: {  	[sflag:s12] =	ssyncadd.s32 $0xFFFFC000  }
0xd9: {  	[tilespmem:s16], [sflag:$0x2] =	stream.indirect.gather [hbm4b:s4+s14], $0x80, s25, s14, $0xb8;
	[tilespmem:$0x1C800] =	vst v63  }
0xda: {  	_ =	swait.ge [sflag:s17], $0x4000  }
0xdb: {  	[sflag:s17] =	ssyncset.done $0x0  }
0xdc: {  	[sflag:s17] =	ssyncadd.s32 $0xFFFFC000  }
0xdd: {  	[spmem:s2] =	stream.indirect.scatter.add.f32 [tilespmem:s15], [sflag:$0x3], $0x80, s26, s14, $0xb8;
	[tilespmem:$0x1C800] =	vst v63  }
0xde: {  	_ =	swait.ge [sflag:s12], $0x4000  }
0xdf: {  	[sflag:s12] =	ssyncset.done $0x0  }
0xe0: {  	[sflag:s12] =	ssyncadd.s32 $0xFFFFC000  }
0xe1: {  	[tilespmem:s15], [sflag:$0x1] =	stream.indirect.gather [hbm4b:s4+s14], $0x80, s28, s14, $0xb8;
	[tilespmem:$0x1C800] =	vst v63  }
0xe2: {  	_ =	swait.ge [sflag:s19], $0x4000  }
0xe3: {  	[sflag:s19] =	ssyncset.done $0x0  }
0xe4: {  	[sflag:s19] =	ssyncadd.s32 $0xFFFFC000  }
0xe5: {  	[spmem:s2] =	stream.indirect.scatter.add.f32 [tilespmem:s16], [sflag:$0x3], $0x80, s29, s14, $0xb8;
	[tilespmem:$0x1C800] =	vst v63  }
0xe6: {  	_ =	swait.ge [sflag:s12], $0x4000  }
0xe7: {  	[sflag:s12] =	ssyncset.done $0x0  }
0xe8: {  	[sflag:s12] =	ssyncadd.s32 $0xFFFFC000  }
0xe9: {  	[tilespmem:s16], [sflag:$0x2] =	stream.indirect.gather [hbm4b:s4+s14], $0x80, s30, s14, $0xb8;
	[tilespmem:$0x1C800] =	vst v63  }
0xea: {  	_ =	swait.ge [sflag:s17], $0x4000  }
0xeb: {  	[sflag:s17] =	ssyncset.done $0x0  }
0xec: {  	[sflag:s17] =	ssyncadd.s32 $0xFFFFC000  }
0xed: {  	[spmem:s2] =	stream.indirect.scatter.add.f32 [tilespmem:s15], [sflag:$0x3], $0x80, s31, s14, $0xb8;
	[tilespmem:$0x1C800] =	vst v63  }
0xee: {  	_ =	swait.ge [sflag:s12], $0x4000  }
0xef: {  	[sflag:s12] =	ssyncset.done $0x0  }
0xf0: {  	[sflag:s12] =	ssyncadd.s32 $0xFFFFC000  }
0xf1: {  	_ =	swait.ge [sflag:s19], $0x4000  }
0xf2: {  	[sflag:s19] =	ssyncset.done $0x0  }
0xf3: {  	[sflag:s19] =	ssyncadd.s32 $0xFFFFC000  }
0xf4: {  	[spmem:s2] =	stream.indirect.scatter.add.f32 [tilespmem:s16], [sflag:$0x3], $0x80, s1, s14, $0xb8;
	[tilespmem:$0x1C800] =	vst v63  }
0xf5: {  	_ =	swait.ge [sflag:s12], $0x4000  }
0xf6: {  	[sflag:s12] =	ssyncset.done $0x0  }
0xf7: {  	[sflag:s12] =	ssyncadd.s32 $0xFFFFC000  }
0xf8: {  	[bflag:$0x0] =	sbarrier.arrive $0xFFFF  }
0xf9: {  	s6 =	rddreg [dreg:$0x4]  }
0xfa: {  	s8 =	rddreg [dreg:$0x5]  }
0xfb: {  	s7 =	rddreg [dreg:$0x7]  }
0xfc: {  	[hbm:s8], [sflag:s6] =	dma.local [spmem:s7], $0x2800  }
0xfd: {  	_ =	swait.ge [sflag:s12], $0x2800  }
0xfe: {  	s0 =	sadd.s32 $0x1, s0;
	s11 =	rddreg [dreg:$0x6]  }
0xff: {  	p0 =	sne.s32 s0, s11  }
.Ltmp1:
0x100: {  	_ = 	snop;
	(pc) =	sbr.rel @p0 .LBB2_1-.Ltmp1, $3  }
0x101: {  	_ =	sdelay $0x1  }
0x102: {  	[sflag:s12] =	ssyncset.done $0x0  }
0x103: {  	[sflag:s12] =	ssyncadd.s32 $0xFFFFD800  }
0x104: {  	_ =	sfence.sel $0x180000  }
0x105: {  	[bflag:$0x0] =	sbarrier.arrive $0xFFFF  }
0x106: {  	_ =	strace $0x9000004A  }
0x107: {  	s0 =	stileid.u32;
	[bflag:$0x2] =	sbarrier.arrive $0xFFFF  }
0x108: {  	p0 =	sne.s32 s0, $0x0;
	s0 =	rddreg [dreg:$0x2]  }
0x109: {  	s0 =	sadd.s32 @!p0 $0x100000, s0  }
0x10a: {  	[sflag:s0] =	ssyncadd.tile.s32 @!p0 $0x1;
	_ =	shalt  }
.Lfunc_end2:
_tile_overlayer_lowered:
.L_overlay_start_2:
0x10b: {  	(tag) =	ssettag $0x2  }
0x10c: {  	s0 =	rddreg [dreg:$0x0];
	s2 =	stileid.u32  }
0x10d: {  	s1 =	rddreg [dreg:$0x1];
	p0 =	sne.s32 s2, $0x0  }
0x10e: {  	s3 =	rddreg [dreg:$0x2];
	[bflag:$0x3] =	sbarrier.arrive $0xFFFF;
	s2 =	simm.s32 @!p0 $0x1C03  }
0x10f: {  	[timem:s3], [sflag:s2] =	dma.local @!p0 [hbm:s0], s1  }
0x110: {  	s0 =	simm.s32 @!p0 $0x3  }
0x111: {  	_ =	swait.ge @!p0 [sflag:s0], s1  }
0x112: {  	s1 =	ssub.s32 @!p0 $0x0, s1;
	[sflag:s0] =	ssyncset.done @!p0 $0x0  }
0x113: {  	[sflag:s0] =	ssyncadd.s32 @!p0 s1  }
0x114: {  	[bflag:$0x3] =	sbarrier.arrive $0xFFFF  }
0x115: {  	_ =	shalt  }

// kernel: kernel.17.cloned.1.call-start
scs
__scs_entry_jumppad:
0x0: {  	(pc) =	sbr.rel $0x88, $3  }
0x1: {  	(tag) =	ssettag $0x0;
	lr =	simm.s32 $0x1  }
0x2: {  	[smem:$0x3F94] =	sst lr;
	_ =	strace $0xD0000000  }
0x3: {  	_ = 	snop  }
0x4: {  	_ = 	snop  }
0x5: {  	_ = 	snop  }
0x6: {  	_ = 	snop  }
0x7: {  	_ = 	snop  }
__scs_overlays_trampoline_lowered:
0x8: {  	[smem:$0x3FA3] =	sst s0  }
0x9: {  	[smem:$0x3FA4] =	sst s1  }
0xa: {  	[smem:$0x3FA5] =	sst s2  }
0xb: {  	[smem:$0x3FA6] =	sst s3  }
0xc: {  	[smem:$0x3FA7] =	sst s4  }
0xd: {  	[smem:$0x3FA8] =	sst s5  }
0xe: {  	[smem:$0x3FA9] =	sst s6  }
0xf: {  	[smem:$0x3FAA] =	sst s7  }
0x10: {  	[smem:$0x3FAB] =	sst s8  }
0x11: {  	[smem:$0x3FAC] =	sst s9;
	s0 =	simm.s32 @!p0 $0x0  }
0x12: {  	s1 =	sld [smem:$0x3F92];
	s0 =	simm.s32 @p0 $0x1  }
0x13: {  	[smem:$0x3FAD] =	sst s0;
	s0 =	simm.s32 @!p1 $0x0  }
0x14: {  	s2 =	sld [smem:$0x3F91];
	s0 =	simm.s32 @p1 $0x1  }
0x15: {  	[smem:$0x3FAE] =	sst s0;
	s0 =	simm.s32 @!p2 $0x0  }
0x16: {  	s3 =	sld [smem:$0x3FDB];
	s0 =	simm.s32 @p2 $0x1  }
0x17: {  	s4 =	simm.s32 $0x1BF5;
	[smem:$0x3FB0] =	sst s0  }
0x18: {  	s0 =	sld [smem:$0x3F93];
	_ =	swait.ge [sflag:s4], $0x0  }
0x19: {  	s7 =	sld [smem:$0x3F94]  }
0x1a: {  	s8 =	sadd.s32 $0xFFFFE003, lr  }
0x1b: {  	s9 =	sadd.s32 $0xFFFFFEF7, lr;
	s5 =	simm.s32 $0xFFFFFFFF;
	p2 =	slt.u32 s8, $0xFFFFF086  }
0x1c: {  	p1 =	slt.u32 s9, $0xF7A;
	s5 =	simm.s32 @!p2 $0x0  }
0x1d: {  	s5 =	simm.s32 @p1 $0x1;
	p0 =	seq.s32 s7, s2  }
0x1e: {  	s7 =	smul.u32 @!p0 $0xF7A, s2;
	p2 =	seq.s32 @!p0 s5, $0x0  }
0x1f: {  	s9 =	smul.u32 $0xF7A, s1;
	s8 =	simm.s32 @!p0 $0x1BF5;
	p2 =	por !p2, p0  }
0x20: {  	[sflag:s8] =	ssyncset.s32 @!p0 $0xFFFFF086;
	s6 =	sadd.s32 @!p0 s3, s7;
	s7 =	simm.s32 @!p0 $0x108  }
0x21: {  	s3 =	sadd.s32 s3, s9;
	s6 =	sadd.s32 @!p0 $0x88, s6;
	s7 =	simm.s32 @p2 $0x1082  }
0x22: {  	[simem:s7], [sflag:s8] =	dma.local @!p0 [hbm:s6], $0xF7A  }
0x23: {  	s9 =	sor.u32 $0xD0000000, s2;
	s6 =	simm.s32 $0x108;
	_ =	swait.ge @!p0 [sflag:s8], $0x0  }
0x24: {  	s3 =	sadd.s32 $0x88, s3;
	s6 =	simm.s32 @!p1 $0x1082;
	[sflag:s4] =	ssyncset.s32 $0xFFFFF086  }
0x25: {  	[simem:s6], [sflag:s4] =	dma.local [hbm:s3], $0xF7A  }
0x26: {  	[smem:$0x3F94] =	sst s1;
	(tag) =	ssettag s2;
	_ =	strace s9  }
0x27: {  	s1 =	sld [smem:$0x3FA4]  }
0x28: {  	s2 =	sld [smem:$0x3FA5]  }
0x29: {  	s4 =	sld [smem:$0x3FA7]  }
0x2a: {  	p0 =	seq.s32 s5, $0x0;
	s5 =	sld [smem:$0x3FA8]  }
0x2b: {  	s6 =	sld [smem:$0x3FA9]  }
0x2c: {  	s7 =	sld [smem:$0x3FAA]  }
0x2d: {  	s3 =	simm.s32 $0x108;
	s8 =	sld [smem:$0x3FAB]  }
0x2e: {  	s3 =	simm.s32 @!p0 $0x1082;
	s9 =	sld [smem:$0x3FAC]  }
0x2f: {  	lr =	sadd.s32 s0, s3;
	s0 =	sld [smem:$0x3FA3]  }
0x30: {  	s3 =	sld [smem:$0x3FA6]  }
0x31: {  	[smem:$0x3FAF] =	sst s10  }
0x32: {  	s10 =	sld [smem:$0x3FAD];
	_ =	sdelay $0x3  }
0x33: {  	p0 =	seq.s32 s10, $0x1;
	s10 =	sld [smem:$0x3FAF];
	_ =	sdelay $0x3  }
0x34: {  	[smem:$0x3FAF] =	sst s10  }
0x35: {  	s10 =	sld [smem:$0x3FAE];
	_ =	sdelay $0x3  }
0x36: {  	p1 =	seq.s32 s10, $0x1;
	s10 =	sld [smem:$0x3FAF];
	_ =	sdelay $0x3  }
0x37: {  	[smem:$0x3FAF] =	sst s10  }
0x38: {  	s10 =	sld [smem:$0x3FB0]  }
0x39: {  	_ = 	snop;
	(pc) =	sbr.ind lr, $3  }
0x3a: {  	_ = 	snop  }
0x3b: {  	_ = 	snop  }
0x3c: {  	p2 =	seq.s32 s10, $0x1;
	s10 =	sld [smem:$0x3FAF]  }
0x3d: {  	_ =	shalt  }
0x3e: {  	_ =	shalt  }
0x3f: {  	_ =	shalt  }
0x40: {  	_ =	shalt  }
0x41: {  	_ =	shalt  }
0x42: {  	_ =	shalt  }
0x43: {  	_ =	shalt  }
0x44: {  	_ =	shalt  }
0x45: {  	_ =	shalt  }
0x46: {  	_ =	shalt  }
0x47: {  	_ =	shalt  }
0x48: {  	_ =	shalt  }
0x49: {  	_ =	shalt  }
0x4a: {  	_ =	shalt  }
0x4b: {  	_ =	shalt  }
0x4c: {  	_ =	shalt  }
0x4d: {  	_ =	shalt  }
0x4e: {  	_ =	shalt  }
0x4f: {  	_ =	shalt  }
0x50: {  	_ =	shalt  }
0x51: {  	_ =	shalt  }
0x52: {  	_ =	shalt  }
0x53: {  	_ =	shalt  }
0x54: {  	_ =	shalt  }
0x55: {  	_ =	shalt  }
0x56: {  	_ =	shalt  }
0x57: {  	_ =	shalt  }
0x58: {  	_ =	shalt  }
0x59: {  	_ =	shalt  }
0x5a: {  	_ =	shalt  }
0x5b: {  	_ =	shalt  }
0x5c: {  	_ =	shalt  }
0x5d: {  	_ =	shalt  }
0x5e: {  	_ =	shalt  }
0x5f: {  	_ =	shalt  }
0x60: {  	_ =	shalt  }
0x61: {  	_ =	shalt  }
0x62: {  	_ =	shalt  }
0x63: {  	_ =	shalt  }
0x64: {  	_ =	shalt  }
0x65: {  	_ =	shalt  }
0x66: {  	_ =	shalt  }
0x67: {  	_ =	shalt  }
0x68: {  	_ =	shalt  }
0x69: {  	_ =	shalt  }
0x6a: {  	_ =	shalt  }
0x6b: {  	_ =	shalt  }
0x6c: {  	_ =	shalt  }
0x6d: {  	_ =	shalt  }
0x6e: {  	_ =	shalt  }
0x6f: {  	_ =	shalt  }
0x70: {  	_ =	shalt  }
0x71: {  	_ =	shalt  }
0x72: {  	_ =	shalt  }
0x73: {  	_ =	shalt  }
0x74: {  	_ =	shalt  }
0x75: {  	_ =	shalt  }
0x76: {  	_ =	shalt  }
0x77: {  	_ =	shalt  }
0x78: {  	_ =	shalt  }
0x79: {  	_ =	shalt  }
0x7a: {  	_ =	shalt  }
0x7b: {  	_ =	shalt  }
0x7c: {  	_ =	shalt  }
0x7d: {  	_ =	shalt  }
0x7e: {  	_ =	shalt  }
0x7f: {  	_ =	shalt  }
0x80: {  	_ =	shalt  }
0x81: {  	_ =	shalt  }
0x82: {  	_ =	shalt  }
0x83: {  	_ =	shalt  }
0x84: {  	_ =	shalt  }
0x85: {  	_ =	shalt  }
0x86: {  	_ =	shalt  }
0x87: {  	_ =	shalt  }
.Lfunc_end0:
.L_simem_size_0:
called_computation.2_lowered:
.L_overlay_start_0:
0x88: {  	s2 =	sld [smem:$0x3FD9]  }
0x89: {  	s3 =	sld [smem:$0x3FFE];
	_ =	sdelay $0x1  }
0x8a: {  	s1 =	srdreg.scid  }
0x8b: {  	s0 =	sand.u32 $0x1, s1  }
0x8c: {  	s16 =	sshll.u32 s0, $0xA;
	s2 =	sadd.s32 s3, s2  }
0x8d: {  	s2 =	sadd.s32 s2, s16  }
0x8e: {  	[smem:$0x3FBB] =	sst s2  }
0x8f: {  	_ = 	snop  }
0x90: {  	(tm) =	ssettm $0x1  }
0x91: {  	s17 =	sld [smem:$0x3FFB];
	_ =	sdelay $0x3  }
0x92: {  	_ =	strace s17  }
0x93: {  	s2 =	sld [smem:$0x3FFC];
	_ =	sdelay $0x3  }
0x94: {  	_ =	strace s2  }
0x95: {  	s2 =	sld [smem:$0x3FFD];
	_ =	sdelay $0x3  }
0x96: {  	_ =	strace s2  }
0x97: {  	_ =	strace $0x8FFFFFFF  }
0x98: {  	s18 =	sld [smem:$0x3FDB];
	_ =	sdelay $0x1  }
0x99: {  	s19 =	simm.s32 $_scs_section_size  }
0x9a: {  	s4 =	simm.s32 $_size__tile_overlayer_lowered;
	s5 =	simm.s32 $_tile_overlayer_lowered  }
0x9b: {  	s22 =	simm.s32 $0x1BFF;
	s21 =	sshll.u32 s5, $0x1;
	s2 =	sadd.s32 s19, s18  }
0x9c: {  	s6 =	simm.s32 $0x0;
	s20 =	sshll.u32 s4, $0x1;
	s4 =	sadd.s32 s21, s2  }
0x9d: {  	[timem:s6], [sflag:s22] =	dma.local [hbm:s4], s20  }
0x9e: {  	_ =	swait.ge [sflag:s22], s20  }
0x9f: {  	s3 =	ssub.s32 $0x0, s20;
	[sflag:s22] =	ssyncset.done $0x0  }
0xa0: {  	[sflag:s22] =	ssyncadd.s32 s3;
	_ =	sdelay $0x1  }
0xa1: {  	s23 =	simm.s32 $0x1B8B  }
0xa2: {  	_ =	swait.ge [sflag:s23], $0x1  }
0xa3: {  	[sflag:s23] =	ssyncset.done $0x0  }
0xa4: {  	s25 =	simm.s32 $0x1B8E;
	s24 =	sld [smem:$0x3FFE];
	[sflag:s23] =	ssyncadd.s32 $0xFFFFFFFF  }
0xa5: {  	s26 =	simm.s32 $execute0_lowered;
	[smem:$0x3FD2] =	sst s25  }
0xa6: {  	s4 =	sshll.u32 s26, $0x1;
	_ =	strace $0x8000004C;
	[dreg:$0x1] =	wrdreg $0xFFFFFFFF  }
0xa7: {  	s28 =	simm.s32 $_size_execute0_lowered;
	s2 =	sadd.s32 s2, s4;
	[dreg:$0x0] =	wrdreg $0x0  }
0xa8: {  	s4 =	sshll.u32 s28, $0x1;
	[dreg:$0x2] =	wrdreg s2  }
0xa9: {  	[dreg:$0x3] =	wrdreg s4  }
0xaa: {  	[dreg:$0x4] =	wrdreg $0xC0  }
0xab: {  	_ =	task [dreg:s6], $0x5FFFF  }
0xac: {  	[dreg:$0x1] =	wrdreg $0xFFFFFFFF  }
0xad: {  	[dreg:$0x0] =	wrdreg $0x60  }
0xae: {  	[dreg:$0x2] =	wrdreg s24  }
0xaf: {  	[dreg:$0x3] =	wrdreg $0x88000  }
0xb0: {  	[dreg:$0x4] =	wrdreg $0x9  }
0xb1: {  	_ =	task.clear_ibuf [dreg:s6], $0x5FFFF;
	_ =	strace $0x9000004C  }
0xb2: {  	s29 =	simm.s32 $0x9;
	_ =	strace $0x8000004E  }
0xb3: {  	_ =	swait.ge [sflag:s29], $0x1  }
0xb4: {  	[sflag:s29] =	ssyncadd.s32 $0xFFFFFFFF  }
0xb5: {  	_ =	strace $0x9000004E  }
0xb6: {  	_ =	sfence  }
0xb7: {  	s30 =	sld [smem:$0x0];
	_ =	sdelay $0x2  }
0xb8: {  	s31 =	sshll.u32 s1, $0xD;
	s1 =	sshrl.u32 s1, $0x2  }
0xb9: {  	s3 =	sand.u32 $0x4000, s31;
	s1 =	sadd.s32 s1, s30  }
0xba: {  	s0 =	sor.u32 s3, s0;
	s1 =	sshll.u32 s1, $0x11  }
0xbb: {  	s0 =	sor.u32 s1, s0  }
0xbc: {  	s0 =	sadd.s32 $0x8F2B, s0  }
0xbd: {  	[sflag:s0] =	ssyncadd.remote.s32 $0x1  }
0xbe: {  	_ =	sfence.sel $0xFFFF  }
0xbf: {  	[dreg:$0x0] =	wrdreg $0xFFFFFFFF;
	(pc) =	sbr.abs _section_cstart, $3  }
0xc0: {  	[dreg:$0x1] =	wrdreg $0xFFFFFFFF  }
0xc1: {  	_ =	task.clear_ibuf [dreg:s6], $0x2FFFF;
	_ =	strace $0x9FFFFFFF  }
0xc2: {  	(tm) =	ssettm $0x7FFFFFFF  }
0xc3: {  	_ =	shalt  }
tec
execute0_lowered:
.L_overlay_start_1:
0x0: {  	(tag) =	ssettag $0x1  }
0x1: {  	s0 =	srdreg.scid;
	s1 =	rddreg [dreg:$0x0]  }
0x2: {  	s10 =	stileid.u32;
	s2 =	rddreg [dreg:$0x1]  }
0x3: {  	s3 =	simm.s32 $0x0;
	s12 =	simm.s32 $0x3;
	s13 =	simm.s32 $0x400  }
0x4: {  	s14 =	simm.s32 $0x80;
	s15 =	simm.s32 $0x800;
	s16 =	simm.s32 $0x4800  }
0x5: {  	s17 =	simm.s32 $0x1;
	s18 =	simm.s32 $0x100;
	s19 =	simm.s32 $0x2  }
0x6: {  	s20 =	simm.s32 $0x480;
	s21 =	simm.s32 $0x180;
	s4 =	smul.u32 $0x5000, s10  }
0x7: {  	s28 =	simm.s32 $0x300;
	s29 =	simm.s32 $0x680;
	s22 =	smul.u32 $0x14000, s10  }
0x8: {  	s30 =	simm.s32 $0x380;
	s0 =	sand.u32 $0x1, s0;
	s24 =	smul.u32 $0x50000, s10  }
0x9: {  	s31 =	simm.s32 $0x700;
	[smem:$0x7FF] =	sst s3;
	s5 =	smul.u32 $0x2800, s0  }
0xa: {  	s26 =	sshll.u32 s10, $0x6;
	s7 =	smul.u32 $0x140000, s0;
	s0 =	ssub.s32 $0x2, s0  }
0xb: {  	_ =	strace $0x8000004D;
	s23 =	sshrl.u32 s22, $0x3;
	s9 =	sshrl.u32 s0, $0x1  }
0xc: {  	s25 =	sshrl.u32 s24, $0x2;
	s24 =	simm.s32 $0x580;
	s4 =	sadd.s32 s5, s4  }
0xd: {  	s5 =	sadd.s32 s22, s7;
	s0 =	ssub.s32 s0, s9;
	s22 =	simm.s32 $0x500  }
0xe: {  	s6 =	sshrl.u32 s4, $0x3;
	s4 =	sadd.s32 $0x37600, s1;
	s5 =	sshrl.u32 s5, $0x3  }
0xf: {  	s0 =	smax.u32 s0, $0x1;
	s8 =	sadd.s32 s6, s1;
	s6 =	sadd.s32 s23, s1  }
0x10: {  	s1 =	sadd.s32 s5, s1;
	s5 =	sadd.s32 s25, s2;
	[dreg:$0x6] =	wrdreg s0  }
0x11: {  	s23 =	simm.s32 $0x200;
	s25 =	simm.s32 $0x280;
	s6 =	sadd.s32 $0xF600, s6  }
0x12: {  	s0 =	simm.s32 $0x0;
	s1 =	sadd.s32 $0x91E00, s1;
	[dreg:$0x3] =	wrdreg s6  }
0x13: {  	s9 =	sadd.s32 $0x5600, s8;
	s7 =	sshrl.u32 s5, $0x3;
	[dreg:$0x5] =	wrdreg s1  }
0x14: {  	s10 =	sadd.s32 $0x87E00, s8;
	s6 =	sor.u32 $0x1C03, s26;
	[dreg:$0x7] =	wrdreg s7  }
0x15: {  	s26 =	simm.s32 $0x600;
	s1 =	simm.s32 $0x780;
	[dreg:$0x4] =	wrdreg s6  }
.LBB2_1:
0x16: {  	s5 =	rddreg [dreg:$0x3]  }
0x17: {  	[spmem:s7], [sflag:s6] =	dma.local [hbm:s5], $0x2800  }
0x18: {  	_ =	swait.ge [sflag:s12], $0x2800  }
0x19: {  	[sflag:s12] =	ssyncset.done $0x0  }
0x1a: {  	[sflag:s12] =	ssyncadd.s32 $0xFFFFD800  }
0x1b: {  	s8 =	sadd.s32 $0x0, s10;
	[bflag:$0x0] =	sbarrier.arrive $0xFFFF  }
0x1c: {  	[tilespmem:s3], [sflag:$0x3] =	stream.linear.gather [hbm4b:s8+s3], $0x400, $0x38;
	[tilespmem:$0x1C800] =	vst v63  }
0x1d: {  	_ =	swait.ge [sflag:s12], $0x400  }
0x1e: {  	[sflag:s12] =	ssyncset.done $0x0  }
0x1f: {  	s11 =	sadd.s32 $0x0, s9;
	[sflag:s12] =	ssyncadd.s32 $0xFFFFFC00  }
0x20: {  	[tilespmem:s13], [sflag:$0x3] =	stream.linear.gather [hbm4b:s11+s3], $0x400, $0x38;
	[tilespmem:$0x1C800] =	vst v63  }
0x21: {  	_ =	swait.ge [sflag:s12], $0x400  }
0x22: {  	[sflag:s12] =	ssyncset.done $0x0  }
0x23: {  	[sflag:s12] =	ssyncadd.s32 $0xFFFFFC00  }
0x24: {  	[tilespmem:s15], [sflag:$0x1] =	stream.indirect.gather [hbm4b:s4+s14], $0x80, s3, s14, $0xb8;
	[tilespmem:$0x1C800] =	vst v63  }
0x25: {  	_ = 	snop  }
0x26: {  	[tilespmem:s16], [sflag:$0x2] =	stream.indirect.gather [hbm4b:s4+s14], $0x80, s14, s14, $0xb8;
	[tilespmem:$0x1C800] =	vst v63  }
0x27: {  	_ =	swait.ge [sflag:s17], $0x4000  }
0x28: {  	[sflag:s17] =	ssyncset.done $0x0  }
0x29: {  	[sflag:s17] =	ssyncadd.s32 $0xFFFFC000  }
0x2a: {  	[spmem:s2] =	stream.indirect.scatter.add.f32 [tilespmem:s15], [sflag:$0x3], $0x80, s13, s14, $0xb8;
	[tilespmem:$0x1C800] =	vst v63  }
0x2b: {  	_ =	swait.ge [sflag:s12], $0x4000  }
0x2c: {  	[sflag:s12] =	ssyncset.done $0x0  }
0x2d: {  	[sflag:s12] =	ssyncadd.s32 $0xFFFFC000  }
0x2e: {  	[tilespmem:s15], [sflag:$0x1] =	stream.indirect.gather [hbm4b:s4+s14], $0x80, s18, s14, $0xb8;
	[tilespmem:$0x1C800] =	vst v63  }
0x2f: {  	_ =	swait.ge [sflag:s19], $0x4000  }
0x30: {  	[sflag:s19] =	ssyncset.done $0x0  }
0x31: {  	[sflag:s19] =	ssyncadd.s32 $0xFFFFC000  }
0x32: {  	[spmem:s2] =	stream.indirect.scatter.add.f32 [tilespmem:s16], [sflag:$0x3], $0x80, s20, s14, $0xb8;
	[tilespmem:$0x1C800] =	vst v63  }
0x33: {  	_ =	swait.ge [sflag:s12], $0x4000  }
0x34: {  	[sflag:s12] =	ssyncset.done $0x0  }
0x35: {  	[sflag:s12] =	ssyncadd.s32 $0xFFFFC000  }
0x36: {  	[tilespmem:s16], [sflag:$0x2] =	stream.indirect.gather [hbm4b:s4+s14], $0x80, s21, s14, $0xb8;
	[tilespmem:$0x1C800] =	vst v63  }
0x37: {  	_ =	swait.ge [sflag:s17], $0x4000  }
0x38: {  	[sflag:s17] =	ssyncset.done $0x0  }
0x39: {  	[sflag:s17] =	ssyncadd.s32 $0xFFFFC000  }
0x3a: {  	[spmem:s2] =	stream.indirect.scatter.add.f32 [tilespmem:s15], [sflag:$0x3], $0x80, s22, s14, $0xb8;
	[tilespmem:$0x1C800] =	vst v63  }
0x3b: {  	_ =	swait.ge [sflag:s12], $0x4000  }
0x3c: {  	[sflag:s12] =	ssyncset.done $0x0  }
0x3d: {  	[sflag:s12] =	ssyncadd.s32 $0xFFFFC000  }
0x3e: {  	[tilespmem:s15], [sflag:$0x1] =	stream.indirect.gather [hbm4b:s4+s14], $0x80, s23, s14, $0xb8;
	[tilespmem:$0x1C800] =	vst v63  }
0x3f: {  	_ =	swait.ge [sflag:s19], $0x4000  }
0x40: {  	[sflag:s19] =	ssyncset.done $0x0  }
0x41: {  	[sflag:s19] =	ssyncadd.s32 $0xFFFFC000  }
0x42: {  	[spmem:s2] =	stream.indirect.scatter.add.f32 [tilespmem:s16], [sflag:$0x3], $0x80, s24, s14, $0xb8;
	[tilespmem:$0x1C800] =	vst v63  }
0x43: {  	_ =	swait.ge [sflag:s12], $0x4000  }
0x44: {  	[sflag:s12] =	ssyncset.done $0x0  }
0x45: {  	[sflag:s12] =	ssyncadd.s32 $0xFFFFC000  }
0x46: {  	[tilespmem:s16], [sflag:$0x2] =	stream.indirect.gather [hbm4b:s4+s14], $0x80, s25, s14, $0xb8;
	[tilespmem:$0x1C800] =	vst v63  }
0x47: {  	_ =	swait.ge [sflag:s17], $0x4000  }
0x48: {  	[sflag:s17] =	ssyncset.done $0x0  }
0x49: {  	[sflag:s17] =	ssyncadd.s32 $0xFFFFC000  }
0x4a: {  	[spmem:s2] =	stream.indirect.scatter.add.f32 [tilespmem:s15], [sflag:$0x3], $0x80, s26, s14, $0xb8;
	[tilespmem:$0x1C800] =	vst v63  }
0x4b: {  	_ =	swait.ge [sflag:s12], $0x4000  }
0x4c: {  	[sflag:s12] =	ssyncset.done $0x0  }
0x4d: {  	[sflag:s12] =	ssyncadd.s32 $0xFFFFC000  }
0x4e: {  	[tilespmem:s15], [sflag:$0x1] =	stream.indirect.gather [hbm4b:s4+s14], $0x80, s28, s14, $0xb8;
	[tilespmem:$0x1C800] =	vst v63  }
0x4f: {  	_ =	swait.ge [sflag:s19], $0x4000  }
0x50: {  	[sflag:s19] =	ssyncset.done $0x0  }
0x51: {  	[sflag:s19] =	ssyncadd.s32 $0xFFFFC000  }
0x52: {  	[spmem:s2] =	stream.indirect.scatter.add.f32 [tilespmem:s16], [sflag:$0x3], $0x80, s29, s14, $0xb8;
	[tilespmem:$0x1C800] =	vst v63  }
0x53: {  	_ =	swait.ge [sflag:s12], $0x4000  }
0x54: {  	[sflag:s12] =	ssyncset.done $0x0  }
0x55: {  	[sflag:s12] =	ssyncadd.s32 $0xFFFFC000  }
0x56: {  	[tilespmem:s16], [sflag:$0x2] =	stream.indirect.gather [hbm4b:s4+s14], $0x80, s30, s14, $0xb8;
	[tilespmem:$0x1C800] =	vst v63  }
0x57: {  	_ =	swait.ge [sflag:s17], $0x4000  }
0x58: {  	[sflag:s17] =	ssyncset.done $0x0  }
0x59: {  	[sflag:s17] =	ssyncadd.s32 $0xFFFFC000  }
0x5a: {  	[spmem:s2] =	stream.indirect.scatter.add.f32 [tilespmem:s15], [sflag:$0x3], $0x80, s31, s14, $0xb8;
	[tilespmem:$0x1C800] =	vst v63  }
0x5b: {  	_ =	swait.ge [sflag:s12], $0x4000  }
0x5c: {  	[sflag:s12] =	ssyncset.done $0x0  }
0x5d: {  	[sflag:s12] =	ssyncadd.s32 $0xFFFFC000  }
0x5e: {  	_ =	swait.ge [sflag:s19], $0x4000  }
0x5f: {  	[sflag:s19] =	ssyncset.done $0x0  }
0x60: {  	[sflag:s19] =	ssyncadd.s32 $0xFFFFC000  }
0x61: {  	[spmem:s2] =	stream.indirect.scatter.add.f32 [tilespmem:s16], [sflag:$0x3], $0x80, s1, s14, $0xb8;
	[tilespmem:$0x1C800] =	vst v63  }
0x62: {  	_ =	swait.ge [sflag:s12], $0x4000  }
0x63: {  	s5 =	simm.s32 $0x80;
	s7 =	simm.s32 $0x100;
	[sflag:s12] =	ssyncset.done $0x0  }
.LBB2_2:
0x64: {  	s6 =	sadd.s32 s5, s10  }
0x65: {  	[sflag:s12] =	ssyncadd.s32 $0xFFFFC000;
	s11 =	smov.u32 s7;
	s8 =	sadd.s32 $0x80, s7  }
0x66: {  	[tilespmem:s3], [sflag:$0x3] =	stream.linear.gather [hbm4b:s6+s3], $0x400, $0x38;
	[tilespmem:$0x1C800] =	vst v63  }
0x67: {  	p0 =	sne.s32 s7, $0x480;
	_ =	swait.ge [sflag:s12], $0x400  }
0x68: {  	[sflag:s12] =	ssyncset.done $0x0  }
0x69: {  	s6 =	sadd.s32 s5, s9;
	s5 =	smov.u32 s11;
	[sflag:s12] =	ssyncadd.s32 $0xFFFFFC00  }
0x6a: {  	[tilespmem:s13], [sflag:$0x3] =	stream.linear.gather [hbm4b:s6+s3], $0x400, $0x38;
	[tilespmem:$0x1C800] =	vst v63  }
0x6b: {  	_ =	swait.ge [sflag:s12], $0x400  }
0x6c: {  	[sflag:s12] =	ssyncset.done $0x0  }
0x6d: {  	[sflag:s12] =	ssyncadd.s32 $0xFFFFFC00  }
0x6e: {  	[tilespmem:s15], [sflag:$0x1] =	stream.indirect.gather [hbm4b:s4+s14], $0x80, s3, s14, $0xb8;
	[tilespmem:$0x1C800] =	vst v63  }
0x6f: {  	_ = 	snop  }
0x70: {  	[tilespmem:s16], [sflag:$0x2] =	stream.indirect.gather [hbm4b:s4+s14], $0x80, s14, s14, $0xb8;
	[tilespmem:$0x1C800] =	vst v63  }
0x71: {  	_ =	swait.ge [sflag:s17], $0x4000  }
0x72: {  	[sflag:s17] =	ssyncset.done $0x0  }
0x73: {  	[sflag:s17] =	ssyncadd.s32 $0xFFFFC000  }
0x74: {  	[spmem:s2] =	stream.indirect.scatter.add.f32 [tilespmem:s15], [sflag:$0x3], $0x80, s13, s14, $0xb8;
	[tilespmem:$0x1C800] =	vst v63  }
0x75: {  	_ =	swait.ge [sflag:s12], $0x4000  }
0x76: {  	[sflag:s12] =	ssyncset.done $0x0  }
0x77: {  	[sflag:s12] =	ssyncadd.s32 $0xFFFFC000  }
0x78: {  	[tilespmem:s15], [sflag:$0x1] =	stream.indirect.gather [hbm4b:s4+s14], $0x80, s18, s14, $0xb8;
	[tilespmem:$0x1C800] =	vst v63  }
0x79: {  	_ =	swait.ge [sflag:s19], $0x4000  }
0x7a: {  	[sflag:s19] =	ssyncset.done $0x0  }
0x7b: {  	[sflag:s19] =	ssyncadd.s32 $0xFFFFC000  }
0x7c: {  	[spmem:s2] =	stream.indirect.scatter.add.f32 [tilespmem:s16], [sflag:$0x3], $0x80, s20, s14, $0xb8;
	[tilespmem:$0x1C800] =	vst v63  }
0x7d: {  	_ =	swait.ge [sflag:s12], $0x4000  }
0x7e: {  	[sflag:s12] =	ssyncset.done $0x0  }
0x7f: {  	[sflag:s12] =	ssyncadd.s32 $0xFFFFC000  }
0x80: {  	[tilespmem:s16], [sflag:$0x2] =	stream.indirect.gather [hbm4b:s4+s14], $0x80, s21, s14, $0xb8;
	[tilespmem:$0x1C800] =	vst v63  }
0x81: {  	_ =	swait.ge [sflag:s17], $0x4000  }
0x82: {  	[sflag:s17] =	ssyncset.done $0x0  }
0x83: {  	[sflag:s17] =	ssyncadd.s32 $0xFFFFC000  }
0x84: {  	[spmem:s2] =	stream.indirect.scatter.add.f32 [tilespmem:s15], [sflag:$0x3], $0x80, s22, s14, $0xb8;
	[tilespmem:$0x1C800] =	vst v63  }
0x85: {  	_ =	swait.ge [sflag:s12], $0x4000  }
0x86: {  	[sflag:s12] =	ssyncset.done $0x0  }
0x87: {  	[sflag:s12] =	ssyncadd.s32 $0xFFFFC000  }
0x88: {  	[tilespmem:s15], [sflag:$0x1] =	stream.indirect.gather [hbm4b:s4+s14], $0x80, s23, s14, $0xb8;
	[tilespmem:$0x1C800] =	vst v63  }
0x89: {  	_ =	swait.ge [sflag:s19], $0x4000  }
0x8a: {  	[sflag:s19] =	ssyncset.done $0x0  }
0x8b: {  	[sflag:s19] =	ssyncadd.s32 $0xFFFFC000  }
0x8c: {  	[spmem:s2] =	stream.indirect.scatter.add.f32 [tilespmem:s16], [sflag:$0x3], $0x80, s24, s14, $0xb8;
	[tilespmem:$0x1C800] =	vst v63  }
0x8d: {  	_ =	swait.ge [sflag:s12], $0x4000  }
0x8e: {  	[sflag:s12] =	ssyncset.done $0x0  }
0x8f: {  	[sflag:s12] =	ssyncadd.s32 $0xFFFFC000  }
0x90: {  	[tilespmem:s16], [sflag:$0x2] =	stream.indirect.gather [hbm4b:s4+s14], $0x80, s25, s14, $0xb8;
	[tilespmem:$0x1C800] =	vst v63  }
0x91: {  	_ =	swait.ge [sflag:s17], $0x4000  }
0x92: {  	[sflag:s17] =	ssyncset.done $0x0  }
0x93: {  	[sflag:s17] =	ssyncadd.s32 $0xFFFFC000  }
0x94: {  	[spmem:s2] =	stream.indirect.scatter.add.f32 [tilespmem:s15], [sflag:$0x3], $0x80, s26, s14, $0xb8;
	[tilespmem:$0x1C800] =	vst v63  }
0x95: {  	_ =	swait.ge [sflag:s12], $0x4000  }
0x96: {  	[sflag:s12] =	ssyncset.done $0x0  }
0x97: {  	[sflag:s12] =	ssyncadd.s32 $0xFFFFC000  }
0x98: {  	[tilespmem:s15], [sflag:$0x1] =	stream.indirect.gather [hbm4b:s4+s14], $0x80, s28, s14, $0xb8;
	[tilespmem:$0x1C800] =	vst v63  }
0x99: {  	_ =	swait.ge [sflag:s19], $0x4000  }
0x9a: {  	[sflag:s19] =	ssyncset.done $0x0  }
0x9b: {  	[sflag:s19] =	ssyncadd.s32 $0xFFFFC000  }
0x9c: {  	[spmem:s2] =	stream.indirect.scatter.add.f32 [tilespmem:s16], [sflag:$0x3], $0x80, s29, s14, $0xb8;
	[tilespmem:$0x1C800] =	vst v63  }
0x9d: {  	_ =	swait.ge [sflag:s12], $0x4000  }
0x9e: {  	[sflag:s12] =	ssyncset.done $0x0  }
0x9f: {  	[sflag:s12] =	ssyncadd.s32 $0xFFFFC000  }
0xa0: {  	[tilespmem:s16], [sflag:$0x2] =	stream.indirect.gather [hbm4b:s4+s14], $0x80, s30, s14, $0xb8;
	[tilespmem:$0x1C800] =	vst v63  }
0xa1: {  	_ =	swait.ge [sflag:s17], $0x4000  }
0xa2: {  	[sflag:s17] =	ssyncset.done $0x0  }
0xa3: {  	[sflag:s17] =	ssyncadd.s32 $0xFFFFC000  }
0xa4: {  	[spmem:s2] =	stream.indirect.scatter.add.f32 [tilespmem:s15], [sflag:$0x3], $0x80, s31, s14, $0xb8;
	[tilespmem:$0x1C800] =	vst v63  }
0xa5: {  	_ =	swait.ge [sflag:s12], $0x4000  }
0xa6: {  	[sflag:s12] =	ssyncset.done $0x0  }
0xa7: {  	[sflag:s12] =	ssyncadd.s32 $0xFFFFC000  }
0xa8: {  	_ =	swait.ge [sflag:s19], $0x4000  }
.Ltmp0:
0xa9: {  	[sflag:s19] =	ssyncset.done $0x0;
	(pc) =	sbr.rel @p0 .LBB2_2-.Ltmp0, $4  }
0xaa: {  	[sflag:s19] =	ssyncadd.s32 $0xFFFFC000  }
0xab: {  	[spmem:s2] =	stream.indirect.scatter.add.f32 [tilespmem:s16], [sflag:$0x3], $0x80, s1, s14, $0xb8;
	[tilespmem:$0x1C800] =	vst v63  }
0xac: {  	_ =	swait.ge [sflag:s12], $0x4000  }
0xad: {  	s7 =	smov.u32 s8;
	[sflag:s12] =	ssyncset.done $0x0  }
0xae: {  	s6 =	sadd.s32 s5, s10;
	[sflag:s12] =	ssyncadd.s32 $0xFFFFC000  }
0xaf: {  	[tilespmem:s3], [sflag:$0x3] =	stream.linear.gather [hbm4b:s6+s3], $0x400, $0x38;
	[tilespmem:$0x1C800] =	vst v63  }
0xb0: {  	_ =	swait.ge [sflag:s12], $0x400  }
0xb1: {  	[sflag:s12] =	ssyncset.done $0x0  }
0xb2: {  	s7 =	sadd.s32 s5, s9;
	[sflag:s12] =	ssyncadd.s32 $0xFFFFFC00  }
0xb3: {  	[tilespmem:s13], [sflag:$0x3] =	stream.linear.gather [hbm4b:s7+s3], $0x400, $0x38;
	[tilespmem:$0x1C800] =	vst v63  }
0xb4: {  	_ =	swait.ge [sflag:s12], $0x400  }
0xb5: {  	[sflag:s12] =	ssyncset.done $0x0  }
0xb6: {  	[sflag:s12] =	ssyncadd.s32 $0xFFFFFC00  }
0xb7: {  	[tilespmem:s15], [sflag:$0x1] =	stream.indirect.gather [hbm4b:s4+s14], $0x80, s3, s14, $0xb8;
	[tilespmem:$0x1C800] =	vst v63  }
0xb8: {  	_ = 	snop  }
0xb9: {  	[tilespmem:s16], [sflag:$0x2] =	stream.indirect.gather [hbm4b:s4+s14], $0x80, s14, s14, $0xb8;
	[tilespmem:$0x1C800] =	vst v63  }
0xba: {  	_ =	swait.ge [sflag:s17], $0x4000  }
0xbb: {  	[sflag:s17] =	ssyncset.done $0x0  }
0xbc: {  	[sflag:s17] =	ssyncadd.s32 $0xFFFFC000  }
0xbd: {  	[spmem:s2] =	stream.indirect.scatter.add.f32 [tilespmem:s15], [sflag:$0x3], $0x80, s13, s14, $0xb8;
	[tilespmem:$0x1C800] =	vst v63  }
0xbe: {  	_ =	swait.ge [sflag:s12], $0x4000  }
0xbf: {  	[sflag:s12] =	ssyncset.done $0x0  }
0xc0: {  	[sflag:s12] =	ssyncadd.s32 $0xFFFFC000  }
0xc1: {  	[tilespmem:s15], [sflag:$0x1] =	stream.indirect.gather [hbm4b:s4+s14], $0x80, s18, s14, $0xb8;
	[tilespmem:$0x1C800] =	vst v63  }
0xc2: {  	_ =	swait.ge [sflag:s19], $0x4000  }
0xc3: {  	[sflag:s19] =	ssyncset.done $0x0  }
0xc4: {  	[sflag:s19] =	ssyncadd.s32 $0xFFFFC000  }
0xc5: {  	[spmem:s2] =	stream.indirect.scatter.add.f32 [tilespmem:s16], [sflag:$0x3], $0x80, s20, s14, $0xb8;
	[tilespmem:$0x1C800] =	vst v63  }
0xc6: {  	_ =	swait.ge [sflag:s12], $0x4000  }
0xc7: {  	[sflag:s12] =	ssyncset.done $0x0  }
0xc8: {  	[sflag:s12] =	ssyncadd.s32 $0xFFFFC000  }
0xc9: {  	[tilespmem:s16], [sflag:$0x2] =	stream.indirect.gather [hbm4b:s4+s14], $0x80, s21, s14, $0xb8;
	[tilespmem:$0x1C800] =	vst v63  }
0xca: {  	_ =	swait.ge [sflag:s17], $0x4000  }
0xcb: {  	[sflag:s17] =	ssyncset.done $0x0  }
0xcc: {  	[sflag:s17] =	ssyncadd.s32 $0xFFFFC000  }
0xcd: {  	[spmem:s2] =	stream.indirect.scatter.add.f32 [tilespmem:s15], [sflag:$0x3], $0x80, s22, s14, $0xb8;
	[tilespmem:$0x1C800] =	vst v63  }
0xce: {  	_ =	swait.ge [sflag:s12], $0x4000  }
0xcf: {  	[sflag:s12] =	ssyncset.done $0x0  }
0xd0: {  	[sflag:s12] =	ssyncadd.s32 $0xFFFFC000  }
0xd1: {  	[tilespmem:s15], [sflag:$0x1] =	stream.indirect.gather [hbm4b:s4+s14], $0x80, s23, s14, $0xb8;
	[tilespmem:$0x1C800] =	vst v63  }
0xd2: {  	_ =	swait.ge [sflag:s19], $0x4000  }
0xd3: {  	[sflag:s19] =	ssyncset.done $0x0  }
0xd4: {  	[sflag:s19] =	ssyncadd.s32 $0xFFFFC000  }
0xd5: {  	[spmem:s2] =	stream.indirect.scatter.add.f32 [tilespmem:s16], [sflag:$0x3], $0x80, s24, s14, $0xb8;
	[tilespmem:$0x1C800] =	vst v63  }
0xd6: {  	_ =	swait.ge [sflag:s12], $0x4000  }
0xd7: {  	[sflag:s12] =	ssyncset.done $0x0  }
0xd8: {  	[sflag:s12] =	ssyncadd.s32 $0xFFFFC000  }
0xd9: {  	[tilespmem:s16], [sflag:$0x2] =	stream.indirect.gather [hbm4b:s4+s14], $0x80, s25, s14, $0xb8;
	[tilespmem:$0x1C800] =	vst v63  }
0xda: {  	_ =	swait.ge [sflag:s17], $0x4000  }
0xdb: {  	[sflag:s17] =	ssyncset.done $0x0  }
0xdc: {  	[sflag:s17] =	ssyncadd.s32 $0xFFFFC000  }
0xdd: {  	[spmem:s2] =	stream.indirect.scatter.add.f32 [tilespmem:s15], [sflag:$0x3], $0x80, s26, s14, $0xb8;
	[tilespmem:$0x1C800] =	vst v63  }
0xde: {  	_ =	swait.ge [sflag:s12], $0x4000  }
0xdf: {  	[sflag:s12] =	ssyncset.done $0x0  }
0xe0: {  	[sflag:s12] =	ssyncadd.s32 $0xFFFFC000  }
0xe1: {  	[tilespmem:s15], [sflag:$0x1] =	stream.indirect.gather [hbm4b:s4+s14], $0x80, s28, s14, $0xb8;
	[tilespmem:$0x1C800] =	vst v63  }
0xe2: {  	_ =	swait.ge [sflag:s19], $0x4000  }
0xe3: {  	[sflag:s19] =	ssyncset.done $0x0  }
0xe4: {  	[sflag:s19] =	ssyncadd.s32 $0xFFFFC000  }
0xe5: {  	[spmem:s2] =	stream.indirect.scatter.add.f32 [tilespmem:s16], [sflag:$0x3], $0x80, s29, s14, $0xb8;
	[tilespmem:$0x1C800] =	vst v63  }
0xe6: {  	_ =	swait.ge [sflag:s12], $0x4000  }
0xe7: {  	[sflag:s12] =	ssyncset.done $0x0  }
0xe8: {  	[sflag:s12] =	ssyncadd.s32 $0xFFFFC000  }
0xe9: {  	[tilespmem:s16], [sflag:$0x2] =	stream.indirect.gather [hbm4b:s4+s14], $0x80, s30, s14, $0xb8;
	[tilespmem:$0x1C800] =	vst v63  }
0xea: {  	_ =	swait.ge [sflag:s17], $0x4000  }
0xeb: {  	[sflag:s17] =	ssyncset.done $0x0  }
0xec: {  	[sflag:s17] =	ssyncadd.s32 $0xFFFFC000  }
0xed: {  	[spmem:s2] =	stream.indirect.scatter.add.f32 [tilespmem:s15], [sflag:$0x3], $0x80, s31, s14, $0xb8;
	[tilespmem:$0x1C800] =	vst v63  }
0xee: {  	_ =	swait.ge [sflag:s12], $0x4000  }
0xef: {  	[sflag:s12] =	ssyncset.done $0x0  }
0xf0: {  	[sflag:s12] =	ssyncadd.s32 $0xFFFFC000  }
0xf1: {  	_ =	swait.ge [sflag:s19], $0x4000  }
0xf2: {  	[sflag:s19] =	ssyncset.done $0x0  }
0xf3: {  	[sflag:s19] =	ssyncadd.s32 $0xFFFFC000  }
0xf4: {  	[spmem:s2] =	stream.indirect.scatter.add.f32 [tilespmem:s16], [sflag:$0x3], $0x80, s1, s14, $0xb8;
	[tilespmem:$0x1C800] =	vst v63  }
0xf5: {  	_ =	swait.ge [sflag:s12], $0x4000  }
0xf6: {  	[sflag:s12] =	ssyncset.done $0x0  }
0xf7: {  	[sflag:s12] =	ssyncadd.s32 $0xFFFFC000  }
0xf8: {  	[bflag:$0x0] =	sbarrier.arrive $0xFFFF  }
0xf9: {  	s6 =	rddreg [dreg:$0x4]  }
0xfa: {  	s8 =	rddreg [dreg:$0x5]  }
0xfb: {  	s7 =	rddreg [dreg:$0x7]  }
0xfc: {  	[hbm:s8], [sflag:s6] =	dma.local [spmem:s7], $0x2800  }
0xfd: {  	_ =	swait.ge [sflag:s12], $0x2800  }
0xfe: {  	s0 =	sadd.s32 $0x1, s0;
	s11 =	rddreg [dreg:$0x6]  }
0xff: {  	p0 =	sne.s32 s0, s11  }
.Ltmp1:
0x100: {  	_ = 	snop;
	(pc) =	sbr.rel @p0 .LBB2_1-.Ltmp1, $3  }
0x101: {  	_ =	sdelay $0x1  }
0x102: {  	[sflag:s12] =	ssyncset.done $0x0  }
0x103: {  	[sflag:s12] =	ssyncadd.s32 $0xFFFFD800  }
0x104: {  	_ =	sfence.sel $0x180000  }
0x105: {  	[bflag:$0x0] =	sbarrier.arrive $0xFFFF  }
0x106: {  	_ =	strace $0x9000004D  }
0x107: {  	s0 =	stileid.u32;
	[bflag:$0x2] =	sbarrier.arrive $0xFFFF  }
0x108: {  	p0 =	sne.s32 s0, $0x0;
	s0 =	rddreg [dreg:$0x2]  }
0x109: {  	s0 =	sadd.s32 @!p0 $0x100000, s0  }
0x10a: {  	[sflag:s0] =	ssyncadd.tile.s32 @!p0 $0x1;
	_ =	shalt  }
.Lfunc_end2:
_tile_overlayer_lowered:
.L_overlay_start_2:
0x10b: {  	(tag) =	ssettag $0x2  }
0x10c: {  	s0 =	rddreg [dreg:$0x0];
	s2 =	stileid.u32  }
0x10d: {  	s1 =	rddreg [dreg:$0x1];
	p0 =	sne.s32 s2, $0x0  }
0x10e: {  	s3 =	rddreg [dreg:$0x2];
	[bflag:$0x3] =	sbarrier.arrive $0xFFFF;
	s2 =	simm.s32 @!p0 $0x1C03  }
0x10f: {  	[timem:s3], [sflag:s2] =	dma.local @!p0 [hbm:s0], s1  }
0x110: {  	s0 =	simm.s32 @!p0 $0x3  }
0x111: {  	_ =	swait.ge @!p0 [sflag:s0], s1  }
0x112: {  	s1 =	ssub.s32 @!p0 $0x0, s1;
	[sflag:s0] =	ssyncset.done @!p0 $0x0  }
0x113: {  	[sflag:s0] =	ssyncadd.s32 @!p0 s1  }
0x114: {  	[bflag:$0x3] =	sbarrier.arrive $0xFFFF  }
0x115: {  	_ =	shalt  }

// kernel: kernel.20.cloned.1.call-start
scs
__scs_entry_jumppad:
0x0: {  	(pc) =	sbr.rel $0x88, $3  }
0x1: {  	(tag) =	ssettag $0x0;
	lr =	simm.s32 $0x1  }
0x2: {  	[smem:$0x3F94] =	sst lr;
	_ =	strace $0xD0000000  }
0x3: {  	_ = 	snop  }
0x4: {  	_ = 	snop  }
0x5: {  	_ = 	snop  }
0x6: {  	_ = 	snop  }
0x7: {  	_ = 	snop  }
__scs_overlays_trampoline_lowered:
0x8: {  	[smem:$0x3FA3] =	sst s0  }
0x9: {  	[smem:$0x3FA4] =	sst s1  }
0xa: {  	[smem:$0x3FA5] =	sst s2  }
0xb: {  	[smem:$0x3FA6] =	sst s3  }
0xc: {  	[smem:$0x3FA7] =	sst s4  }
0xd: {  	[smem:$0x3FA8] =	sst s5  }
0xe: {  	[smem:$0x3FA9] =	sst s6  }
0xf: {  	[smem:$0x3FAA] =	sst s7  }
0x10: {  	[smem:$0x3FAB] =	sst s8  }
0x11: {  	[smem:$0x3FAC] =	sst s9;
	s0 =	simm.s32 @!p0 $0x0  }
0x12: {  	s1 =	sld [smem:$0x3F92];
	s0 =	simm.s32 @p0 $0x1  }
0x13: {  	[smem:$0x3FAD] =	sst s0;
	s0 =	simm.s32 @!p1 $0x0  }
0x14: {  	s2 =	sld [smem:$0x3F91];
	s0 =	simm.s32 @p1 $0x1  }
0x15: {  	[smem:$0x3FAE] =	sst s0;
	s0 =	simm.s32 @!p2 $0x0  }
0x16: {  	s3 =	sld [smem:$0x3FDB];
	s0 =	simm.s32 @p2 $0x1  }
0x17: {  	s4 =	simm.s32 $0x1BF5;
	[smem:$0x3FB0] =	sst s0  }
0x18: {  	s0 =	sld [smem:$0x3F93];
	_ =	swait.ge [sflag:s4], $0x0  }
0x19: {  	s7 =	sld [smem:$0x3F94]  }
0x1a: {  	s8 =	sadd.s32 $0xFFFFE003, lr  }
0x1b: {  	s9 =	sadd.s32 $0xFFFFFEF7, lr;
	s5 =	simm.s32 $0xFFFFFFFF;
	p2 =	slt.u32 s8, $0xFFFFF086  }
0x1c: {  	p1 =	slt.u32 s9, $0xF7A;
	s5 =	simm.s32 @!p2 $0x0  }
0x1d: {  	s5 =	simm.s32 @p1 $0x1;
	p0 =	seq.s32 s7, s2  }
0x1e: {  	s7 =	smul.u32 @!p0 $0xF7A, s2;
	p2 =	seq.s32 @!p0 s5, $0x0  }
0x1f: {  	s9 =	smul.u32 $0xF7A, s1;
	s8 =	simm.s32 @!p0 $0x1BF5;
	p2 =	por !p2, p0  }
0x20: {  	[sflag:s8] =	ssyncset.s32 @!p0 $0xFFFFF086;
	s6 =	sadd.s32 @!p0 s3, s7;
	s7 =	simm.s32 @!p0 $0x108  }
0x21: {  	s3 =	sadd.s32 s3, s9;
	s6 =	sadd.s32 @!p0 $0x88, s6;
	s7 =	simm.s32 @p2 $0x1082  }
0x22: {  	[simem:s7], [sflag:s8] =	dma.local @!p0 [hbm:s6], $0xF7A  }
0x23: {  	s9 =	sor.u32 $0xD0000000, s2;
	s6 =	simm.s32 $0x108;
	_ =	swait.ge @!p0 [sflag:s8], $0x0  }
0x24: {  	s3 =	sadd.s32 $0x88, s3;
	s6 =	simm.s32 @!p1 $0x1082;
	[sflag:s4] =	ssyncset.s32 $0xFFFFF086  }
0x25: {  	[simem:s6], [sflag:s4] =	dma.local [hbm:s3], $0xF7A  }
0x26: {  	[smem:$0x3F94] =	sst s1;
	(tag) =	ssettag s2;
	_ =	strace s9  }
0x27: {  	s1 =	sld [smem:$0x3FA4]  }
0x28: {  	s2 =	sld [smem:$0x3FA5]  }
0x29: {  	s4 =	sld [smem:$0x3FA7]  }
0x2a: {  	p0 =	seq.s32 s5, $0x0;
	s5 =	sld [smem:$0x3FA8]  }
0x2b: {  	s6 =	sld [smem:$0x3FA9]  }
0x2c: {  	s7 =	sld [smem:$0x3FAA]  }
0x2d: {  	s3 =	simm.s32 $0x108;
	s8 =	sld [smem:$0x3FAB]  }
0x2e: {  	s3 =	simm.s32 @!p0 $0x1082;
	s9 =	sld [smem:$0x3FAC]  }
0x2f: {  	lr =	sadd.s32 s0, s3;
	s0 =	sld [smem:$0x3FA3]  }
0x30: {  	s3 =	sld [smem:$0x3FA6]  }
0x31: {  	[smem:$0x3FAF] =	sst s10  }
0x32: {  	s10 =	sld [smem:$0x3FAD];
	_ =	sdelay $0x3  }
0x33: {  	p0 =	seq.s32 s10, $0x1;
	s10 =	sld [smem:$0x3FAF];
	_ =	sdelay $0x3  }
0x34: {  	[smem:$0x3FAF] =	sst s10  }
0x35: {  	s10 =	sld [smem:$0x3FAE];
	_ =	sdelay $0x3  }
0x36: {  	p1 =	seq.s32 s10, $0x1;
	s10 =	sld [smem:$0x3FAF];
	_ =	sdelay $0x3  }
0x37: {  	[smem:$0x3FAF] =	sst s10  }
0x38: {  	s10 =	sld [smem:$0x3FB0]  }
0x39: {  	_ = 	snop;
	(pc) =	sbr.ind lr, $3  }
0x3a: {  	_ = 	snop  }
0x3b: {  	_ = 	snop  }
0x3c: {  	p2 =	seq.s32 s10, $0x1;
	s10 =	sld [smem:$0x3FAF]  }
0x3d: {  	_ =	shalt  }
0x3e: {  	_ =	shalt  }
0x3f: {  	_ =	shalt  }
0x40: {  	_ =	shalt  }
0x41: {  	_ =	shalt  }
0x42: {  	_ =	shalt  }
0x43: {  	_ =	shalt  }
0x44: {  	_ =	shalt  }
0x45: {  	_ =	shalt  }
0x46: {  	_ =	shalt  }
0x47: {  	_ =	shalt  }
0x48: {  	_ =	shalt  }
0x49: {  	_ =	shalt  }
0x4a: {  	_ =	shalt  }
0x4b: {  	_ =	shalt  }
0x4c: {  	_ =	shalt  }
0x4d: {  	_ =	shalt  }
0x4e: {  	_ =	shalt  }
0x4f: {  	_ =	shalt  }
0x50: {  	_ =	shalt  }
0x51: {  	_ =	shalt  }
0x52: {  	_ =	shalt  }
0x53: {  	_ =	shalt  }
0x54: {  	_ =	shalt  }
0x55: {  	_ =	shalt  }
0x56: {  	_ =	shalt  }
0x57: {  	_ =	shalt  }
0x58: {  	_ =	shalt  }
0x59: {  	_ =	shalt  }
0x5a: {  	_ =	shalt  }
0x5b: {  	_ =	shalt  }
0x5c: {  	_ =	shalt  }
0x5d: {  	_ =	shalt  }
0x5e: {  	_ =	shalt  }
0x5f: {  	_ =	shalt  }
0x60: {  	_ =	shalt  }
0x61: {  	_ =	shalt  }
0x62: {  	_ =	shalt  }
0x63: {  	_ =	shalt  }
0x64: {  	_ =	shalt  }
0x65: {  	_ =	shalt  }
0x66: {  	_ =	shalt  }
0x67: {  	_ =	shalt  }
0x68: {  	_ =	shalt  }
0x69: {  	_ =	shalt  }
0x6a: {  	_ =	shalt  }
0x6b: {  	_ =	shalt  }
0x6c: {  	_ =	shalt  }
0x6d: {  	_ =	shalt  }
0x6e: {  	_ =	shalt  }
0x6f: {  	_ =	shalt  }
0x70: {  	_ =	shalt  }
0x71: {  	_ =	shalt  }
0x72: {  	_ =	shalt  }
0x73: {  	_ =	shalt  }
0x74: {  	_ =	shalt  }
0x75: {  	_ =	shalt  }
0x76: {  	_ =	shalt  }
0x77: {  	_ =	shalt  }
0x78: {  	_ =	shalt  }
0x79: {  	_ =	shalt  }
0x7a: {  	_ =	shalt  }
0x7b: {  	_ =	shalt  }
0x7c: {  	_ =	shalt  }
0x7d: {  	_ =	shalt  }
0x7e: {  	_ =	shalt  }
0x7f: {  	_ =	shalt  }
0x80: {  	_ =	shalt  }
0x81: {  	_ =	shalt  }
0x82: {  	_ =	shalt  }
0x83: {  	_ =	shalt  }
0x84: {  	_ =	shalt  }
0x85: {  	_ =	shalt  }
0x86: {  	_ =	shalt  }
0x87: {  	_ =	shalt  }
.Lfunc_end0:
.L_simem_size_0:
called_computation.3_lowered:
.L_overlay_start_0:
0x88: {  	s2 =	sld [smem:$0x3FD9]  }
0x89: {  	s3 =	sld [smem:$0x3FFE];
	_ =	sdelay $0x1  }
0x8a: {  	s1 =	srdreg.scid  }
0x8b: {  	s0 =	sand.u32 $0x1, s1  }
0x8c: {  	s16 =	sshll.u32 s0, $0xA;
	s2 =	sadd.s32 s3, s2  }
0x8d: {  	s2 =	sadd.s32 s2, s16  }
0x8e: {  	[smem:$0x3FBB] =	sst s2  }
0x8f: {  	_ = 	snop  }
0x90: {  	(tm) =	ssettm $0x1  }
0x91: {  	s17 =	sld [smem:$0x3FFB];
	_ =	sdelay $0x3  }
0x92: {  	_ =	strace s17  }
0x93: {  	s2 =	sld [smem:$0x3FFC];
	_ =	sdelay $0x3  }
0x94: {  	_ =	strace s2  }
0x95: {  	s2 =	sld [smem:$0x3FFD];
	_ =	sdelay $0x3  }
0x96: {  	_ =	strace s2  }
0x97: {  	_ =	strace $0x8FFFFFFF  }
0x98: {  	s18 =	sld [smem:$0x3FDB];
	_ =	sdelay $0x1  }
0x99: {  	s19 =	simm.s32 $_scs_section_size  }
0x9a: {  	s4 =	simm.s32 $_size__tile_overlayer_lowered;
	s5 =	simm.s32 $_tile_overlayer_lowered  }
0x9b: {  	s22 =	simm.s32 $0x1BFF;
	s21 =	sshll.u32 s5, $0x1;
	s2 =	sadd.s32 s19, s18  }
0x9c: {  	s6 =	simm.s32 $0x0;
	s20 =	sshll.u32 s4, $0x1;
	s4 =	sadd.s32 s21, s2  }
0x9d: {  	[timem:s6], [sflag:s22] =	dma.local [hbm:s4], s20  }
0x9e: {  	_ =	swait.ge [sflag:s22], s20  }
0x9f: {  	s3 =	ssub.s32 $0x0, s20;
	[sflag:s22] =	ssyncset.done $0x0  }
0xa0: {  	[sflag:s22] =	ssyncadd.s32 s3;
	_ =	sdelay $0x1  }
0xa1: {  	s23 =	simm.s32 $0x1B8B  }
0xa2: {  	_ =	swait.ge [sflag:s23], $0x1  }
0xa3: {  	[sflag:s23] =	ssyncset.done $0x0  }
0xa4: {  	s25 =	simm.s32 $0x1B8E;
	s24 =	sld [smem:$0x3FFE];
	[sflag:s23] =	ssyncadd.s32 $0xFFFFFFFF  }
0xa5: {  	s26 =	simm.s32 $execute0_lowered;
	[smem:$0x3FD2] =	sst s25  }
0xa6: {  	s4 =	sshll.u32 s26, $0x1;
	_ =	strace $0x8000004F;
	[dreg:$0x1] =	wrdreg $0xFFFFFFFF  }
0xa7: {  	s28 =	simm.s32 $_size_execute0_lowered;
	s2 =	sadd.s32 s2, s4;
	[dreg:$0x0] =	wrdreg $0x0  }
0xa8: {  	s4 =	sshll.u32 s28, $0x1;
	[dreg:$0x2] =	wrdreg s2  }
0xa9: {  	[dreg:$0x3] =	wrdreg s4  }
0xaa: {  	[dreg:$0x4] =	wrdreg $0xC0  }
0xab: {  	_ =	task [dreg:s6], $0x5FFFF  }
0xac: {  	[dreg:$0x1] =	wrdreg $0xFFFFFFFF  }
0xad: {  	[dreg:$0x0] =	wrdreg $0x60  }
0xae: {  	[dreg:$0x2] =	wrdreg s24  }
0xaf: {  	[dreg:$0x3] =	wrdreg $0x88000  }
0xb0: {  	[dreg:$0x4] =	wrdreg $0x9  }
0xb1: {  	_ =	task.clear_ibuf [dreg:s6], $0x5FFFF;
	_ =	strace $0x9000004F  }
0xb2: {  	s29 =	simm.s32 $0x9;
	_ =	strace $0x80000051  }
0xb3: {  	_ =	swait.ge [sflag:s29], $0x1  }
0xb4: {  	[sflag:s29] =	ssyncadd.s32 $0xFFFFFFFF  }
0xb5: {  	_ =	strace $0x90000051  }
0xb6: {  	_ =	sfence  }
0xb7: {  	s30 =	sld [smem:$0x0];
	_ =	sdelay $0x2  }
0xb8: {  	s31 =	sshll.u32 s1, $0xD;
	s1 =	sshrl.u32 s1, $0x2  }
0xb9: {  	s3 =	sand.u32 $0x4000, s31;
	s1 =	sadd.s32 s1, s30  }
0xba: {  	s0 =	sor.u32 s3, s0;
	s1 =	sshll.u32 s1, $0x11  }
0xbb: {  	s0 =	sor.u32 s1, s0  }
0xbc: {  	s0 =	sadd.s32 $0x8F2B, s0  }
0xbd: {  	[sflag:s0] =	ssyncadd.remote.s32 $0x1  }
0xbe: {  	_ =	sfence.sel $0xFFFF  }
0xbf: {  	[dreg:$0x0] =	wrdreg $0xFFFFFFFF;
	(pc) =	sbr.abs _section_cstart, $3  }
0xc0: {  	[dreg:$0x1] =	wrdreg $0xFFFFFFFF  }
0xc1: {  	_ =	task.clear_ibuf [dreg:s6], $0x2FFFF;
	_ =	strace $0x9FFFFFFF  }
0xc2: {  	(tm) =	ssettm $0x7FFFFFFF  }
0xc3: {  	_ =	shalt  }
tec
execute0_lowered:
.L_overlay_start_1:
0x0: {  	(tag) =	ssettag $0x1  }
0x1: {  	s0 =	srdreg.scid;
	s1 =	rddreg [dreg:$0x0]  }
0x2: {  	s10 =	stileid.u32;
	s2 =	rddreg [dreg:$0x1]  }
0x3: {  	s3 =	simm.s32 $0x0;
	s12 =	simm.s32 $0x3;
	s13 =	simm.s32 $0x400  }
0x4: {  	s14 =	simm.s32 $0x80;
	s15 =	simm.s32 $0x800;
	s16 =	simm.s32 $0x4800  }
0x5: {  	s17 =	simm.s32 $0x1;
	s18 =	simm.s32 $0x100;
	s19 =	simm.s32 $0x2  }
0x6: {  	s20 =	simm.s32 $0x480;
	s21 =	simm.s32 $0x180;
	s4 =	smul.u32 $0x5000, s10  }
0x7: {  	s28 =	simm.s32 $0x300;
	s29 =	simm.s32 $0x680;
	s22 =	smul.u32 $0x14000, s10  }
0x8: {  	s30 =	simm.s32 $0x380;
	s0 =	sand.u32 $0x1, s0;
	s24 =	smul.u32 $0x50000, s10  }
0x9: {  	s31 =	simm.s32 $0x700;
	[smem:$0x7FF] =	sst s3;
	s5 =	smul.u32 $0x2800, s0  }
0xa: {  	s26 =	sshll.u32 s10, $0x6;
	s7 =	smul.u32 $0x140000, s0;
	s0 =	ssub.s32 $0x2, s0  }
0xb: {  	_ =	strace $0x80000050;
	s23 =	sshrl.u32 s22, $0x3;
	s9 =	sshrl.u32 s0, $0x1  }
0xc: {  	s25 =	sshrl.u32 s24, $0x2;
	s24 =	simm.s32 $0x580;
	s4 =	sadd.s32 s5, s4  }
0xd: {  	s5 =	sadd.s32 s22, s7;
	s0 =	ssub.s32 s0, s9;
	s22 =	simm.s32 $0x500  }
0xe: {  	s6 =	sshrl.u32 s4, $0x3;
	s4 =	sadd.s32 $0x37600, s1;
	s5 =	sshrl.u32 s5, $0x3  }
0xf: {  	s0 =	smax.u32 s0, $0x1;
	s8 =	sadd.s32 s6, s1;
	s6 =	sadd.s32 s23, s1  }
0x10: {  	s1 =	sadd.s32 s5, s1;
	s5 =	sadd.s32 s25, s2;
	[dreg:$0x6] =	wrdreg s0  }
0x11: {  	s23 =	simm.s32 $0x200;
	s25 =	simm.s32 $0x280;
	s6 =	sadd.s32 $0xF600, s6  }
0x12: {  	s0 =	simm.s32 $0x0;
	s1 =	sadd.s32 $0x91E00, s1;
	[dreg:$0x3] =	wrdreg s6  }
0x13: {  	s9 =	sadd.s32 $0x5600, s8;
	s7 =	sshrl.u32 s5, $0x3;
	[dreg:$0x5] =	wrdreg s1  }
0x14: {  	s10 =	sadd.s32 $0x87E00, s8;
	s6 =	sor.u32 $0x1C03, s26;
	[dreg:$0x7] =	wrdreg s7  }
0x15: {  	s26 =	simm.s32 $0x600;
	s1 =	simm.s32 $0x780;
	[dreg:$0x4] =	wrdreg s6  }
.LBB2_1:
0x16: {  	s5 =	rddreg [dreg:$0x3]  }
0x17: {  	[spmem:s7], [sflag:s6] =	dma.local [hbm:s5], $0x2800  }
0x18: {  	_ =	swait.ge [sflag:s12], $0x2800  }
0x19: {  	[sflag:s12] =	ssyncset.done $0x0  }
0x1a: {  	[sflag:s12] =	ssyncadd.s32 $0xFFFFD800  }
0x1b: {  	s8 =	sadd.s32 $0x0, s10;
	[bflag:$0x0] =	sbarrier.arrive $0xFFFF  }
0x1c: {  	[tilespmem:s3], [sflag:$0x3] =	stream.linear.gather [hbm4b:s8+s3], $0x400, $0x38;
	[tilespmem:$0x1C800] =	vst v63  }
0x1d: {  	_ =	swait.ge [sflag:s12], $0x400  }
0x1e: {  	[sflag:s12] =	ssyncset.done $0x0  }
0x1f: {  	s11 =	sadd.s32 $0x0, s9;
	[sflag:s12] =	ssyncadd.s32 $0xFFFFFC00  }
0x20: {  	[tilespmem:s13], [sflag:$0x3] =	stream.linear.gather [hbm4b:s11+s3], $0x400, $0x38;
	[tilespmem:$0x1C800] =	vst v63  }
0x21: {  	_ =	swait.ge [sflag:s12], $0x400  }
0x22: {  	[sflag:s12] =	ssyncset.done $0x0  }
0x23: {  	[sflag:s12] =	ssyncadd.s32 $0xFFFFFC00  }
0x24: {  	[tilespmem:s15], [sflag:$0x1] =	stream.indirect.gather [hbm4b:s4+s14], $0x80, s3, s14, $0xb8;
	[tilespmem:$0x1C800] =	vst v63  }
0x25: {  	_ = 	snop  }
0x26: {  	[tilespmem:s16], [sflag:$0x2] =	stream.indirect.gather [hbm4b:s4+s14], $0x80, s14, s14, $0xb8;
	[tilespmem:$0x1C800] =	vst v63  }
0x27: {  	_ =	swait.ge [sflag:s17], $0x4000  }
0x28: {  	[sflag:s17] =	ssyncset.done $0x0  }
0x29: {  	[sflag:s17] =	ssyncadd.s32 $0xFFFFC000  }
0x2a: {  	[spmem:s2] =	stream.indirect.scatter.add.f32 [tilespmem:s15], [sflag:$0x3], $0x80, s13, s14, $0xb8;
	[tilespmem:$0x1C800] =	vst v63  }
0x2b: {  	_ =	swait.ge [sflag:s12], $0x4000  }
0x2c: {  	[sflag:s12] =	ssyncset.done $0x0  }
0x2d: {  	[sflag:s12] =	ssyncadd.s32 $0xFFFFC000  }
0x2e: {  	[tilespmem:s15], [sflag:$0x1] =	stream.indirect.gather [hbm4b:s4+s14], $0x80, s18, s14, $0xb8;
	[tilespmem:$0x1C800] =	vst v63  }
0x2f: {  	_ =	swait.ge [sflag:s19], $0x4000  }
0x30: {  	[sflag:s19] =	ssyncset.done $0x0  }
0x31: {  	[sflag:s19] =	ssyncadd.s32 $0xFFFFC000  }
0x32: {  	[spmem:s2] =	stream.indirect.scatter.add.f32 [tilespmem:s16], [sflag:$0x3], $0x80, s20, s14, $0xb8;
	[tilespmem:$0x1C800] =	vst v63  }
0x33: {  	_ =	swait.ge [sflag:s12], $0x4000  }
0x34: {  	[sflag:s12] =	ssyncset.done $0x0  }
0x35: {  	[sflag:s12] =	ssyncadd.s32 $0xFFFFC000  }
0x36: {  	[tilespmem:s16], [sflag:$0x2] =	stream.indirect.gather [hbm4b:s4+s14], $0x80, s21, s14, $0xb8;
	[tilespmem:$0x1C800] =	vst v63  }
0x37: {  	_ =	swait.ge [sflag:s17], $0x4000  }
0x38: {  	[sflag:s17] =	ssyncset.done $0x0  }
0x39: {  	[sflag:s17] =	ssyncadd.s32 $0xFFFFC000  }
0x3a: {  	[spmem:s2] =	stream.indirect.scatter.add.f32 [tilespmem:s15], [sflag:$0x3], $0x80, s22, s14, $0xb8;
	[tilespmem:$0x1C800] =	vst v63  }
0x3b: {  	_ =	swait.ge [sflag:s12], $0x4000  }
0x3c: {  	[sflag:s12] =	ssyncset.done $0x0  }
0x3d: {  	[sflag:s12] =	ssyncadd.s32 $0xFFFFC000  }
0x3e: {  	[tilespmem:s15], [sflag:$0x1] =	stream.indirect.gather [hbm4b:s4+s14], $0x80, s23, s14, $0xb8;
	[tilespmem:$0x1C800] =	vst v63  }
0x3f: {  	_ =	swait.ge [sflag:s19], $0x4000  }
0x40: {  	[sflag:s19] =	ssyncset.done $0x0  }
0x41: {  	[sflag:s19] =	ssyncadd.s32 $0xFFFFC000  }
0x42: {  	[spmem:s2] =	stream.indirect.scatter.add.f32 [tilespmem:s16], [sflag:$0x3], $0x80, s24, s14, $0xb8;
	[tilespmem:$0x1C800] =	vst v63  }
0x43: {  	_ =	swait.ge [sflag:s12], $0x4000  }
0x44: {  	[sflag:s12] =	ssyncset.done $0x0  }
0x45: {  	[sflag:s12] =	ssyncadd.s32 $0xFFFFC000  }
0x46: {  	[tilespmem:s16], [sflag:$0x2] =	stream.indirect.gather [hbm4b:s4+s14], $0x80, s25, s14, $0xb8;
	[tilespmem:$0x1C800] =	vst v63  }
0x47: {  	_ =	swait.ge [sflag:s17], $0x4000  }
0x48: {  	[sflag:s17] =	ssyncset.done $0x0  }
0x49: {  	[sflag:s17] =	ssyncadd.s32 $0xFFFFC000  }
0x4a: {  	[spmem:s2] =	stream.indirect.scatter.add.f32 [tilespmem:s15], [sflag:$0x3], $0x80, s26, s14, $0xb8;
	[tilespmem:$0x1C800] =	vst v63  }
0x4b: {  	_ =	swait.ge [sflag:s12], $0x4000  }
0x4c: {  	[sflag:s12] =	ssyncset.done $0x0  }
0x4d: {  	[sflag:s12] =	ssyncadd.s32 $0xFFFFC000  }
0x4e: {  	[tilespmem:s15], [sflag:$0x1] =	stream.indirect.gather [hbm4b:s4+s14], $0x80, s28, s14, $0xb8;
	[tilespmem:$0x1C800] =	vst v63  }
0x4f: {  	_ =	swait.ge [sflag:s19], $0x4000  }
0x50: {  	[sflag:s19] =	ssyncset.done $0x0  }
0x51: {  	[sflag:s19] =	ssyncadd.s32 $0xFFFFC000  }
0x52: {  	[spmem:s2] =	stream.indirect.scatter.add.f32 [tilespmem:s16], [sflag:$0x3], $0x80, s29, s14, $0xb8;
	[tilespmem:$0x1C800] =	vst v63  }
0x53: {  	_ =	swait.ge [sflag:s12], $0x4000  }
0x54: {  	[sflag:s12] =	ssyncset.done $0x0  }
0x55: {  	[sflag:s12] =	ssyncadd.s32 $0xFFFFC000  }
0x56: {  	[tilespmem:s16], [sflag:$0x2] =	stream.indirect.gather [hbm4b:s4+s14], $0x80, s30, s14, $0xb8;
	[tilespmem:$0x1C800] =	vst v63  }
0x57: {  	_ =	swait.ge [sflag:s17], $0x4000  }
0x58: {  	[sflag:s17] =	ssyncset.done $0x0  }
0x59: {  	[sflag:s17] =	ssyncadd.s32 $0xFFFFC000  }
0x5a: {  	[spmem:s2] =	stream.indirect.scatter.add.f32 [tilespmem:s15], [sflag:$0x3], $0x80, s31, s14, $0xb8;
	[tilespmem:$0x1C800] =	vst v63  }
0x5b: {  	_ =	swait.ge [sflag:s12], $0x4000  }
0x5c: {  	[sflag:s12] =	ssyncset.done $0x0  }
0x5d: {  	[sflag:s12] =	ssyncadd.s32 $0xFFFFC000  }
0x5e: {  	_ =	swait.ge [sflag:s19], $0x4000  }
0x5f: {  	[sflag:s19] =	ssyncset.done $0x0  }
0x60: {  	[sflag:s19] =	ssyncadd.s32 $0xFFFFC000  }
0x61: {  	[spmem:s2] =	stream.indirect.scatter.add.f32 [tilespmem:s16], [sflag:$0x3], $0x80, s1, s14, $0xb8;
	[tilespmem:$0x1C800] =	vst v63  }
0x62: {  	_ =	swait.ge [sflag:s12], $0x4000  }
0x63: {  	s5 =	simm.s32 $0x80;
	s7 =	simm.s32 $0x100;
	[sflag:s12] =	ssyncset.done $0x0  }
.LBB2_2:
0x64: {  	s6 =	sadd.s32 s5, s10  }
0x65: {  	[sflag:s12] =	ssyncadd.s32 $0xFFFFC000;
	s11 =	smov.u32 s7;
	s8 =	sadd.s32 $0x80, s7  }
0x66: {  	[tilespmem:s3], [sflag:$0x3] =	stream.linear.gather [hbm4b:s6+s3], $0x400, $0x38;
	[tilespmem:$0x1C800] =	vst v63  }
0x67: {  	p0 =	sne.s32 s7, $0x480;
	_ =	swait.ge [sflag:s12], $0x400  }
0x68: {  	[sflag:s12] =	ssyncset.done $0x0  }
0x69: {  	s6 =	sadd.s32 s5, s9;
	s5 =	smov.u32 s11;
	[sflag:s12] =	ssyncadd.s32 $0xFFFFFC00  }
0x6a: {  	[tilespmem:s13], [sflag:$0x3] =	stream.linear.gather [hbm4b:s6+s3], $0x400, $0x38;
	[tilespmem:$0x1C800] =	vst v63  }
0x6b: {  	_ =	swait.ge [sflag:s12], $0x400  }
0x6c: {  	[sflag:s12] =	ssyncset.done $0x0  }
0x6d: {  	[sflag:s12] =	ssyncadd.s32 $0xFFFFFC00  }
0x6e: {  	[tilespmem:s15], [sflag:$0x1] =	stream.indirect.gather [hbm4b:s4+s14], $0x80, s3, s14, $0xb8;
	[tilespmem:$0x1C800] =	vst v63  }
0x6f: {  	_ = 	snop  }
0x70: {  	[tilespmem:s16], [sflag:$0x2] =	stream.indirect.gather [hbm4b:s4+s14], $0x80, s14, s14, $0xb8;
	[tilespmem:$0x1C800] =	vst v63  }
0x71: {  	_ =	swait.ge [sflag:s17], $0x4000  }
0x72: {  	[sflag:s17] =	ssyncset.done $0x0  }
0x73: {  	[sflag:s17] =	ssyncadd.s32 $0xFFFFC000  }
0x74: {  	[spmem:s2] =	stream.indirect.scatter.add.f32 [tilespmem:s15], [sflag:$0x3], $0x80, s13, s14, $0xb8;
	[tilespmem:$0x1C800] =	vst v63  }
0x75: {  	_ =	swait.ge [sflag:s12], $0x4000  }
0x76: {  	[sflag:s12] =	ssyncset.done $0x0  }
0x77: {  	[sflag:s12] =	ssyncadd.s32 $0xFFFFC000  }
0x78: {  	[tilespmem:s15], [sflag:$0x1] =	stream.indirect.gather [hbm4b:s4+s14], $0x80, s18, s14, $0xb8;
	[tilespmem:$0x1C800] =	vst v63  }
0x79: {  	_ =	swait.ge [sflag:s19], $0x4000  }
0x7a: {  	[sflag:s19] =	ssyncset.done $0x0  }
0x7b: {  	[sflag:s19] =	ssyncadd.s32 $0xFFFFC000  }
0x7c: {  	[spmem:s2] =	stream.indirect.scatter.add.f32 [tilespmem:s16], [sflag:$0x3], $0x80, s20, s14, $0xb8;
	[tilespmem:$0x1C800] =	vst v63  }
0x7d: {  	_ =	swait.ge [sflag:s12], $0x4000  }
0x7e: {  	[sflag:s12] =	ssyncset.done $0x0  }
0x7f: {  	[sflag:s12] =	ssyncadd.s32 $0xFFFFC000  }
0x80: {  	[tilespmem:s16], [sflag:$0x2] =	stream.indirect.gather [hbm4b:s4+s14], $0x80, s21, s14, $0xb8;
	[tilespmem:$0x1C800] =	vst v63  }
0x81: {  	_ =	swait.ge [sflag:s17], $0x4000  }
0x82: {  	[sflag:s17] =	ssyncset.done $0x0  }
0x83: {  	[sflag:s17] =	ssyncadd.s32 $0xFFFFC000  }
0x84: {  	[spmem:s2] =	stream.indirect.scatter.add.f32 [tilespmem:s15], [sflag:$0x3], $0x80, s22, s14, $0xb8;
	[tilespmem:$0x1C800] =	vst v63  }
0x85: {  	_ =	swait.ge [sflag:s12], $0x4000  }
0x86: {  	[sflag:s12] =	ssyncset.done $0x0  }
0x87: {  	[sflag:s12] =	ssyncadd.s32 $0xFFFFC000  }
0x88: {  	[tilespmem:s15], [sflag:$0x1] =	stream.indirect.gather [hbm4b:s4+s14], $0x80, s23, s14, $0xb8;
	[tilespmem:$0x1C800] =	vst v63  }
0x89: {  	_ =	swait.ge [sflag:s19], $0x4000  }
0x8a: {  	[sflag:s19] =	ssyncset.done $0x0  }
0x8b: {  	[sflag:s19] =	ssyncadd.s32 $0xFFFFC000  }
0x8c: {  	[spmem:s2] =	stream.indirect.scatter.add.f32 [tilespmem:s16], [sflag:$0x3], $0x80, s24, s14, $0xb8;
	[tilespmem:$0x1C800] =	vst v63  }
0x8d: {  	_ =	swait.ge [sflag:s12], $0x4000  }
0x8e: {  	[sflag:s12] =	ssyncset.done $0x0  }
0x8f: {  	[sflag:s12] =	ssyncadd.s32 $0xFFFFC000  }
0x90: {  	[tilespmem:s16], [sflag:$0x2] =	stream.indirect.gather [hbm4b:s4+s14], $0x80, s25, s14, $0xb8;
	[tilespmem:$0x1C800] =	vst v63  }
0x91: {  	_ =	swait.ge [sflag:s17], $0x4000  }
0x92: {  	[sflag:s17] =	ssyncset.done $0x0  }
0x93: {  	[sflag:s17] =	ssyncadd.s32 $0xFFFFC000  }
0x94: {  	[spmem:s2] =	stream.indirect.scatter.add.f32 [tilespmem:s15], [sflag:$0x3], $0x80, s26, s14, $0xb8;
	[tilespmem:$0x1C800] =	vst v63  }
0x95: {  	_ =	swait.ge [sflag:s12], $0x4000  }
0x96: {  	[sflag:s12] =	ssyncset.done $0x0  }
0x97: {  	[sflag:s12] =	ssyncadd.s32 $0xFFFFC000  }
0x98: {  	[tilespmem:s15], [sflag:$0x1] =	stream.indirect.gather [hbm4b:s4+s14], $0x80, s28, s14, $0xb8;
	[tilespmem:$0x1C800] =	vst v63  }
0x99: {  	_ =	swait.ge [sflag:s19], $0x4000  }
0x9a: {  	[sflag:s19] =	ssyncset.done $0x0  }
0x9b: {  	[sflag:s19] =	ssyncadd.s32 $0xFFFFC000  }
0x9c: {  	[spmem:s2] =	stream.indirect.scatter.add.f32 [tilespmem:s16], [sflag:$0x3], $0x80, s29, s14, $0xb8;
	[tilespmem:$0x1C800] =	vst v63  }
0x9d: {  	_ =	swait.ge [sflag:s12], $0x4000  }
0x9e: {  	[sflag:s12] =	ssyncset.done $0x0  }
0x9f: {  	[sflag:s12] =	ssyncadd.s32 $0xFFFFC000  }
0xa0: {  	[tilespmem:s16], [sflag:$0x2] =	stream.indirect.gather [hbm4b:s4+s14], $0x80, s30, s14, $0xb8;
	[tilespmem:$0x1C800] =	vst v63  }
0xa1: {  	_ =	swait.ge [sflag:s17], $0x4000  }
0xa2: {  	[sflag:s17] =	ssyncset.done $0x0  }
0xa3: {  	[sflag:s17] =	ssyncadd.s32 $0xFFFFC000  }
0xa4: {  	[spmem:s2] =	stream.indirect.scatter.add.f32 [tilespmem:s15], [sflag:$0x3], $0x80, s31, s14, $0xb8;
	[tilespmem:$0x1C800] =	vst v63  }
0xa5: {  	_ =	swait.ge [sflag:s12], $0x4000  }
0xa6: {  	[sflag:s12] =	ssyncset.done $0x0  }
0xa7: {  	[sflag:s12] =	ssyncadd.s32 $0xFFFFC000  }
0xa8: {  	_ =	swait.ge [sflag:s19], $0x4000  }
.Ltmp0:
0xa9: {  	[sflag:s19] =	ssyncset.done $0x0;
	(pc) =	sbr.rel @p0 .LBB2_2-.Ltmp0, $4  }
0xaa: {  	[sflag:s19] =	ssyncadd.s32 $0xFFFFC000  }
0xab: {  	[spmem:s2] =	stream.indirect.scatter.add.f32 [tilespmem:s16], [sflag:$0x3], $0x80, s1, s14, $0xb8;
	[tilespmem:$0x1C800] =	vst v63  }
0xac: {  	_ =	swait.ge [sflag:s12], $0x4000  }
0xad: {  	s7 =	smov.u32 s8;
	[sflag:s12] =	ssyncset.done $0x0  }
0xae: {  	s6 =	sadd.s32 s5, s10;
	[sflag:s12] =	ssyncadd.s32 $0xFFFFC000  }
0xaf: {  	[tilespmem:s3], [sflag:$0x3] =	stream.linear.gather [hbm4b:s6+s3], $0x400, $0x38;
	[tilespmem:$0x1C800] =	vst v63  }
0xb0: {  	_ =	swait.ge [sflag:s12], $0x400  }
0xb1: {  	[sflag:s12] =	ssyncset.done $0x0  }
0xb2: {  	s7 =	sadd.s32 s5, s9;
	[sflag:s12] =	ssyncadd.s32 $0xFFFFFC00  }
0xb3: {  	[tilespmem:s13], [sflag:$0x3] =	stream.linear.gather [hbm4b:s7+s3], $0x400, $0x38;
	[tilespmem:$0x1C800] =	vst v63  }
0xb4: {  	_ =	swait.ge [sflag:s12], $0x400  }
0xb5: {  	[sflag:s12] =	ssyncset.done $0x0  }
0xb6: {  	[sflag:s12] =	ssyncadd.s32 $0xFFFFFC00  }
0xb7: {  	[tilespmem:s15], [sflag:$0x1] =	stream.indirect.gather [hbm4b:s4+s14], $0x80, s3, s14, $0xb8;
	[tilespmem:$0x1C800] =	vst v63  }
0xb8: {  	_ = 	snop  }
0xb9: {  	[tilespmem:s16], [sflag:$0x2] =	stream.indirect.gather [hbm4b:s4+s14], $0x80, s14, s14, $0xb8;
	[tilespmem:$0x1C800] =	vst v63  }
0xba: {  	_ =	swait.ge [sflag:s17], $0x4000  }
0xbb: {  	[sflag:s17] =	ssyncset.done $0x0  }
0xbc: {  	[sflag:s17] =	ssyncadd.s32 $0xFFFFC000  }
0xbd: {  	[spmem:s2] =	stream.indirect.scatter.add.f32 [tilespmem:s15], [sflag:$0x3], $0x80, s13, s14, $0xb8;
	[tilespmem:$0x1C800] =	vst v63  }
0xbe: {  	_ =	swait.ge [sflag:s12], $0x4000  }
0xbf: {  	[sflag:s12] =	ssyncset.done $0x0  }
0xc0: {  	[sflag:s12] =	ssyncadd.s32 $0xFFFFC000  }
0xc1: {  	[tilespmem:s15], [sflag:$0x1] =	stream.indirect.gather [hbm4b:s4+s14], $0x80, s18, s14, $0xb8;
	[tilespmem:$0x1C800] =	vst v63  }
0xc2: {  	_ =	swait.ge [sflag:s19], $0x4000  }
0xc3: {  	[sflag:s19] =	ssyncset.done $0x0  }
0xc4: {  	[sflag:s19] =	ssyncadd.s32 $0xFFFFC000  }
0xc5: {  	[spmem:s2] =	stream.indirect.scatter.add.f32 [tilespmem:s16], [sflag:$0x3], $0x80, s20, s14, $0xb8;
	[tilespmem:$0x1C800] =	vst v63  }
0xc6: {  	_ =	swait.ge [sflag:s12], $0x4000  }
0xc7: {  	[sflag:s12] =	ssyncset.done $0x0  }
0xc8: {  	[sflag:s12] =	ssyncadd.s32 $0xFFFFC000  }
0xc9: {  	[tilespmem:s16], [sflag:$0x2] =	stream.indirect.gather [hbm4b:s4+s14], $0x80, s21, s14, $0xb8;
	[tilespmem:$0x1C800] =	vst v63  }
0xca: {  	_ =	swait.ge [sflag:s17], $0x4000  }
0xcb: {  	[sflag:s17] =	ssyncset.done $0x0  }
0xcc: {  	[sflag:s17] =	ssyncadd.s32 $0xFFFFC000  }
0xcd: {  	[spmem:s2] =	stream.indirect.scatter.add.f32 [tilespmem:s15], [sflag:$0x3], $0x80, s22, s14, $0xb8;
	[tilespmem:$0x1C800] =	vst v63  }
0xce: {  	_ =	swait.ge [sflag:s12], $0x4000  }
0xcf: {  	[sflag:s12] =	ssyncset.done $0x0  }
0xd0: {  	[sflag:s12] =	ssyncadd.s32 $0xFFFFC000  }
0xd1: {  	[tilespmem:s15], [sflag:$0x1] =	stream.indirect.gather [hbm4b:s4+s14], $0x80, s23, s14, $0xb8;
	[tilespmem:$0x1C800] =	vst v63  }
0xd2: {  	_ =	swait.ge [sflag:s19], $0x4000  }
0xd3: {  	[sflag:s19] =	ssyncset.done $0x0  }
0xd4: {  	[sflag:s19] =	ssyncadd.s32 $0xFFFFC000  }
0xd5: {  	[spmem:s2] =	stream.indirect.scatter.add.f32 [tilespmem:s16], [sflag:$0x3], $0x80, s24, s14, $0xb8;
	[tilespmem:$0x1C800] =	vst v63  }
0xd6: {  	_ =	swait.ge [sflag:s12], $0x4000  }
0xd7: {  	[sflag:s12] =	ssyncset.done $0x0  }
0xd8: {  	[sflag:s12] =	ssyncadd.s32 $0xFFFFC000  }
0xd9: {  	[tilespmem:s16], [sflag:$0x2] =	stream.indirect.gather [hbm4b:s4+s14], $0x80, s25, s14, $0xb8;
	[tilespmem:$0x1C800] =	vst v63  }
0xda: {  	_ =	swait.ge [sflag:s17], $0x4000  }
0xdb: {  	[sflag:s17] =	ssyncset.done $0x0  }
0xdc: {  	[sflag:s17] =	ssyncadd.s32 $0xFFFFC000  }
0xdd: {  	[spmem:s2] =	stream.indirect.scatter.add.f32 [tilespmem:s15], [sflag:$0x3], $0x80, s26, s14, $0xb8;
	[tilespmem:$0x1C800] =	vst v63  }
0xde: {  	_ =	swait.ge [sflag:s12], $0x4000  }
0xdf: {  	[sflag:s12] =	ssyncset.done $0x0  }
0xe0: {  	[sflag:s12] =	ssyncadd.s32 $0xFFFFC000  }
0xe1: {  	[tilespmem:s15], [sflag:$0x1] =	stream.indirect.gather [hbm4b:s4+s14], $0x80, s28, s14, $0xb8;
	[tilespmem:$0x1C800] =	vst v63  }
0xe2: {  	_ =	swait.ge [sflag:s19], $0x4000  }
0xe3: {  	[sflag:s19] =	ssyncset.done $0x0  }
0xe4: {  	[sflag:s19] =	ssyncadd.s32 $0xFFFFC000  }
0xe5: {  	[spmem:s2] =	stream.indirect.scatter.add.f32 [tilespmem:s16], [sflag:$0x3], $0x80, s29, s14, $0xb8;
	[tilespmem:$0x1C800] =	vst v63  }
0xe6: {  	_ =	swait.ge [sflag:s12], $0x4000  }
0xe7: {  	[sflag:s12] =	ssyncset.done $0x0  }
0xe8: {  	[sflag:s12] =	ssyncadd.s32 $0xFFFFC000  }
0xe9: {  	[tilespmem:s16], [sflag:$0x2] =	stream.indirect.gather [hbm4b:s4+s14], $0x80, s30, s14, $0xb8;
	[tilespmem:$0x1C800] =	vst v63  }
0xea: {  	_ =	swait.ge [sflag:s17], $0x4000  }
0xeb: {  	[sflag:s17] =	ssyncset.done $0x0  }
0xec: {  	[sflag:s17] =	ssyncadd.s32 $0xFFFFC000  }
0xed: {  	[spmem:s2] =	stream.indirect.scatter.add.f32 [tilespmem:s15], [sflag:$0x3], $0x80, s31, s14, $0xb8;
	[tilespmem:$0x1C800] =	vst v63  }
0xee: {  	_ =	swait.ge [sflag:s12], $0x4000  }
0xef: {  	[sflag:s12] =	ssyncset.done $0x0  }
0xf0: {  	[sflag:s12] =	ssyncadd.s32 $0xFFFFC000  }
0xf1: {  	_ =	swait.ge [sflag:s19], $0x4000  }
0xf2: {  	[sflag:s19] =	ssyncset.done $0x0  }
0xf3: {  	[sflag:s19] =	ssyncadd.s32 $0xFFFFC000  }
0xf4: {  	[spmem:s2] =	stream.indirect.scatter.add.f32 [tilespmem:s16], [sflag:$0x3], $0x80, s1, s14, $0xb8;
	[tilespmem:$0x1C800] =	vst v63  }
0xf5: {  	_ =	swait.ge [sflag:s12], $0x4000  }
0xf6: {  	[sflag:s12] =	ssyncset.done $0x0  }
0xf7: {  	[sflag:s12] =	ssyncadd.s32 $0xFFFFC000  }
0xf8: {  	[bflag:$0x0] =	sbarrier.arrive $0xFFFF  }
0xf9: {  	s6 =	rddreg [dreg:$0x4]  }
0xfa: {  	s8 =	rddreg [dreg:$0x5]  }
0xfb: {  	s7 =	rddreg [dreg:$0x7]  }
0xfc: {  	[hbm:s8], [sflag:s6] =	dma.local [spmem:s7], $0x2800  }
0xfd: {  	_ =	swait.ge [sflag:s12], $0x2800  }
0xfe: {  	s0 =	sadd.s32 $0x1, s0;
	s11 =	rddreg [dreg:$0x6]  }
0xff: {  	p0 =	sne.s32 s0, s11  }
.Ltmp1:
0x100: {  	_ = 	snop;
	(pc) =	sbr.rel @p0 .LBB2_1-.Ltmp1, $3  }
0x101: {  	_ =	sdelay $0x1  }
0x102: {  	[sflag:s12] =	ssyncset.done $0x0  }
0x103: {  	[sflag:s12] =	ssyncadd.s32 $0xFFFFD800  }
0x104: {  	_ =	sfence.sel $0x180000  }
0x105: {  	[bflag:$0x0] =	sbarrier.arrive $0xFFFF  }
0x106: {  	_ =	strace $0x90000050  }
0x107: {  	s0 =	stileid.u32;
	[bflag:$0x2] =	sbarrier.arrive $0xFFFF  }
0x108: {  	p0 =	sne.s32 s0, $0x0;
	s0 =	rddreg [dreg:$0x2]  }
0x109: {  	s0 =	sadd.s32 @!p0 $0x100000, s0  }
0x10a: {  	[sflag:s0] =	ssyncadd.tile.s32 @!p0 $0x1;
	_ =	shalt  }
.Lfunc_end2:
_tile_overlayer_lowered:
.L_overlay_start_2:
0x10b: {  	(tag) =	ssettag $0x2  }
0x10c: {  	s0 =	rddreg [dreg:$0x0];
	s2 =	stileid.u32  }
0x10d: {  	s1 =	rddreg [dreg:$0x1];
	p0 =	sne.s32 s2, $0x0  }
0x10e: {  	s3 =	rddreg [dreg:$0x2];
	[bflag:$0x3] =	sbarrier.arrive $0xFFFF;
	s2 =	simm.s32 @!p0 $0x1C03  }
0x10f: {  	[timem:s3], [sflag:s2] =	dma.local @!p0 [hbm:s0], s1  }
0x110: {  	s0 =	simm.s32 @!p0 $0x3  }
0x111: {  	_ =	swait.ge @!p0 [sflag:s0], s1  }
0x112: {  	s1 =	ssub.s32 @!p0 $0x0, s1;
	[sflag:s0] =	ssyncset.done @!p0 $0x0  }
0x113: {  	[sflag:s0] =	ssyncadd.s32 @!p0 s1  }
0x114: {  	[bflag:$0x3] =	sbarrier.arrive $0xFFFF  }
0x115: {  	_ =	shalt  }

</sc_bundles>
